<compile_context>
chip_gen: v7x
topology: tpu7x:2x2x1
jax: 0.10.2.dev20260603
libtpu: 0.0.44.dev20260713+nightly
codegen_flags: <defaults>
</compile_context>

<pallas_src>
import functools

import jax
import jax.numpy as jnp
from jax import lax
from jax.experimental import pallas as pl
from jax.experimental.pallas import tpu as pltpu
from jax.experimental.pallas import tpu_sc as plsc

EMB_D = 64
BATCH = 16384
NC = 2
NS = 16
NW = NC * NS
B_W = BATCH // NW
CH = 128
NCHUNK = B_W // CH


def _permute(v, idx16):
    dnums = lax.GatherDimensionNumbers(
        offset_dims=(), collapsed_slice_dims=(0,), start_index_map=(0,))
    return lax.gather(v, idx16[:, None], dnums, slice_sizes=(1,),
                      mode=lax.GatherScatterMode.PROMISE_IN_BOUNDS)


def _mf_kernel(ids1_hbm, ids2_hbm, emb1_hbm, emb2_hbm, out_hbm,
               idx1_v, idx2_v, rows1_v, rows2_v, out_v, sem1, sem2):
    wid = lax.axis_index("s") * NC + lax.axis_index("c")

    pltpu.sync_copy(ids1_hbm.at[wid], idx1_v)
    pltpu.sync_copy(ids2_hbm.at[wid], idx2_v)

    lane = lax.iota(jnp.int32, 16)
    perms = [jnp.bitwise_xor(lane, s) for s in (8, 4, 2, 1)]

    def chunk_step(ci, _):
        base = ci * CH

        def issue(g, _):
            vec1 = idx1_v[pl.ds(base + g * 16, 16)]
            vec2 = idx2_v[pl.ds(base + g * 16, 16)]
            for r in range(16):
                j = g * 16 + r
                pltpu.async_copy(emb1_hbm.at[vec1[r]], rows1_v.at[j], sem1)
                pltpu.async_copy(emb2_hbm.at[vec2[r]], rows2_v.at[j], sem2)
            return 0

        lax.fori_loop(0, CH // 16, issue, 0)

        def drain(j, _):
            pltpu.make_async_copy(emb1_hbm.at[0], rows1_v.at[j], sem1).wait()
            pltpu.make_async_copy(emb2_hbm.at[0], rows2_v.at[j], sem2).wait()
            return 0

        lax.fori_loop(0, CH, drain, 0)

        def body(g, _):
            outvec = jnp.zeros((16,), jnp.float32)
            for r in range(16):
                j = g * 16 + r
                acc = rows1_v[j, pl.ds(0, 16)] * rows2_v[j, pl.ds(0, 16)]
                for c in range(1, EMB_D // 16):
                    acc = acc + (rows1_v[j, pl.ds(c * 16, 16)]
                                 * rows2_v[j, pl.ds(c * 16, 16)])
                for p in perms:
                    acc = acc + _permute(acc, p)
                outvec = jnp.where(lane == r, acc, outvec)
            out_v[pl.ds(base + g * 16, 16)] = outvec
            return 0

        lax.fori_loop(0, CH // 16, body, 0)
        return 0

    lax.fori_loop(0, NCHUNK, chunk_step, 0)

    pltpu.sync_copy(out_v, out_hbm.at[wid])


@jax.jit
def kernel(ids1, ids2, emb1, emb2):
    mesh = plsc.VectorSubcoreMesh(core_axis_name="c", subcore_axis_name="s",
                                  num_cores=NC, num_subcores=NS)
    k = functools.partial(
        pl.kernel,
        out_type=jax.ShapeDtypeStruct((NW, B_W), jnp.float32),
        mesh=mesh,
        scratch_types=[
            pltpu.VMEM((B_W,), jnp.int32),
            pltpu.VMEM((B_W,), jnp.int32),
            pltpu.VMEM((CH, EMB_D), jnp.float32),
            pltpu.VMEM((CH, EMB_D), jnp.float32),
            pltpu.VMEM((B_W,), jnp.float32),
            pltpu.SemaphoreType.DMA,
            pltpu.SemaphoreType.DMA,
        ],
    )(_mf_kernel)
    ids1_2d = ids1.astype(jnp.int32).reshape(NW, B_W)
    ids2_2d = ids2.astype(jnp.int32).reshape(NW, B_W)
    out = k(ids1_2d, ids2_2d, emb1, emb2)
    return out.reshape(BATCH, 1)

# --- scband reference (transcript-rebuilt; emitter-appended) ---
"""Pipeline reference for scband-mf-14336600834855 (READ-ONLY COPY).

The authoritative reference and input builder live on the scoring server;
editing this copy changes nothing except your own understanding.
"""

import jax, jax.numpy as jnp
import numpy as np

NUM_EMB1 = 1000000
NUM_EMB2 = 1000000
EMB_DIM = 64
BATCH = 16384

def setup_inputs(seed: int = 0) -> dict:
    key = jax.random.key(seed)
    k1, k2, k3, k4 = jax.random.split(key, 4)
    ids1 = jax.random.randint(k1, (BATCH,), 0, NUM_EMB1, dtype=jnp.int64 if jax.config.jax_enable_x64 else jnp.int32)
    ids2 = jax.random.randint(k2, (BATCH,), 0, NUM_EMB2, dtype=jnp.int64 if jax.config.jax_enable_x64 else jnp.int32)
    emb1 = jax.random.uniform(k3, (NUM_EMB1, EMB_DIM), dtype=jnp.float32, minval=-0.0001, maxval=0.0001)
    emb2 = jax.random.uniform(k4, (NUM_EMB2, EMB_DIM), dtype=jnp.float32, minval=-0.0001, maxval=0.0001)
    return {"ids1": ids1, "ids2": ids2, "emb1": emb1, "emb2": emb2}

def reference(ids1, ids2, emb1, emb2):
    # Embedding lookups (gather)
    e1 = jnp.take(emb1, ids1, axis=0)  # [B, D]
    e2 = jnp.take(emb2, ids2, axis=0)  # [B, D]
    # Elementwise product + sum over embedding dim, keepdim
    predicts = jnp.sum(e1 * e2, axis=1, keepdims=True)  # [B, 1]
    return predicts

if __name__ == "__main__":
    import jax
    _d = setup_inputs()
    print(jax.jit(kernel)(*tuple(_d.values())))

</pallas_src>

<mosaic_0001>
#map = affine_map<(d0, d1) -> (0, 0)>
module attributes {stable_mosaic.version = 14 : i64} {
  func.func @_mf_kernel(%arg0: i32, %arg1: i32, %arg2: memref<32x512xi32, #tpu.memory_space<hbm>>, %arg3: memref<32x512xi32, #tpu.memory_space<hbm>>, %arg4: memref<1000000x64xf32, #tpu.memory_space<hbm>>, %arg5: memref<1000000x64xf32, #tpu.memory_space<hbm>>, %arg6: memref<32x512xf32, #tpu.memory_space<hbm>>, %arg7: memref<512xi32, #tpu.memory_space<vmem>>, %arg8: memref<512xi32, #tpu.memory_space<vmem>>, %arg9: memref<128x64xf32, #tpu.memory_space<vmem>>, %arg10: memref<128x64xf32, #tpu.memory_space<vmem>>, %arg11: memref<512xf32, #tpu.memory_space<vmem>>, %arg12: memref<!tpu.dma_semaphore, #tpu.memory_space<semaphore_mem>>, %arg13: memref<!tpu.dma_semaphore, #tpu.memory_space<semaphore_mem>>) attributes {dimension_semantics = [#tpu.dimension_semantics<core_parallel>, #tpu.dimension_semantics<subcore_parallel>], iteration_bounds = array<i64: 2, 16>, scalar_prefetch = 0 : i64, scratch_operands = 7 : i64, tpu.core_type = #tpu.core_type<sc_vector_subcore>, window_params = [{transform_indices = #map}, {transform_indices = #map}, {transform_indices = #map}, {transform_indices = #map}, {transform_indices = #map}]} {
    %mul3A = arith.constant 2 : i32
    %mul3A_0 = arith.muli %arg1, %mul3A : i32
    %add3A = arith.addi %mul3A_0, %arg0 : i32
    "tpu.region"() ({
      %run_scoped3A = tpu.sem_alloc : memref<!tpu.dma_semaphore, #tpu.memory_space<semaphore_mem>>
      %dma_start3A = arith.constant 0 : i32
      %dma_start3A_18 = tpu.memref_slice %arg2[%add3A, %dma_start3A] : memref<32x512xi32, #tpu.memory_space<hbm>> -> memref<1x512xi32, #tpu.memory_space<hbm>>
      %dma_start3A_19 = tpu.memref_squeeze %dma_start3A_18 : memref<1x512xi32, #tpu.memory_space<hbm>> -> memref<512xi32, #tpu.memory_space<hbm>>
      %dma_start3A_20 = arith.constant 0 : i32
      %dma_start3A_21 = tpu.memref_slice %arg2[%add3A, %dma_start3A_20] : memref<32x512xi32, #tpu.memory_space<hbm>> -> memref<1x512xi32, #tpu.memory_space<hbm>>
      %dma_start3A_22 = tpu.memref_squeeze %dma_start3A_21 : memref<1x512xi32, #tpu.memory_space<hbm>> -> memref<512xi32, #tpu.memory_space<hbm>>
      tpu.enqueue_dma source(%dma_start3A_22 : memref<512xi32, #tpu.memory_space<hbm>>) target(%arg7 : memref<512xi32, #tpu.memory_space<vmem>>) target_semaphore(%run_scoped3A : memref<!tpu.dma_semaphore, #tpu.memory_space<semaphore_mem>>)
      %dma_wait3A = arith.constant 0 : i32
      %dma_wait3A_23 = tpu.memref_slice %arg2[%add3A, %dma_wait3A] : memref<32x512xi32, #tpu.memory_space<hbm>> -> memref<1x512xi32, #tpu.memory_space<hbm>>
      %dma_wait3A_24 = tpu.memref_squeeze %dma_wait3A_23 : memref<1x512xi32, #tpu.memory_space<hbm>> -> memref<512xi32, #tpu.memory_space<hbm>>
      %dma_wait3A_25 = arith.constant 0 : i32
      %dma_wait3A_26 = tpu.memref_slice %arg2[%add3A, %dma_wait3A_25] : memref<32x512xi32, #tpu.memory_space<hbm>> -> memref<1x512xi32, #tpu.memory_space<hbm>>
      %dma_wait3A_27 = tpu.memref_squeeze %dma_wait3A_26 : memref<1x512xi32, #tpu.memory_space<hbm>> -> memref<512xi32, #tpu.memory_space<hbm>>
      tpu.wait_dma2 semaphore(%run_scoped3A : memref<!tpu.dma_semaphore, #tpu.memory_space<semaphore_mem>>) src(%dma_wait3A_27 : memref<512xi32, #tpu.memory_space<hbm>>) dst(%arg7 : memref<512xi32, #tpu.memory_space<vmem>>)
      tpu.yield
    }) : () -> ()
    "tpu.region"() ({
      %run_scoped3A = tpu.sem_alloc : memref<!tpu.dma_semaphore, #tpu.memory_space<semaphore_mem>>
      %dma_start3A = arith.constant 0 : i32
      %dma_start3A_18 = tpu.memref_slice %arg3[%add3A, %dma_start3A] : memref<32x512xi32, #tpu.memory_space<hbm>> -> memref<1x512xi32, #tpu.memory_space<hbm>>
      %dma_start3A_19 = tpu.memref_squeeze %dma_start3A_18 : memref<1x512xi32, #tpu.memory_space<hbm>> -> memref<512xi32, #tpu.memory_space<hbm>>
      %dma_start3A_20 = arith.constant 0 : i32
      %dma_start3A_21 = tpu.memref_slice %arg3[%add3A, %dma_start3A_20] : memref<32x512xi32, #tpu.memory_space<hbm>> -> memref<1x512xi32, #tpu.memory_space<hbm>>
      %dma_start3A_22 = tpu.memref_squeeze %dma_start3A_21 : memref<1x512xi32, #tpu.memory_space<hbm>> -> memref<512xi32, #tpu.memory_space<hbm>>
      tpu.enqueue_dma source(%dma_start3A_22 : memref<512xi32, #tpu.memory_space<hbm>>) target(%arg8 : memref<512xi32, #tpu.memory_space<vmem>>) target_semaphore(%run_scoped3A : memref<!tpu.dma_semaphore, #tpu.memory_space<semaphore_mem>>)
      %dma_wait3A = arith.constant 0 : i32
      %dma_wait3A_23 = tpu.memref_slice %arg3[%add3A, %dma_wait3A] : memref<32x512xi32, #tpu.memory_space<hbm>> -> memref<1x512xi32, #tpu.memory_space<hbm>>
      %dma_wait3A_24 = tpu.memref_squeeze %dma_wait3A_23 : memref<1x512xi32, #tpu.memory_space<hbm>> -> memref<512xi32, #tpu.memory_space<hbm>>
      %dma_wait3A_25 = arith.constant 0 : i32
      %dma_wait3A_26 = tpu.memref_slice %arg3[%add3A, %dma_wait3A_25] : memref<32x512xi32, #tpu.memory_space<hbm>> -> memref<1x512xi32, #tpu.memory_space<hbm>>
      %dma_wait3A_27 = tpu.memref_squeeze %dma_wait3A_26 : memref<1x512xi32, #tpu.memory_space<hbm>> -> memref<512xi32, #tpu.memory_space<hbm>>
      tpu.wait_dma2 semaphore(%run_scoped3A : memref<!tpu.dma_semaphore, #tpu.memory_space<semaphore_mem>>) src(%dma_wait3A_27 : memref<512xi32, #tpu.memory_space<hbm>>) dst(%arg8 : memref<512xi32, #tpu.memory_space<vmem>>)
      tpu.yield
    }) : () -> ()
    %iota3A = tpu.iota {dimensions = array<i32: 0>} : vector<16xi32>
    %xor3A = arith.constant 8 : i32
    %xor3A_1 = vector.broadcast %xor3A : i32 to vector<16xi32>
    %xor3A_2 = arith.xori %iota3A, %xor3A_1 : vector<16xi32>
    %xor3A_3 = arith.constant 4 : i32
    %xor3A_4 = vector.broadcast %xor3A_3 : i32 to vector<16xi32>
    %xor3A_5 = arith.xori %iota3A, %xor3A_4 : vector<16xi32>
    %xor3A_6 = arith.constant 2 : i32
    %xor3A_7 = vector.broadcast %xor3A_6 : i32 to vector<16xi32>
    %xor3A_8 = arith.xori %iota3A, %xor3A_7 : vector<16xi32>
    %xor3A_9 = arith.constant 1 : i32
    %xor3A_10 = vector.broadcast %xor3A_9 : i32 to vector<16xi32>
    %xor3A_11 = arith.xori %iota3A, %xor3A_10 : vector<16xi32>
    %scan3A = arith.constant 0 : i32
    %scan3A_12 = arith.constant 0 : i32
    %scan3A_13 = arith.constant 4 : i32
    %scan3A_14 = arith.addi %scan3A_12, %scan3A_13 : i32
    %scan3A_15 = arith.constant 1 : i32
    %scan3A_16 = scf.for %scan3A_18 = %scan3A_12 to %scan3A_14 step %scan3A_15 iter_args(%scan3A_19 = %scan3A) -> (i32)  : i32 {
      %mul3A_20 = arith.constant 128 : i32
      %mul3A_21 = arith.muli %scan3A_18, %mul3A_20 : i32
      %scan3A_22 = arith.constant 0 : i32
      %scan3A_23 = arith.constant 0 : i32
      %scan3A_24 = arith.constant 8 : i32
      %scan3A_25 = arith.addi %scan3A_23, %scan3A_24 : i32
      %scan3A_26 = arith.constant 1 : i32
      %scan3A_27 = scf.for %scan3A_44 = %scan3A_23 to %scan3A_25 step %scan3A_26 iter_args(%scan3A_45 = %scan3A_22) -> (i32)  : i32 {
        %mul3A_46 = arith.constant 16 : i32
        %mul3A_47 = arith.muli %scan3A_44, %mul3A_46 : i32
        %add3A_48 = arith.addi %mul3A_21, %mul3A_47 : i32
        %get3A = arith.index_cast %add3A_48 : i32 to index
        %get3A_49 = tpu.vector_load %arg7[%get3A] {strides = array<i32>} : memref<512xi32, #tpu.memory_space<vmem>>, vector<16xi32>,
        %get3A_50 = vector.shape_cast %get3A_49 : vector<16xi32> to vector<16xi32>
        %mul3A_51 = arith.constant 16 : i32
        %mul3A_52 = arith.muli %scan3A_44, %mul3A_51 : i32
        %add3A_53 = arith.addi %mul3A_21, %mul3A_52 : i32
        %get3A_54 = arith.index_cast %add3A_53 : i32 to index
        %get3A_55 = tpu.vector_load %arg8[%get3A_54] {strides = array<i32>} : memref<512xi32, #tpu.memory_space<vmem>>, vector<16xi32>,
        %get3A_56 = vector.shape_cast %get3A_55 : vector<16xi32> to vector<16xi32>
        %mul3A_57 = arith.constant 16 : i32
        %mul3A_58 = arith.muli %scan3A_44, %mul3A_57 : i32
        %add3A_59 = arith.constant 0 : i32
        %add3A_60 = arith.addi %mul3A_58, %add3A_59 : i32
        %slice3A = vector.extract_strided_slice %get3A_50 {offsets = [0], sizes = [1], strides = [1]} : vector<16xi32> to vector<1xi32>
        %squeeze3A = vector.extract %slice3A[0] : i32 from vector<1xi32>
        %dma_start3A = arith.constant 0 : i32
        %dma_start3A_61 = tpu.memref_slice %arg9[%add3A_60, %dma_start3A] : memref<128x64xf32, #tpu.memory_space<vmem>> -> memref<1x64xf32, #tpu.memory_space<vmem>>
        %dma_start3A_62 = tpu.memref_squeeze %dma_start3A_61 : memref<1x64xf32, #tpu.memory_space<vmem>> -> memref<64xf32, #tpu.memory_space<vmem>>
        %dma_start3A_63 = arith.constant 0 : i32
        %dma_start3A_64 = tpu.memref_slice %arg4[%squeeze3A, %dma_start3A_63] : memref<1000000x64xf32, #tpu.memory_space<hbm>> -> memref<1x64xf32, #tpu.memory_space<hbm>>
        %dma_start3A_65 = tpu.memref_squeeze %dma_start3A_64 : memref<1x64xf32, #tpu.memory_space<hbm>> -> memref<64xf32, #tpu.memory_space<hbm>>
        %dma_start3A_66 = arith.constant 0 : i32
        %dma_start3A_67 = tpu.memref_slice %arg9[%add3A_60, %dma_start3A_66] : memref<128x64xf32, #tpu.memory_space<vmem>> -> memref<1x64xf32, #tpu.memory_space<vmem>>
        %dma_start3A_68 = tpu.memref_squeeze %dma_start3A_67 : memref<1x64xf32, #tpu.memory_space<vmem>> -> memref<64xf32, #tpu.memory_space<vmem>>
        %dma_start3A_69 = arith.constant 0 : i32
        %dma_start3A_70 = tpu.memref_slice %arg4[%squeeze3A, %dma_start3A_69] : memref<1000000x64xf32, #tpu.memory_space<hbm>> -> memref<1x64xf32, #tpu.memory_space<hbm>>
        %dma_start3A_71 = tpu.memref_squeeze %dma_start3A_70 : memref<1x64xf32, #tpu.memory_space<hbm>> -> memref<64xf32, #tpu.memory_space<hbm>>
        tpu.enqueue_dma source(%dma_start3A_71 : memref<64xf32, #tpu.memory_space<hbm>>) target(%dma_start3A_68 : memref<64xf32, #tpu.memory_space<vmem>>) target_semaphore(%arg12 : memref<!tpu.dma_semaphore, #tpu.memory_space<semaphore_mem>>)
        %slice3A_72 = vector.extract_strided_slice %get3A_56 {offsets = [0], sizes = [1], strides = [1]} : vector<16xi32> to vector<1xi32>
        %squeeze3A_73 = vector.extract %slice3A_72[0] : i32 from vector<1xi32>
        %dma_start3A_74 = arith.constant 0 : i32
        %dma_start3A_75 = tpu.memref_slice %arg10[%add3A_60, %dma_start3A_74] : memref<128x64xf32, #tpu.memory_space<vmem>> -> memref<1x64xf32, #tpu.memory_space<vmem>>
        %dma_start3A_76 = tpu.memref_squeeze %dma_start3A_75 : memref<1x64xf32, #tpu.memory_space<vmem>> -> memref<64xf32, #tpu.memory_space<vmem>>
        %dma_start3A_77 = arith.constant 0 : i32
        %dma_start3A_78 = tpu.memref_slice %arg5[%squeeze3A_73, %dma_start3A_77] : memref<1000000x64xf32, #tpu.memory_space<hbm>> -> memref<1x64xf32, #tpu.memory_space<hbm>>
        %dma_start3A_79 = tpu.memref_squeeze %dma_start3A_78 : memref<1x64xf32, #tpu.memory_space<hbm>> -> memref<64xf32, #tpu.memory_space<hbm>>
        %dma_start3A_80 = arith.constant 0 : i32
        %dma_start3A_81 = tpu.memref_slice %arg10[%add3A_60, %dma_start3A_80] : memref<128x64xf32, #tpu.memory_space<vmem>> -> memref<1x64xf32, #tpu.memory_space<vmem>>
        %dma_start3A_82 = tpu.memref_squeeze %dma_start3A_81 : memref<1x64xf32, #tpu.memory_space<vmem>> -> memref<64xf32, #tpu.memory_space<vmem>>
        %dma_start3A_83 = arith.constant 0 : i32
        %dma_start3A_84 = tpu.memref_slice %arg5[%squeeze3A_73, %dma_start3A_83] : memref<1000000x64xf32, #tpu.memory_space<hbm>> -> memref<1x64xf32, #tpu.memory_space<hbm>>
        %dma_start3A_85 = tpu.memref_squeeze %dma_start3A_84 : memref<1x64xf32, #tpu.memory_space<hbm>> -> memref<64xf32, #tpu.memory_space<hbm>>
        tpu.enqueue_dma source(%dma_start3A_85 : memref<64xf32, #tpu.memory_space<hbm>>) target(%dma_start3A_82 : memref<64xf32, #tpu.memory_space<vmem>>) target_semaphore(%arg13 : memref<!tpu.dma_semaphore, #tpu.memory_space<semaphore_mem>>)
        %mul3A_86 = arith.constant 16 : i32
        %mul3A_87 = arith.muli %scan3A_44, %mul3A_86 : i32
        %add3A_88 = arith.constant 1 : i32
        %add3A_89 = arith.addi %mul3A_87, %add3A_88 : i32
        %slice3A_90 = vector.extract_strided_slice %get3A_50 {offsets = [1], sizes = [1], strides = [1]} : vector<16xi32> to vector<1xi32>
        %squeeze3A_91 = vector.extract %slice3A_90[0] : i32 from vector<1xi32>
        %dma_start3A_92 = arith.constant 0 : i32
        %dma_start3A_93 = tpu.memref_slice %arg9[%add3A_89, %dma_start3A_92] : memref<128x64xf32, #tpu.memory_space<vmem>> -> memref<1x64xf32, #tpu.memory_space<vmem>>
        %dma_start3A_94 = tpu.memref_squeeze %dma_start3A_93 : memref<1x64xf32, #tpu.memory_space<vmem>> -> memref<64xf32, #tpu.memory_space<vmem>>
        %dma_start3A_95 = arith.constant 0 : i32
        %dma_start3A_96 = tpu.memref_slice %arg4[%squeeze3A_91, %dma_start3A_95] : memref<1000000x64xf32, #tpu.memory_space<hbm>> -> memref<1x64xf32, #tpu.memory_space<hbm>>
        %dma_start3A_97 = tpu.memref_squeeze %dma_start3A_96 : memref<1x64xf32, #tpu.memory_space<hbm>> -> memref<64xf32, #tpu.memory_space<hbm>>
        %dma_start3A_98 = arith.constant 0 : i32
        %dma_start3A_99 = tpu.memref_slice %arg9[%add3A_89, %dma_start3A_98] : memref<128x64xf32, #tpu.memory_space<vmem>> -> memref<1x64xf32, #tpu.memory_space<vmem>>
        %dma_start3A_100 = tpu.memref_squeeze %dma_start3A_99 : memref<1x64xf32, #tpu.memory_space<vmem>> -> memref<64xf32, #tpu.memory_space<vmem>>
        %dma_start3A_101 = arith.constant 0 : i32
        %dma_start3A_102 = tpu.memref_slice %arg4[%squeeze3A_91, %dma_start3A_101] : memref<1000000x64xf32, #tpu.memory_space<hbm>> -> memref<1x64xf32, #tpu.memory_space<hbm>>
        %dma_start3A_103 = tpu.memref_squeeze %dma_start3A_102 : memref<1x64xf32, #tpu.memory_space<hbm>> -> memref<64xf32, #tpu.memory_space<hbm>>
        tpu.enqueue_dma source(%dma_start3A_103 : memref<64xf32, #tpu.memory_space<hbm>>) target(%dma_start3A_100 : memref<64xf32, #tpu.memory_space<vmem>>) target_semaphore(%arg12 : memref<!tpu.dma_semaphore, #tpu.memory_space<semaphore_mem>>)
        %slice3A_104 = vector.extract_strided_slice %get3A_56 {offsets = [1], sizes = [1], strides = [1]} : vector<16xi32> to vector<1xi32>
        %squeeze3A_105 = vector.extract %slice3A_104[0] : i32 from vector<1xi32>
        %dma_start3A_106 = arith.constant 0 : i32
        %dma_start3A_107 = tpu.memref_slice %arg10[%add3A_89, %dma_start3A_106] : memref<128x64xf32, #tpu.memory_space<vmem>> -> memref<1x64xf32, #tpu.memory_space<vmem>>
        %dma_start3A_108 = tpu.memref_squeeze %dma_start3A_107 : memref<1x64xf32, #tpu.memory_space<vmem>> -> memref<64xf32, #tpu.memory_space<vmem>>
        %dma_start3A_109 = arith.constant 0 : i32
        %dma_start3A_110 = tpu.memref_slice %arg5[%squeeze3A_105, %dma_start3A_109] : memref<1000000x64xf32, #tpu.memory_space<hbm>> -> memref<1x64xf32, #tpu.memory_space<hbm>>
        %dma_start3A_111 = tpu.memref_squeeze %dma_start3A_110 : memref<1x64xf32, #tpu.memory_space<hbm>> -> memref<64xf32, #tpu.memory_space<hbm>>
        %dma_start3A_112 = arith.constant 0 : i32
        %dma_start3A_113 = tpu.memref_slice %arg10[%add3A_89, %dma_start3A_112] : memref<128x64xf32, #tpu.memory_space<vmem>> -> memref<1x64xf32, #tpu.memory_space<vmem>>
        %dma_start3A_114 = tpu.memref_squeeze %dma_start3A_113 : memref<1x64xf32, #tpu.memory_space<vmem>> -> memref<64xf32, #tpu.memory_space<vmem>>
        %dma_start3A_115 = arith.constant 0 : i32
        %dma_start3A_116 = tpu.memref_slice %arg5[%squeeze3A_105, %dma_start3A_115] : memref<1000000x64xf32, #tpu.memory_space<hbm>> -> memref<1x64xf32, #tpu.memory_space<hbm>>
        %dma_start3A_117 = tpu.memref_squeeze %dma_start3A_116 : memref<1x64xf32, #tpu.memory_space<hbm>> -> memref<64xf32, #tpu.memory_space<hbm>>
        tpu.enqueue_dma source(%dma_start3A_117 : memref<64xf32, #tpu.memory_space<hbm>>) target(%dma_start3A_114 : memref<64xf32, #tpu.memory_space<vmem>>) target_semaphore(%arg13 : memref<!tpu.dma_semaphore, #tpu.memory_space<semaphore_mem>>)
        %mul3A_118 = arith.constant 16 : i32
        %mul3A_119 = arith.muli %scan3A_44, %mul3A_118 : i32
        %add3A_120 = arith.constant 2 : i32
        %add3A_121 = arith.addi %mul3A_119, %add3A_120 : i32
        %slice3A_122 = vector.extract_strided_slice %get3A_50 {offsets = [2], sizes = [1], strides = [1]} : vector<16xi32> to vector<1xi32>
        %squeeze3A_123 = vector.extract %slice3A_122[0] : i32 from vector<1xi32>
        %dma_start3A_124 = arith.constant 0 : i32
        %dma_start3A_125 = tpu.memref_slice %arg9[%add3A_121, %dma_start3A_124] : memref<128x64xf32, #tpu.memory_space<vmem>> -> memref<1x64xf32, #tpu.memory_space<vmem>>
        %dma_start3A_126 = tpu.memref_squeeze %dma_start3A_125 : memref<1x64xf32, #tpu.memory_space<vmem>> -> memref<64xf32, #tpu.memory_space<vmem>>
        %dma_start3A_127 = arith.constant 0 : i32
        %dma_start3A_128 = tpu.memref_slice %arg4[%squeeze3A_123, %dma_start3A_127] : memref<1000000x64xf32, #tpu.memory_space<hbm>> -> memref<1x64xf32, #tpu.memory_space<hbm>>
        %dma_start3A_129 = tpu.memref_squeeze %dma_start3A_128 : memref<1x64xf32, #tpu.memory_space<hbm>> -> memref<64xf32, #tpu.memory_space<hbm>>
        %dma_start3A_130 = arith.constant 0 : i32
        %dma_start3A_131 = tpu.memref_slice %arg9[%add3A_121, %dma_start3A_130] : memref<128x64xf32, #tpu.memory_space<vmem>> -> memref<1x64xf32, #tpu.memory_space<vmem>>
        %dma_start3A_132 = tpu.memref_squeeze %dma_start3A_131 : memref<1x64xf32, #tpu.memory_space<vmem>> -> memref<64xf32, #tpu.memory_space<vmem>>
        %dma_start3A_133 = arith.constant 0 : i32
        %dma_start3A_134 = tpu.memref_slice %arg4[%squeeze3A_123, %dma_start3A_133] : memref<1000000x64xf32, #tpu.memory_space<hbm>> -> memref<1x64xf32, #tpu.memory_space<hbm>>
        %dma_start3A_135 = tpu.memref_squeeze %dma_start3A_134 : memref<1x64xf32, #tpu.memory_space<hbm>> -> memref<64xf32, #tpu.memory_space<hbm>>
        tpu.enqueue_dma source(%dma_start3A_135 : memref<64xf32, #tpu.memory_space<hbm>>) target(%dma_start3A_132 : memref<64xf32, #tpu.memory_space<vmem>>) target_semaphore(%arg12 : memref<!tpu.dma_semaphore, #tpu.memory_space<semaphore_mem>>)
        %slice3A_136 = vector.extract_strided_slice %get3A_56 {offsets = [2], sizes = [1], strides = [1]} : vector<16xi32> to vector<1xi32>
        %squeeze3A_137 = vector.extract %slice3A_136[0] : i32 from vector<1xi32>
        %dma_start3A_138 = arith.constant 0 : i32
        %dma_start3A_139 = tpu.memref_slice %arg10[%add3A_121, %dma_start3A_138] : memref<128x64xf32, #tpu.memory_space<vmem>> -> memref<1x64xf32, #tpu.memory_space<vmem>>
        %dma_start3A_140 = tpu.memref_squeeze %dma_start3A_139 : memref<1x64xf32, #tpu.memory_space<vmem>> -> memref<64xf32, #tpu.memory_space<vmem>>
        %dma_start3A_141 = arith.constant 0 : i32
        %dma_start3A_142 = tpu.memref_slice %arg5[%squeeze3A_137, %dma_start3A_141] : memref<1000000x64xf32, #tpu.memory_space<hbm>> -> memref<1x64xf32, #tpu.memory_space<hbm>>
        %dma_start3A_143 = tpu.memref_squeeze %dma_start3A_142 : memref<1x64xf32, #tpu.memory_space<hbm>> -> memref<64xf32, #tpu.memory_space<hbm>>
        %dma_start3A_144 = arith.constant 0 : i32
        %dma_start3A_145 = tpu.memref_slice %arg10[%add3A_121, %dma_start3A_144] : memref<128x64xf32, #tpu.memory_space<vmem>> -> memref<1x64xf32, #tpu.memory_space<vmem>>
        %dma_start3A_146 = tpu.memref_squeeze %dma_start3A_145 : memref<1x64xf32, #tpu.memory_space<vmem>> -> memref<64xf32, #tpu.memory_space<vmem>>
        %dma_start3A_147 = arith.constant 0 : i32
        %dma_start3A_148 = tpu.memref_slice %arg5[%squeeze3A_137, %dma_start3A_147] : memref<1000000x64xf32, #tpu.memory_space<hbm>> -> memref<1x64xf32, #tpu.memory_space<hbm>>
        %dma_start3A_149 = tpu.memref_squeeze %dma_start3A_148 : memref<1x64xf32, #tpu.memory_space<hbm>> -> memref<64xf32, #tpu.memory_space<hbm>>
        tpu.enqueue_dma source(%dma_start3A_149 : memref<64xf32, #tpu.memory_space<hbm>>) target(%dma_start3A_146 : memref<64xf32, #tpu.memory_space<vmem>>) target_semaphore(%arg13 : memref<!tpu.dma_semaphore, #tpu.memory_space<semaphore_mem>>)
        %mul3A_150 = arith.constant 16 : i32
        %mul3A_151 = arith.muli %scan3A_44, %mul3A_150 : i32
        %add3A_152 = arith.constant 3 : i32
        %add3A_153 = arith.addi %mul3A_151, %add3A_152 : i32
        %slice3A_154 = vector.extract_strided_slice %get3A_50 {offsets = [3], sizes = [1], strides = [1]} : vector<16xi32> to vector<1xi32>
        %squeeze3A_155 = vector.extract %slice3A_154[0] : i32 from vector<1xi32>
        %dma_start3A_156 = arith.constant 0 : i32
        %dma_start3A_157 = tpu.memref_slice %arg9[%add3A_153, %dma_start3A_156] : memref<128x64xf32, #tpu.memory_space<vmem>> -> memref<1x64xf32, #tpu.memory_space<vmem>>
        %dma_start3A_158 = tpu.memref_squeeze %dma_start3A_157 : memref<1x64xf32, #tpu.memory_space<vmem>> -> memref<64xf32, #tpu.memory_space<vmem>>
        %dma_start3A_159 = arith.constant 0 : i32
        %dma_start3A_160 = tpu.memref_slice %arg4[%squeeze3A_155, %dma_start3A_159] : memref<1000000x64xf32, #tpu.memory_space<hbm>> -> memref<1x64xf32, #tpu.memory_space<hbm>>
        %dma_start3A_161 = tpu.memref_squeeze %dma_start3A_160 : memref<1x64xf32, #tpu.memory_space<hbm>> -> memref<64xf32, #tpu.memory_space<hbm>>
        %dma_start3A_162 = arith.constant 0 : i32
        %dma_start3A_163 = tpu.memref_slice %arg9[%add3A_153, %dma_start3A_162] : memref<128x64xf32, #tpu.memory_space<vmem>> -> memref<1x64xf32, #tpu.memory_space<vmem>>
        %dma_start3A_164 = tpu.memref_squeeze %dma_start3A_163 : memref<1x64xf32, #tpu.memory_space<vmem>> -> memref<64xf32, #tpu.memory_space<vmem>>
        %dma_start3A_165 = arith.constant 0 : i32
        %dma_start3A_166 = tpu.memref_slice %arg4[%squeeze3A_155, %dma_start3A_165] : memref<1000000x64xf32, #tpu.memory_space<hbm>> -> memref<1x64xf32, #tpu.memory_space<hbm>>
        %dma_start3A_167 = tpu.memref_squeeze %dma_start3A_166 : memref<1x64xf32, #tpu.memory_space<hbm>> -> memref<64xf32, #tpu.memory_space<hbm>>
        tpu.enqueue_dma source(%dma_start3A_167 : memref<64xf32, #tpu.memory_space<hbm>>) target(%dma_start3A_164 : memref<64xf32, #tpu.memory_space<vmem>>) target_semaphore(%arg12 : memref<!tpu.dma_semaphore, #tpu.memory_space<semaphore_mem>>)
        %slice3A_168 = vector.extract_strided_slice %get3A_56 {offsets = [3], sizes = [1], strides = [1]} : vector<16xi32> to vector<1xi32>
        %squeeze3A_169 = vector.extract %slice3A_168[0] : i32 from vector<1xi32>
        %dma_start3A_170 = arith.constant 0 : i32
        %dma_start3A_171 = tpu.memref_slice %arg10[%add3A_153, %dma_start3A_170] : memref<128x64xf32, #tpu.memory_space<vmem>> -> memref<1x64xf32, #tpu.memory_space<vmem>>
        %dma_start3A_172 = tpu.memref_squeeze %dma_start3A_171 : memref<1x64xf32, #tpu.memory_space<vmem>> -> memref<64xf32, #tpu.memory_space<vmem>>
        %dma_start3A_173 = arith.constant 0 : i32
        %dma_start3A_174 = tpu.memref_slice %arg5[%squeeze3A_169, %dma_start3A_173] : memref<1000000x64xf32, #tpu.memory_space<hbm>> -> memref<1x64xf32, #tpu.memory_space<hbm>>
        %dma_start3A_175 = tpu.memref_squeeze %dma_start3A_174 : memref<1x64xf32, #tpu.memory_space<hbm>> -> memref<64xf32, #tpu.memory_space<hbm>>
        %dma_start3A_176 = arith.constant 0 : i32
        %dma_start3A_177 = tpu.memref_slice %arg10[%add3A_153, %dma_start3A_176] : memref<128x64xf32, #tpu.memory_space<vmem>> -> memref<1x64xf32, #tpu.memory_space<vmem>>
        %dma_start3A_178 = tpu.memref_squeeze %dma_start3A_177 : memref<1x64xf32, #tpu.memory_space<vmem>> -> memref<64xf32, #tpu.memory_space<vmem>>
        %dma_start3A_179 = arith.constant 0 : i32
        %dma_start3A_180 = tpu.memref_slice %arg5[%squeeze3A_169, %dma_start3A_179] : memref<1000000x64xf32, #tpu.memory_space<hbm>> -> memref<1x64xf32, #tpu.memory_space<hbm>>
        %dma_start3A_181 = tpu.memref_squeeze %dma_start3A_180 : memref<1x64xf32, #tpu.memory_space<hbm>> -> memref<64xf32, #tpu.memory_space<hbm>>
        tpu.enqueue_dma source(%dma_start3A_181 : memref<64xf32, #tpu.memory_space<hbm>>) target(%dma_start3A_178 : memref<64xf32, #tpu.memory_space<vmem>>) target_semaphore(%arg13 : memref<!tpu.dma_semaphore, #tpu.memory_space<semaphore_mem>>)
        %mul3A_182 = arith.constant 16 : i32
        %mul3A_183 = arith.muli %scan3A_44, %mul3A_182 : i32
        %add3A_184 = arith.constant 4 : i32
        %add3A_185 = arith.addi %mul3A_183, %add3A_184 : i32
        %slice3A_186 = vector.extract_strided_slice %get3A_50 {offsets = [4], sizes = [1], strides = [1]} : vector<16xi32> to vector<1xi32>
        %squeeze3A_187 = vector.extract %slice3A_186[0] : i32 from vector<1xi32>
        %dma_start3A_188 = arith.constant 0 : i32
        %dma_start3A_189 = tpu.memref_slice %arg9[%add3A_185, %dma_start3A_188] : memref<128x64xf32, #tpu.memory_space<vmem>> -> memref<1x64xf32, #tpu.memory_space<vmem>>
        %dma_start3A_190 = tpu.memref_squeeze %dma_start3A_189 : memref<1x64xf32, #tpu.memory_space<vmem>> -> memref<64xf32, #tpu.memory_space<vmem>>
        %dma_start3A_191 = arith.constant 0 : i32
        %dma_start3A_192 = tpu.memref_slice %arg4[%squeeze3A_187, %dma_start3A_191] : memref<1000000x64xf32, #tpu.memory_space<hbm>> -> memref<1x64xf32, #tpu.memory_space<hbm>>
        %dma_start3A_193 = tpu.memref_squeeze %dma_start3A_192 : memref<1x64xf32, #tpu.memory_space<hbm>> -> memref<64xf32, #tpu.memory_space<hbm>>
        %dma_start3A_194 = arith.constant 0 : i32
        %dma_start3A_195 = tpu.memref_slice %arg9[%add3A_185, %dma_start3A_194] : memref<128x64xf32, #tpu.memory_space<vmem>> -> memref<1x64xf32, #tpu.memory_space<vmem>>
        %dma_start3A_196 = tpu.memref_squeeze %dma_start3A_195 : memref<1x64xf32, #tpu.memory_space<vmem>> -> memref<64xf32, #tpu.memory_space<vmem>>
        %dma_start3A_197 = arith.constant 0 : i32
        %dma_start3A_198 = tpu.memref_slice %arg4[%squeeze3A_187, %dma_start3A_197] : memref<1000000x64xf32, #tpu.memory_space<hbm>> -> memref<1x64xf32, #tpu.memory_space<hbm>>
        %dma_start3A_199 = tpu.memref_squeeze %dma_start3A_198 : memref<1x64xf32, #tpu.memory_space<hbm>> -> memref<64xf32, #tpu.memory_space<hbm>>
        tpu.enqueue_dma source(%dma_start3A_199 : memref<64xf32, #tpu.memory_space<hbm>>) target(%dma_start3A_196 : memref<64xf32, #tpu.memory_space<vmem>>) target_semaphore(%arg12 : memref<!tpu.dma_semaphore, #tpu.memory_space<semaphore_mem>>)
        %slice3A_200 = vector.extract_strided_slice %get3A_56 {offsets = [4], sizes = [1], strides = [1]} : vector<16xi32> to vector<1xi32>
        %squeeze3A_201 = vector.extract %slice3A_200[0] : i32 from vector<1xi32>
        %dma_start3A_202 = arith.constant 0 : i32
        %dma_start3A_203 = tpu.memref_slice %arg10[%add3A_185, %dma_start3A_202] : memref<128x64xf32, #tpu.memory_space<vmem>> -> memref<1x64xf32, #tpu.memory_space<vmem>>
        %dma_start3A_204 = tpu.memref_squeeze %dma_start3A_203 : memref<1x64xf32, #tpu.memory_space<vmem>> -> memref<64xf32, #tpu.memory_space<vmem>>
        %dma_start3A_205 = arith.constant 0 : i32
        %dma_start3A_206 = tpu.memref_slice %arg5[%squeeze3A_201, %dma_start3A_205] : memref<1000000x64xf32, #tpu.memory_space<hbm>> -> memref<1x64xf32, #tpu.memory_space<hbm>>
        %dma_start3A_207 = tpu.memref_squeeze %dma_start3A_206 : memref<1x64xf32, #tpu.memory_space<hbm>> -> memref<64xf32, #tpu.memory_space<hbm>>
        %dma_start3A_208 = arith.constant 0 : i32
        %dma_start3A_209 = tpu.memref_slice %arg10[%add3A_185, %dma_start3A_208] : memref<128x64xf32, #tpu.memory_space<vmem>> -> memref<1x64xf32, #tpu.memory_space<vmem>>
        %dma_start3A_210 = tpu.memref_squeeze %dma_start3A_209 : memref<1x64xf32, #tpu.memory_space<vmem>> -> memref<64xf32, #tpu.memory_space<vmem>>
        %dma_start3A_211 = arith.constant 0 : i32
        %dma_start3A_212 = tpu.memref_slice %arg5[%squeeze3A_201, %dma_start3A_211] : memref<1000000x64xf32, #tpu.memory_space<hbm>> -> memref<1x64xf32, #tpu.memory_space<hbm>>
        %dma_start3A_213 = tpu.memref_squeeze %dma_start3A_212 : memref<1x64xf32, #tpu.memory_space<hbm>> -> memref<64xf32, #tpu.memory_space<hbm>>
        tpu.enqueue_dma source(%dma_start3A_213 : memref<64xf32, #tpu.memory_space<hbm>>) target(%dma_start3A_210 : memref<64xf32, #tpu.memory_space<vmem>>) target_semaphore(%arg13 : memref<!tpu.dma_semaphore, #tpu.memory_space<semaphore_mem>>)
        %mul3A_214 = arith.constant 16 : i32
        %mul3A_215 = arith.muli %scan3A_44, %mul3A_214 : i32
        %add3A_216 = arith.constant 5 : i32
        %add3A_217 = arith.addi %mul3A_215, %add3A_216 : i32
        %slice3A_218 = vector.extract_strided_slice %get3A_50 {offsets = [5], sizes = [1], strides = [1]} : vector<16xi32> to vector<1xi32>
        %squeeze3A_219 = vector.extract %slice3A_218[0] : i32 from vector<1xi32>
        %dma_start3A_220 = arith.constant 0 : i32
        %dma_start3A_221 = tpu.memref_slice %arg9[%add3A_217, %dma_start3A_220] : memref<128x64xf32, #tpu.memory_space<vmem>> -> memref<1x64xf32, #tpu.memory_space<vmem>>
        %dma_start3A_222 = tpu.memref_squeeze %dma_start3A_221 : memref<1x64xf32, #tpu.memory_space<vmem>> -> memref<64xf32, #tpu.memory_space<vmem>>
        %dma_start3A_223 = arith.constant 0 : i32
        %dma_start3A_224 = tpu.memref_slice %arg4[%squeeze3A_219, %dma_start3A_223] : memref<1000000x64xf32, #tpu.memory_space<hbm>> -> memref<1x64xf32, #tpu.memory_space<hbm>>
        %dma_start3A_225 = tpu.memref_squeeze %dma_start3A_224 : memref<1x64xf32, #tpu.memory_space<hbm>> -> memref<64xf32, #tpu.memory_space<hbm>>
        %dma_start3A_226 = arith.constant 0 : i32
        %dma_start3A_227 = tpu.memref_slice %arg9[%add3A_217, %dma_start3A_226] : memref<128x64xf32, #tpu.memory_space<vmem>> -> memref<1x64xf32, #tpu.memory_space<vmem>>
        %dma_start3A_228 = tpu.memref_squeeze %dma_start3A_227 : memref<1x64xf32, #tpu.memory_space<vmem>> -> memref<64xf32, #tpu.memory_space<vmem>>
        %dma_start3A_229 = arith.constant 0 : i32
        %dma_start3A_230 = tpu.memref_slice %arg4[%squeeze3A_219, %dma_start3A_229] : memref<1000000x64xf32, #tpu.memory_space<hbm>> -> memref<1x64xf32, #tpu.memory_space<hbm>>
        %dma_start3A_231 = tpu.memref_squeeze %dma_start3A_230 : memref<1x64xf32, #tpu.memory_space<hbm>> -> memref<64xf32, #tpu.memory_space<hbm>>
        tpu.enqueue_dma source(%dma_start3A_231 : memref<64xf32, #tpu.memory_space<hbm>>) target(%dma_start3A_228 : memref<64xf32, #tpu.memory_space<vmem>>) target_semaphore(%arg12 : memref<!tpu.dma_semaphore, #tpu.memory_space<semaphore_mem>>)
        %slice3A_232 = vector.extract_strided_slice %get3A_56 {offsets = [5], sizes = [1], strides = [1]} : vector<16xi32> to vector<1xi32>
        %squeeze3A_233 = vector.extract %slice3A_232[0] : i32 from vector<1xi32>
        %dma_start3A_234 = arith.constant 0 : i32
        %dma_start3A_235 = tpu.memref_slice %arg10[%add3A_217, %dma_start3A_234] : memref<128x64xf32, #tpu.memory_space<vmem>> -> memref<1x64xf32, #tpu.memory_space<vmem>>
        %dma_start3A_236 = tpu.memref_squeeze %dma_start3A_235 : memref<1x64xf32, #tpu.memory_space<vmem>> -> memref<64xf32, #tpu.memory_space<vmem>>
        %dma_start3A_237 = arith.constant 0 : i32
        %dma_start3A_238 = tpu.memref_slice %arg5[%squeeze3A_233, %dma_start3A_237] : memref<1000000x64xf32, #tpu.memory_space<hbm>> -> memref<1x64xf32, #tpu.memory_space<hbm>>
        %dma_start3A_239 = tpu.memref_squeeze %dma_start3A_238 : memref<1x64xf32, #tpu.memory_space<hbm>> -> memref<64xf32, #tpu.memory_space<hbm>>
        %dma_start3A_240 = arith.constant 0 : i32
        %dma_start3A_241 = tpu.memref_slice %arg10[%add3A_217, %dma_start3A_240] : memref<128x64xf32, #tpu.memory_space<vmem>> -> memref<1x64xf32, #tpu.memory_space<vmem>>
        %dma_start3A_242 = tpu.memref_squeeze %dma_start3A_241 : memref<1x64xf32, #tpu.memory_space<vmem>> -> memref<64xf32, #tpu.memory_space<vmem>>
        %dma_start3A_243 = arith.constant 0 : i32
        %dma_start3A_244 = tpu.memref_slice %arg5[%squeeze3A_233, %dma_start3A_243] : memref<1000000x64xf32, #tpu.memory_space<hbm>> -> memref<1x64xf32, #tpu.memory_space<hbm>>
        %dma_start3A_245 = tpu.memref_squeeze %dma_start3A_244 : memref<1x64xf32, #tpu.memory_space<hbm>> -> memref<64xf32, #tpu.memory_space<hbm>>
        tpu.enqueue_dma source(%dma_start3A_245 : memref<64xf32, #tpu.memory_space<hbm>>) target(%dma_start3A_242 : memref<64xf32, #tpu.memory_space<vmem>>) target_semaphore(%arg13 : memref<!tpu.dma_semaphore, #tpu.memory_space<semaphore_mem>>)
        %mul3A_246 = arith.constant 16 : i32
        %mul3A_247 = arith.muli %scan3A_44, %mul3A_246 : i32
        %add3A_248 = arith.constant 6 : i32
        %add3A_249 = arith.addi %mul3A_247, %add3A_248 : i32
        %slice3A_250 = vector.extract_strided_slice %get3A_50 {offsets = [6], sizes = [1], strides = [1]} : vector<16xi32> to vector<1xi32>
        %squeeze3A_251 = vector.extract %slice3A_250[0] : i32 from vector<1xi32>
        %dma_start3A_252 = arith.constant 0 : i32
        %dma_start3A_253 = tpu.memref_slice %arg9[%add3A_249, %dma_start3A_252] : memref<128x64xf32, #tpu.memory_space<vmem>> -> memref<1x64xf32, #tpu.memory_space<vmem>>
        %dma_start3A_254 = tpu.memref_squeeze %dma_start3A_253 : memref<1x64xf32, #tpu.memory_space<vmem>> -> memref<64xf32, #tpu.memory_space<vmem>>
        %dma_start3A_255 = arith.constant 0 : i32
        %dma_start3A_256 = tpu.memref_slice %arg4[%squeeze3A_251, %dma_start3A_255] : memref<1000000x64xf32, #tpu.memory_space<hbm>> -> memref<1x64xf32, #tpu.memory_space<hbm>>
        %dma_start3A_257 = tpu.memref_squeeze %dma_start3A_256 : memref<1x64xf32, #tpu.memory_space<hbm>> -> memref<64xf32, #tpu.memory_space<hbm>>
        %dma_start3A_258 = arith.constant 0 : i32
        %dma_start3A_259 = tpu.memref_slice %arg9[%add3A_249, %dma_start3A_258] : memref<128x64xf32, #tpu.memory_space<vmem>> -> memref<1x64xf32, #tpu.memory_space<vmem>>
        %dma_start3A_260 = tpu.memref_squeeze %dma_start3A_259 : memref<1x64xf32, #tpu.memory_space<vmem>> -> memref<64xf32, #tpu.memory_space<vmem>>
        %dma_start3A_261 = arith.constant 0 : i32
        %dma_start3A_262 = tpu.memref_slice %arg4[%squeeze3A_251, %dma_start3A_261] : memref<1000000x64xf32, #tpu.memory_space<hbm>> -> memref<1x64xf32, #tpu.memory_space<hbm>>
        %dma_start3A_263 = tpu.memref_squeeze %dma_start3A_262 : memref<1x64xf32, #tpu.memory_space<hbm>> -> memref<64xf32, #tpu.memory_space<hbm>>
        tpu.enqueue_dma source(%dma_start3A_263 : memref<64xf32, #tpu.memory_space<hbm>>) target(%dma_start3A_260 : memref<64xf32, #tpu.memory_space<vmem>>) target_semaphore(%arg12 : memref<!tpu.dma_semaphore, #tpu.memory_space<semaphore_mem>>)
        %slice3A_264 = vector.extract_strided_slice %get3A_56 {offsets = [6], sizes = [1], strides = [1]} : vector<16xi32> to vector<1xi32>
        %squeeze3A_265 = vector.extract %slice3A_264[0] : i32 from vector<1xi32>
        %dma_start3A_266 = arith.constant 0 : i32
        %dma_start3A_267 = tpu.memref_slice %arg10[%add3A_249, %dma_start3A_266] : memref<128x64xf32, #tpu.memory_space<vmem>> -> memref<1x64xf32, #tpu.memory_space<vmem>>
        %dma_start3A_268 = tpu.memref_squeeze %dma_start3A_267 : memref<1x64xf32, #tpu.memory_space<vmem>> -> memref<64xf32, #tpu.memory_space<vmem>>
        %dma_start3A_269 = arith.constant 0 : i32
        %dma_start3A_270 = tpu.memref_slice %arg5[%squeeze3A_265, %dma_start3A_269] : memref<1000000x64xf32, #tpu.memory_space<hbm>> -> memref<1x64xf32, #tpu.memory_space<hbm>>
        %dma_start3A_271 = tpu.memref_squeeze %dma_start3A_270 : memref<1x64xf32, #tpu.memory_space<hbm>> -> memref<64xf32, #tpu.memory_space<hbm>>
        %dma_start3A_272 = arith.constant 0 : i32
        %dma_start3A_273 = tpu.memref_slice %arg10[%add3A_249, %dma_start3A_272] : memref<128x64xf32, #tpu.memory_space<vmem>> -> memref<1x64xf32, #tpu.memory_space<vmem>>
        %dma_start3A_274 = tpu.memref_squeeze %dma_start3A_273 : memref<1x64xf32, #tpu.memory_space<vmem>> -> memref<64xf32, #tpu.memory_space<vmem>>
        %dma_start3A_275 = arith.constant 0 : i32
        %dma_start3A_276 = tpu.memref_slice %arg5[%squeeze3A_265, %dma_start3A_275] : memref<1000000x64xf32, #tpu.memory_space<hbm>> -> memref<1x64xf32, #tpu.memory_space<hbm>>
        %dma_start3A_277 = tpu.memref_squeeze %dma_start3A_276 : memref<1x64xf32, #tpu.memory_space<hbm>> -> memref<64xf32, #tpu.memory_space<hbm>>
        tpu.enqueue_dma source(%dma_start3A_277 : memref<64xf32, #tpu.memory_space<hbm>>) target(%dma_start3A_274 : memref<64xf32, #tpu.memory_space<vmem>>) target_semaphore(%arg13 : memref<!tpu.dma_semaphore, #tpu.memory_space<semaphore_mem>>)
        %mul3A_278 = arith.constant 16 : i32
        %mul3A_279 = arith.muli %scan3A_44, %mul3A_278 : i32
        %add3A_280 = arith.constant 7 : i32
        %add3A_281 = arith.addi %mul3A_279, %add3A_280 : i32
        %slice3A_282 = vector.extract_strided_slice %get3A_50 {offsets = [7], sizes = [1], strides = [1]} : vector<16xi32> to vector<1xi32>
        %squeeze3A_283 = vector.extract %slice3A_282[0] : i32 from vector<1xi32>
        %dma_start3A_284 = arith.constant 0 : i32
        %dma_start3A_285 = tpu.memref_slice %arg9[%add3A_281, %dma_start3A_284] : memref<128x64xf32, #tpu.memory_space<vmem>> -> memref<1x64xf32, #tpu.memory_space<vmem>>
        %dma_start3A_286 = tpu.memref_squeeze %dma_start3A_285 : memref<1x64xf32, #tpu.memory_space<vmem>> -> memref<64xf32, #tpu.memory_space<vmem>>
        %dma_start3A_287 = arith.constant 0 : i32
        %dma_start3A_288 = tpu.memref_slice %arg4[%squeeze3A_283, %dma_start3A_287] : memref<1000000x64xf32, #tpu.memory_space<hbm>> -> memref<1x64xf32, #tpu.memory_space<hbm>>
        %dma_start3A_289 = tpu.memref_squeeze %dma_start3A_288 : memref<1x64xf32, #tpu.memory_space<hbm>> -> memref<64xf32, #tpu.memory_space<hbm>>
        %dma_start3A_290 = arith.constant 0 : i32
        %dma_start3A_291 = tpu.memref_slice %arg9[%add3A_281, %dma_start3A_290] : memref<128x64xf32, #tpu.memory_space<vmem>> -> memref<1x64xf32, #tpu.memory_space<vmem>>
        %dma_start3A_292 = tpu.memref_squeeze %dma_start3A_291 : memref<1x64xf32, #tpu.memory_space<vmem>> -> memref<64xf32, #tpu.memory_space<vmem>>
        %dma_start3A_293 = arith.constant 0 : i32
        %dma_start3A_294 = tpu.memref_slice %arg4[%squeeze3A_283, %dma_start3A_293] : memref<1000000x64xf32, #tpu.memory_space<hbm>> -> memref<1x64xf32, #tpu.memory_space<hbm>>
        %dma_start3A_295 = tpu.memref_squeeze %dma_start3A_294 : memref<1x64xf32, #tpu.memory_space<hbm>> -> memref<64xf32, #tpu.memory_space<hbm>>
        tpu.enqueue_dma source(%dma_start3A_295 : memref<64xf32, #tpu.memory_space<hbm>>) target(%dma_start3A_292 : memref<64xf32, #tpu.memory_space<vmem>>) target_semaphore(%arg12 : memref<!tpu.dma_semaphore, #tpu.memory_space<semaphore_mem>>)
        %slice3A_296 = vector.extract_strided_slice %get3A_56 {offsets = [7], sizes = [1], strides = [1]} : vector<16xi32> to vector<1xi32>
        %squeeze3A_297 = vector.extract %slice3A_296[0] : i32 from vector<1xi32>
        %dma_start3A_298 = arith.constant 0 : i32
        %dma_start3A_299 = tpu.memref_slice %arg10[%add3A_281, %dma_start3A_298] : memref<128x64xf32, #tpu.memory_space<vmem>> -> memref<1x64xf32, #tpu.memory_space<vmem>>
        %dma_start3A_300 = tpu.memref_squeeze %dma_start3A_299 : memref<1x64xf32, #tpu.memory_space<vmem>> -> memref<64xf32, #tpu.memory_space<vmem>>
        %dma_start3A_301 = arith.constant 0 : i32
        %dma_start3A_302 = tpu.memref_slice %arg5[%squeeze3A_297, %dma_start3A_301] : memref<1000000x64xf32, #tpu.memory_space<hbm>> -> memref<1x64xf32, #tpu.memory_space<hbm>>
        %dma_start3A_303 = tpu.memref_squeeze %dma_start3A_302 : memref<1x64xf32, #tpu.memory_space<hbm>> -> memref<64xf32, #tpu.memory_space<hbm>>
        %dma_start3A_304 = arith.constant 0 : i32
        %dma_start3A_305 = tpu.memref_slice %arg10[%add3A_281, %dma_start3A_304] : memref<128x64xf32, #tpu.memory_space<vmem>> -> memref<1x64xf32, #tpu.memory_space<vmem>>
        %dma_start3A_306 = tpu.memref_squeeze %dma_start3A_305 : memref<1x64xf32, #tpu.memory_space<vmem>> -> memref<64xf32, #tpu.memory_space<vmem>>
        %dma_start3A_307 = arith.constant 0 : i32
        %dma_start3A_308 = tpu.memref_slice %arg5[%squeeze3A_297, %dma_start3A_307] : memref<1000000x64xf32, #tpu.memory_space<hbm>> -> memref<1x64xf32, #tpu.memory_space<hbm>>
        %dma_start3A_309 = tpu.memref_squeeze %dma_start3A_308 : memref<1x64xf32, #tpu.memory_space<hbm>> -> memref<64xf32, #tpu.memory_space<hbm>>
        tpu.enqueue_dma source(%dma_start3A_309 : memref<64xf32, #tpu.memory_space<hbm>>) target(%dma_start3A_306 : memref<64xf32, #tpu.memory_space<vmem>>) target_semaphore(%arg13 : memref<!tpu.dma_semaphore, #tpu.memory_space<semaphore_mem>>)
        %mul3A_310 = arith.constant 16 : i32
        %mul3A_311 = arith.muli %scan3A_44, %mul3A_310 : i32
        %add3A_312 = arith.constant 8 : i32
        %add3A_313 = arith.addi %mul3A_311, %add3A_312 : i32
        %slice3A_314 = vector.extract_strided_slice %get3A_50 {offsets = [8], sizes = [1], strides = [1]} : vector<16xi32> to vector<1xi32>
        %squeeze3A_315 = vector.extract %slice3A_314[0] : i32 from vector<1xi32>
        %dma_start3A_316 = arith.constant 0 : i32
        %dma_start3A_317 = tpu.memref_slice %arg9[%add3A_313, %dma_start3A_316] : memref<128x64xf32, #tpu.memory_space<vmem>> -> memref<1x64xf32, #tpu.memory_space<vmem>>
        %dma_start3A_318 = tpu.memref_squeeze %dma_start3A_317 : memref<1x64xf32, #tpu.memory_space<vmem>> -> memref<64xf32, #tpu.memory_space<vmem>>
        %dma_start3A_319 = arith.constant 0 : i32
        %dma_start3A_320 = tpu.memref_slice %arg4[%squeeze3A_315, %dma_start3A_319] : memref<1000000x64xf32, #tpu.memory_space<hbm>> -> memref<1x64xf32, #tpu.memory_space<hbm>>
        %dma_start3A_321 = tpu.memref_squeeze %dma_start3A_320 : memref<1x64xf32, #tpu.memory_space<hbm>> -> memref<64xf32, #tpu.memory_space<hbm>>
        %dma_start3A_322 = arith.constant 0 : i32
        %dma_start3A_323 = tpu.memref_slice %arg9[%add3A_313, %dma_start3A_322] : memref<128x64xf32, #tpu.memory_space<vmem>> -> memref<1x64xf32, #tpu.memory_space<vmem>>
        %dma_start3A_324 = tpu.memref_squeeze %dma_start3A_323 : memref<1x64xf32, #tpu.memory_space<vmem>> -> memref<64xf32, #tpu.memory_space<vmem>>
        %dma_start3A_325 = arith.constant 0 : i32
        %dma_start3A_326 = tpu.memref_slice %arg4[%squeeze3A_315, %dma_start3A_325] : memref<1000000x64xf32, #tpu.memory_space<hbm>> -> memref<1x64xf32, #tpu.memory_space<hbm>>
        %dma_start3A_327 = tpu.memref_squeeze %dma_start3A_326 : memref<1x64xf32, #tpu.memory_space<hbm>> -> memref<64xf32, #tpu.memory_space<hbm>>
        tpu.enqueue_dma source(%dma_start3A_327 : memref<64xf32, #tpu.memory_space<hbm>>) target(%dma_start3A_324 : memref<64xf32, #tpu.memory_space<vmem>>) target_semaphore(%arg12 : memref<!tpu.dma_semaphore, #tpu.memory_space<semaphore_mem>>)
        %slice3A_328 = vector.extract_strided_slice %get3A_56 {offsets = [8], sizes = [1], strides = [1]} : vector<16xi32> to vector<1xi32>
        %squeeze3A_329 = vector.extract %slice3A_328[0] : i32 from vector<1xi32>
        %dma_start3A_330 = arith.constant 0 : i32
        %dma_start3A_331 = tpu.memref_slice %arg10[%add3A_313, %dma_start3A_330] : memref<128x64xf32, #tpu.memory_space<vmem>> -> memref<1x64xf32, #tpu.memory_space<vmem>>
        %dma_start3A_332 = tpu.memref_squeeze %dma_start3A_331 : memref<1x64xf32, #tpu.memory_space<vmem>> -> memref<64xf32, #tpu.memory_space<vmem>>
        %dma_start3A_333 = arith.constant 0 : i32
        %dma_start3A_334 = tpu.memref_slice %arg5[%squeeze3A_329, %dma_start3A_333] : memref<1000000x64xf32, #tpu.memory_space<hbm>> -> memref<1x64xf32, #tpu.memory_space<hbm>>
        %dma_start3A_335 = tpu.memref_squeeze %dma_start3A_334 : memref<1x64xf32, #tpu.memory_space<hbm>> -> memref<64xf32, #tpu.memory_space<hbm>>
        %dma_start3A_336 = arith.constant 0 : i32
        %dma_start3A_337 = tpu.memref_slice %arg10[%add3A_313, %dma_start3A_336] : memref<128x64xf32, #tpu.memory_space<vmem>> -> memref<1x64xf32, #tpu.memory_space<vmem>>
        %dma_start3A_338 = tpu.memref_squeeze %dma_start3A_337 : memref<1x64xf32, #tpu.memory_space<vmem>> -> memref<64xf32, #tpu.memory_space<vmem>>
        %dma_start3A_339 = arith.constant 0 : i32
        %dma_start3A_340 = tpu.memref_slice %arg5[%squeeze3A_329, %dma_start3A_339] : memref<1000000x64xf32, #tpu.memory_space<hbm>> -> memref<1x64xf32, #tpu.memory_space<hbm>>
        %dma_start3A_341 = tpu.memref_squeeze %dma_start3A_340 : memref<1x64xf32, #tpu.memory_space<hbm>> -> memref<64xf32, #tpu.memory_space<hbm>>
        tpu.enqueue_dma source(%dma_start3A_341 : memref<64xf32, #tpu.memory_space<hbm>>) target(%dma_start3A_338 : memref<64xf32, #tpu.memory_space<vmem>>) target_semaphore(%arg13 : memref<!tpu.dma_semaphore, #tpu.memory_space<semaphore_mem>>)
        %mul3A_342 = arith.constant 16 : i32
        %mul3A_343 = arith.muli %scan3A_44, %mul3A_342 : i32
        %add3A_344 = arith.constant 9 : i32
        %add3A_345 = arith.addi %mul3A_343, %add3A_344 : i32
        %slice3A_346 = vector.extract_strided_slice %get3A_50 {offsets = [9], sizes = [1], strides = [1]} : vector<16xi32> to vector<1xi32>
        %squeeze3A_347 = vector.extract %slice3A_346[0] : i32 from vector<1xi32>
        %dma_start3A_348 = arith.constant 0 : i32
        %dma_start3A_349 = tpu.memref_slice %arg9[%add3A_345, %dma_start3A_348] : memref<128x64xf32, #tpu.memory_space<vmem>> -> memref<1x64xf32, #tpu.memory_space<vmem>>
        %dma_start3A_350 = tpu.memref_squeeze %dma_start3A_349 : memref<1x64xf32, #tpu.memory_space<vmem>> -> memref<64xf32, #tpu.memory_space<vmem>>
        %dma_start3A_351 = arith.constant 0 : i32
        %dma_start3A_352 = tpu.memref_slice %arg4[%squeeze3A_347, %dma_start3A_351] : memref<1000000x64xf32, #tpu.memory_space<hbm>> -> memref<1x64xf32, #tpu.memory_space<hbm>>
        %dma_start3A_353 = tpu.memref_squeeze %dma_start3A_352 : memref<1x64xf32, #tpu.memory_space<hbm>> -> memref<64xf32, #tpu.memory_space<hbm>>
        %dma_start3A_354 = arith.constant 0 : i32
        %dma_start3A_355 = tpu.memref_slice %arg9[%add3A_345, %dma_start3A_354] : memref<128x64xf32, #tpu.memory_space<vmem>> -> memref<1x64xf32, #tpu.memory_space<vmem>>
        %dma_start3A_356 = tpu.memref_squeeze %dma_start3A_355 : memref<1x64xf32, #tpu.memory_space<vmem>> -> memref<64xf32, #tpu.memory_space<vmem>>
        %dma_start3A_357 = arith.constant 0 : i32
        %dma_start3A_358 = tpu.memref_slice %arg4[%squeeze3A_347, %dma_start3A_357] : memref<1000000x64xf32, #tpu.memory_space<hbm>> -> memref<1x64xf32, #tpu.memory_space<hbm>>
        %dma_start3A_359 = tpu.memref_squeeze %dma_start3A_358 : memref<1x64xf32, #tpu.memory_space<hbm>> -> memref<64xf32, #tpu.memory_space<hbm>>
        tpu.enqueue_dma source(%dma_start3A_359 : memref<64xf32, #tpu.memory_space<hbm>>) target(%dma_start3A_356 : memref<64xf32, #tpu.memory_space<vmem>>) target_semaphore(%arg12 : memref<!tpu.dma_semaphore, #tpu.memory_space<semaphore_mem>>)
        %slice3A_360 = vector.extract_strided_slice %get3A_56 {offsets = [9], sizes = [1], strides = [1]} : vector<16xi32> to vector<1xi32>
        %squeeze3A_361 = vector.extract %slice3A_360[0] : i32 from vector<1xi32>
        %dma_start3A_362 = arith.constant 0 : i32
        %dma_start3A_363 = tpu.memref_slice %arg10[%add3A_345, %dma_start3A_362] : memref<128x64xf32, #tpu.memory_space<vmem>> -> memref<1x64xf32, #tpu.memory_space<vmem>>
        %dma_start3A_364 = tpu.memref_squeeze %dma_start3A_363 : memref<1x64xf32, #tpu.memory_space<vmem>> -> memref<64xf32, #tpu.memory_space<vmem>>
        %dma_start3A_365 = arith.constant 0 : i32
        %dma_start3A_366 = tpu.memref_slice %arg5[%squeeze3A_361, %dma_start3A_365] : memref<1000000x64xf32, #tpu.memory_space<hbm>> -> memref<1x64xf32, #tpu.memory_space<hbm>>
        %dma_start3A_367 = tpu.memref_squeeze %dma_start3A_366 : memref<1x64xf32, #tpu.memory_space<hbm>> -> memref<64xf32, #tpu.memory_space<hbm>>
        %dma_start3A_368 = arith.constant 0 : i32
        %dma_start3A_369 = tpu.memref_slice %arg10[%add3A_345, %dma_start3A_368] : memref<128x64xf32, #tpu.memory_space<vmem>> -> memref<1x64xf32, #tpu.memory_space<vmem>>
        %dma_start3A_370 = tpu.memref_squeeze %dma_start3A_369 : memref<1x64xf32, #tpu.memory_space<vmem>> -> memref<64xf32, #tpu.memory_space<vmem>>
        %dma_start3A_371 = arith.constant 0 : i32
        %dma_start3A_372 = tpu.memref_slice %arg5[%squeeze3A_361, %dma_start3A_371] : memref<1000000x64xf32, #tpu.memory_space<hbm>> -> memref<1x64xf32, #tpu.memory_space<hbm>>
        %dma_start3A_373 = tpu.memref_squeeze %dma_start3A_372 : memref<1x64xf32, #tpu.memory_space<hbm>> -> memref<64xf32, #tpu.memory_space<hbm>>
        tpu.enqueue_dma source(%dma_start3A_373 : memref<64xf32, #tpu.memory_space<hbm>>) target(%dma_start3A_370 : memref<64xf32, #tpu.memory_space<vmem>>) target_semaphore(%arg13 : memref<!tpu.dma_semaphore, #tpu.memory_space<semaphore_mem>>)
        %mul3A_374 = arith.constant 16 : i32
        %mul3A_375 = arith.muli %scan3A_44, %mul3A_374 : i32
        %add3A_376 = arith.constant 10 : i32
        %add3A_377 = arith.addi %mul3A_375, %add3A_376 : i32
        %slice3A_378 = vector.extract_strided_slice %get3A_50 {offsets = [10], sizes = [1], strides = [1]} : vector<16xi32> to vector<1xi32>
        %squeeze3A_379 = vector.extract %slice3A_378[0] : i32 from vector<1xi32>
        %dma_start3A_380 = arith.constant 0 : i32
        %dma_start3A_381 = tpu.memref_slice %arg9[%add3A_377, %dma_start3A_380] : memref<128x64xf32, #tpu.memory_space<vmem>> -> memref<1x64xf32, #tpu.memory_space<vmem>>
        %dma_start3A_382 = tpu.memref_squeeze %dma_start3A_381 : memref<1x64xf32, #tpu.memory_space<vmem>> -> memref<64xf32, #tpu.memory_space<vmem>>
        %dma_start3A_383 = arith.constant 0 : i32
        %dma_start3A_384 = tpu.memref_slice %arg4[%squeeze3A_379, %dma_start3A_383] : memref<1000000x64xf32, #tpu.memory_space<hbm>> -> memref<1x64xf32, #tpu.memory_space<hbm>>
        %dma_start3A_385 = tpu.memref_squeeze %dma_start3A_384 : memref<1x64xf32, #tpu.memory_space<hbm>> -> memref<64xf32, #tpu.memory_space<hbm>>
        %dma_start3A_386 = arith.constant 0 : i32
        %dma_start3A_387 = tpu.memref_slice %arg9[%add3A_377, %dma_start3A_386] : memref<128x64xf32, #tpu.memory_space<vmem>> -> memref<1x64xf32, #tpu.memory_space<vmem>>
        %dma_start3A_388 = tpu.memref_squeeze %dma_start3A_387 : memref<1x64xf32, #tpu.memory_space<vmem>> -> memref<64xf32, #tpu.memory_space<vmem>>
        %dma_start3A_389 = arith.constant 0 : i32
        %dma_start3A_390 = tpu.memref_slice %arg4[%squeeze3A_379, %dma_start3A_389] : memref<1000000x64xf32, #tpu.memory_space<hbm>> -> memref<1x64xf32, #tpu.memory_space<hbm>>
        %dma_start3A_391 = tpu.memref_squeeze %dma_start3A_390 : memref<1x64xf32, #tpu.memory_space<hbm>> -> memref<64xf32, #tpu.memory_space<hbm>>
        tpu.enqueue_dma source(%dma_start3A_391 : memref<64xf32, #tpu.memory_space<hbm>>) target(%dma_start3A_388 : memref<64xf32, #tpu.memory_space<vmem>>) target_semaphore(%arg12 : memref<!tpu.dma_semaphore, #tpu.memory_space<semaphore_mem>>)
        %slice3A_392 = vector.extract_strided_slice %get3A_56 {offsets = [10], sizes = [1], strides = [1]} : vector<16xi32> to vector<1xi32>
        %squeeze3A_393 = vector.extract %slice3A_392[0] : i32 from vector<1xi32>
        %dma_start3A_394 = arith.constant 0 : i32
        %dma_start3A_395 = tpu.memref_slice %arg10[%add3A_377, %dma_start3A_394] : memref<128x64xf32, #tpu.memory_space<vmem>> -> memref<1x64xf32, #tpu.memory_space<vmem>>
        %dma_start3A_396 = tpu.memref_squeeze %dma_start3A_395 : memref<1x64xf32, #tpu.memory_space<vmem>> -> memref<64xf32, #tpu.memory_space<vmem>>
        %dma_start3A_397 = arith.constant 0 : i32
        %dma_start3A_398 = tpu.memref_slice %arg5[%squeeze3A_393, %dma_start3A_397] : memref<1000000x64xf32, #tpu.memory_space<hbm>> -> memref<1x64xf32, #tpu.memory_space<hbm>>
        %dma_start3A_399 = tpu.memref_squeeze %dma_start3A_398 : memref<1x64xf32, #tpu.memory_space<hbm>> -> memref<64xf32, #tpu.memory_space<hbm>>
        %dma_start3A_400 = arith.constant 0 : i32
        %dma_start3A_401 = tpu.memref_slice %arg10[%add3A_377, %dma_start3A_400] : memref<128x64xf32, #tpu.memory_space<vmem>> -> memref<1x64xf32, #tpu.memory_space<vmem>>
        %dma_start3A_402 = tpu.memref_squeeze %dma_start3A_401 : memref<1x64xf32, #tpu.memory_space<vmem>> -> memref<64xf32, #tpu.memory_space<vmem>>
        %dma_start3A_403 = arith.constant 0 : i32
        %dma_start3A_404 = tpu.memref_slice %arg5[%squeeze3A_393, %dma_start3A_403] : memref<1000000x64xf32, #tpu.memory_space<hbm>> -> memref<1x64xf32, #tpu.memory_space<hbm>>
        %dma_start3A_405 = tpu.memref_squeeze %dma_start3A_404 : memref<1x64xf32, #tpu.memory_space<hbm>> -> memref<64xf32, #tpu.memory_space<hbm>>
        tpu.enqueue_dma source(%dma_start3A_405 : memref<64xf32, #tpu.memory_space<hbm>>) target(%dma_start3A_402 : memref<64xf32, #tpu.memory_space<vmem>>) target_semaphore(%arg13 : memref<!tpu.dma_semaphore, #tpu.memory_space<semaphore_mem>>)
        %mul3A_406 = arith.constant 16 : i32
        %mul3A_407 = arith.muli %scan3A_44, %mul3A_406 : i32
        %add3A_408 = arith.constant 11 : i32
        %add3A_409 = arith.addi %mul3A_407, %add3A_408 : i32
        %slice3A_410 = vector.extract_strided_slice %get3A_50 {offsets = [11], sizes = [1], strides = [1]} : vector<16xi32> to vector<1xi32>
        %squeeze3A_411 = vector.extract %slice3A_410[0] : i32 from vector<1xi32>
        %dma_start3A_412 = arith.constant 0 : i32
        %dma_start3A_413 = tpu.memref_slice %arg9[%add3A_409, %dma_start3A_412] : memref<128x64xf32, #tpu.memory_space<vmem>> -> memref<1x64xf32, #tpu.memory_space<vmem>>
        %dma_start3A_414 = tpu.memref_squeeze %dma_start3A_413 : memref<1x64xf32, #tpu.memory_space<vmem>> -> memref<64xf32, #tpu.memory_space<vmem>>
        %dma_start3A_415 = arith.constant 0 : i32
        %dma_start3A_416 = tpu.memref_slice %arg4[%squeeze3A_411, %dma_start3A_415] : memref<1000000x64xf32, #tpu.memory_space<hbm>> -> memref<1x64xf32, #tpu.memory_space<hbm>>
        %dma_start3A_417 = tpu.memref_squeeze %dma_start3A_416 : memref<1x64xf32, #tpu.memory_space<hbm>> -> memref<64xf32, #tpu.memory_space<hbm>>
        %dma_start3A_418 = arith.constant 0 : i32
        %dma_start3A_419 = tpu.memref_slice %arg9[%add3A_409, %dma_start3A_418] : memref<128x64xf32, #tpu.memory_space<vmem>> -> memref<1x64xf32, #tpu.memory_space<vmem>>
        %dma_start3A_420 = tpu.memref_squeeze %dma_start3A_419 : memref<1x64xf32, #tpu.memory_space<vmem>> -> memref<64xf32, #tpu.memory_space<vmem>>
        %dma_start3A_421 = arith.constant 0 : i32
        %dma_start3A_422 = tpu.memref_slice %arg4[%squeeze3A_411, %dma_start3A_421] : memref<1000000x64xf32, #tpu.memory_space<hbm>> -> memref<1x64xf32, #tpu.memory_space<hbm>>
        %dma_start3A_423 = tpu.memref_squeeze %dma_start3A_422 : memref<1x64xf32, #tpu.memory_space<hbm>> -> memref<64xf32, #tpu.memory_space<hbm>>
        tpu.enqueue_dma source(%dma_start3A_423 : memref<64xf32, #tpu.memory_space<hbm>>) target(%dma_start3A_420 : memref<64xf32, #tpu.memory_space<vmem>>) target_semaphore(%arg12 : memref<!tpu.dma_semaphore, #tpu.memory_space<semaphore_mem>>)
        %slice3A_424 = vector.extract_strided_slice %get3A_56 {offsets = [11], sizes = [1], strides = [1]} : vector<16xi32> to vector<1xi32>
        %squeeze3A_425 = vector.extract %slice3A_424[0] : i32 from vector<1xi32>
        %dma_start3A_426 = arith.constant 0 : i32
        %dma_start3A_427 = tpu.memref_slice %arg10[%add3A_409, %dma_start3A_426] : memref<128x64xf32, #tpu.memory_space<vmem>> -> memref<1x64xf32, #tpu.memory_space<vmem>>
        %dma_start3A_428 = tpu.memref_squeeze %dma_start3A_427 : memref<1x64xf32, #tpu.memory_space<vmem>> -> memref<64xf32, #tpu.memory_space<vmem>>
        %dma_start3A_429 = arith.constant 0 : i32
        %dma_start3A_430 = tpu.memref_slice %arg5[%squeeze3A_425, %dma_start3A_429] : memref<1000000x64xf32, #tpu.memory_space<hbm>> -> memref<1x64xf32, #tpu.memory_space<hbm>>
        %dma_start3A_431 = tpu.memref_squeeze %dma_start3A_430 : memref<1x64xf32, #tpu.memory_space<hbm>> -> memref<64xf32, #tpu.memory_space<hbm>>
        %dma_start3A_432 = arith.constant 0 : i32
        %dma_start3A_433 = tpu.memref_slice %arg10[%add3A_409, %dma_start3A_432] : memref<128x64xf32, #tpu.memory_space<vmem>> -> memref<1x64xf32, #tpu.memory_space<vmem>>
        %dma_start3A_434 = tpu.memref_squeeze %dma_start3A_433 : memref<1x64xf32, #tpu.memory_space<vmem>> -> memref<64xf32, #tpu.memory_space<vmem>>
        %dma_start3A_435 = arith.constant 0 : i32
        %dma_start3A_436 = tpu.memref_slice %arg5[%squeeze3A_425, %dma_start3A_435] : memref<1000000x64xf32, #tpu.memory_space<hbm>> -> memref<1x64xf32, #tpu.memory_space<hbm>>
        %dma_start3A_437 = tpu.memref_squeeze %dma_start3A_436 : memref<1x64xf32, #tpu.memory_space<hbm>> -> memref<64xf32, #tpu.memory_space<hbm>>
        tpu.enqueue_dma source(%dma_start3A_437 : memref<64xf32, #tpu.memory_space<hbm>>) target(%dma_start3A_434 : memref<64xf32, #tpu.memory_space<vmem>>) target_semaphore(%arg13 : memref<!tpu.dma_semaphore, #tpu.memory_space<semaphore_mem>>)
        %mul3A_438 = arith.constant 16 : i32
        %mul3A_439 = arith.muli %scan3A_44, %mul3A_438 : i32
        %add3A_440 = arith.constant 12 : i32
        %add3A_441 = arith.addi %mul3A_439, %add3A_440 : i32
        %slice3A_442 = vector.extract_strided_slice %get3A_50 {offsets = [12], sizes = [1], strides = [1]} : vector<16xi32> to vector<1xi32>
        %squeeze3A_443 = vector.extract %slice3A_442[0] : i32 from vector<1xi32>
        %dma_start3A_444 = arith.constant 0 : i32
        %dma_start3A_445 = tpu.memref_slice %arg9[%add3A_441, %dma_start3A_444] : memref<128x64xf32, #tpu.memory_space<vmem>> -> memref<1x64xf32, #tpu.memory_space<vmem>>
        %dma_start3A_446 = tpu.memref_squeeze %dma_start3A_445 : memref<1x64xf32, #tpu.memory_space<vmem>> -> memref<64xf32, #tpu.memory_space<vmem>>
        %dma_start3A_447 = arith.constant 0 : i32
        %dma_start3A_448 = tpu.memref_slice %arg4[%squeeze3A_443, %dma_start3A_447] : memref<1000000x64xf32, #tpu.memory_space<hbm>> -> memref<1x64xf32, #tpu.memory_space<hbm>>
        %dma_start3A_449 = tpu.memref_squeeze %dma_start3A_448 : memref<1x64xf32, #tpu.memory_space<hbm>> -> memref<64xf32, #tpu.memory_space<hbm>>
        %dma_start3A_450 = arith.constant 0 : i32
        %dma_start3A_451 = tpu.memref_slice %arg9[%add3A_441, %dma_start3A_450] : memref<128x64xf32, #tpu.memory_space<vmem>> -> memref<1x64xf32, #tpu.memory_space<vmem>>
        %dma_start3A_452 = tpu.memref_squeeze %dma_start3A_451 : memref<1x64xf32, #tpu.memory_space<vmem>> -> memref<64xf32, #tpu.memory_space<vmem>>
        %dma_start3A_453 = arith.constant 0 : i32
        %dma_start3A_454 = tpu.memref_slice %arg4[%squeeze3A_443, %dma_start3A_453] : memref<1000000x64xf32, #tpu.memory_space<hbm>> -> memref<1x64xf32, #tpu.memory_space<hbm>>
        %dma_start3A_455 = tpu.memref_squeeze %dma_start3A_454 : memref<1x64xf32, #tpu.memory_space<hbm>> -> memref<64xf32, #tpu.memory_space<hbm>>
        tpu.enqueue_dma source(%dma_start3A_455 : memref<64xf32, #tpu.memory_space<hbm>>) target(%dma_start3A_452 : memref<64xf32, #tpu.memory_space<vmem>>) target_semaphore(%arg12 : memref<!tpu.dma_semaphore, #tpu.memory_space<semaphore_mem>>)
        %slice3A_456 = vector.extract_strided_slice %get3A_56 {offsets = [12], sizes = [1], strides = [1]} : vector<16xi32> to vector<1xi32>
        %squeeze3A_457 = vector.extract %slice3A_456[0] : i32 from vector<1xi32>
        %dma_start3A_458 = arith.constant 0 : i32
        %dma_start3A_459 = tpu.memref_slice %arg10[%add3A_441, %dma_start3A_458] : memref<128x64xf32, #tpu.memory_space<vmem>> -> memref<1x64xf32, #tpu.memory_space<vmem>>
        %dma_start3A_460 = tpu.memref_squeeze %dma_start3A_459 : memref<1x64xf32, #tpu.memory_space<vmem>> -> memref<64xf32, #tpu.memory_space<vmem>>
        %dma_start3A_461 = arith.constant 0 : i32
        %dma_start3A_462 = tpu.memref_slice %arg5[%squeeze3A_457, %dma_start3A_461] : memref<1000000x64xf32, #tpu.memory_space<hbm>> -> memref<1x64xf32, #tpu.memory_space<hbm>>
        %dma_start3A_463 = tpu.memref_squeeze %dma_start3A_462 : memref<1x64xf32, #tpu.memory_space<hbm>> -> memref<64xf32, #tpu.memory_space<hbm>>
        %dma_start3A_464 = arith.constant 0 : i32
        %dma_start3A_465 = tpu.memref_slice %arg10[%add3A_441, %dma_start3A_464] : memref<128x64xf32, #tpu.memory_space<vmem>> -> memref<1x64xf32, #tpu.memory_space<vmem>>
        %dma_start3A_466 = tpu.memref_squeeze %dma_start3A_465 : memref<1x64xf32, #tpu.memory_space<vmem>> -> memref<64xf32, #tpu.memory_space<vmem>>
        %dma_start3A_467 = arith.constant 0 : i32
        %dma_start3A_468 = tpu.memref_slice %arg5[%squeeze3A_457, %dma_start3A_467] : memref<1000000x64xf32, #tpu.memory_space<hbm>> -> memref<1x64xf32, #tpu.memory_space<hbm>>
        %dma_start3A_469 = tpu.memref_squeeze %dma_start3A_468 : memref<1x64xf32, #tpu.memory_space<hbm>> -> memref<64xf32, #tpu.memory_space<hbm>>
        tpu.enqueue_dma source(%dma_start3A_469 : memref<64xf32, #tpu.memory_space<hbm>>) target(%dma_start3A_466 : memref<64xf32, #tpu.memory_space<vmem>>) target_semaphore(%arg13 : memref<!tpu.dma_semaphore, #tpu.memory_space<semaphore_mem>>)
        %mul3A_470 = arith.constant 16 : i32
        %mul3A_471 = arith.muli %scan3A_44, %mul3A_470 : i32
        %add3A_472 = arith.constant 13 : i32
        %add3A_473 = arith.addi %mul3A_471, %add3A_472 : i32
        %slice3A_474 = vector.extract_strided_slice %get3A_50 {offsets = [13], sizes = [1], strides = [1]} : vector<16xi32> to vector<1xi32>
        %squeeze3A_475 = vector.extract %slice3A_474[0] : i32 from vector<1xi32>
        %dma_start3A_476 = arith.constant 0 : i32
        %dma_start3A_477 = tpu.memref_slice %arg9[%add3A_473, %dma_start3A_476] : memref<128x64xf32, #tpu.memory_space<vmem>> -> memref<1x64xf32, #tpu.memory_space<vmem>>
        %dma_start3A_478 = tpu.memref_squeeze %dma_start3A_477 : memref<1x64xf32, #tpu.memory_space<vmem>> -> memref<64xf32, #tpu.memory_space<vmem>>
        %dma_start3A_479 = arith.constant 0 : i32
        %dma_start3A_480 = tpu.memref_slice %arg4[%squeeze3A_475, %dma_start3A_479] : memref<1000000x64xf32, #tpu.memory_space<hbm>> -> memref<1x64xf32, #tpu.memory_space<hbm>>
        %dma_start3A_481 = tpu.memref_squeeze %dma_start3A_480 : memref<1x64xf32, #tpu.memory_space<hbm>> -> memref<64xf32, #tpu.memory_space<hbm>>
        %dma_start3A_482 = arith.constant 0 : i32
        %dma_start3A_483 = tpu.memref_slice %arg9[%add3A_473, %dma_start3A_482] : memref<128x64xf32, #tpu.memory_space<vmem>> -> memref<1x64xf32, #tpu.memory_space<vmem>>
        %dma_start3A_484 = tpu.memref_squeeze %dma_start3A_483 : memref<1x64xf32, #tpu.memory_space<vmem>> -> memref<64xf32, #tpu.memory_space<vmem>>
        %dma_start3A_485 = arith.constant 0 : i32
        %dma_start3A_486 = tpu.memref_slice %arg4[%squeeze3A_475, %dma_start3A_485] : memref<1000000x64xf32, #tpu.memory_space<hbm>> -> memref<1x64xf32, #tpu.memory_space<hbm>>
        %dma_start3A_487 = tpu.memref_squeeze %dma_start3A_486 : memref<1x64xf32, #tpu.memory_space<hbm>> -> memref<64xf32, #tpu.memory_space<hbm>>
        tpu.enqueue_dma source(%dma_start3A_487 : memref<64xf32, #tpu.memory_space<hbm>>) target(%dma_start3A_484 : memref<64xf32, #tpu.memory_space<vmem>>) target_semaphore(%arg12 : memref<!tpu.dma_semaphore, #tpu.memory_space<semaphore_mem>>)
        %slice3A_488 = vector.extract_strided_slice %get3A_56 {offsets = [13], sizes = [1], strides = [1]} : vector<16xi32> to vector<1xi32>
        %squeeze3A_489 = vector.extract %slice3A_488[0] : i32 from vector<1xi32>
        %dma_start3A_490 = arith.constant 0 : i32
        %dma_start3A_491 = tpu.memref_slice %arg10[%add3A_473, %dma_start3A_490] : memref<128x64xf32, #tpu.memory_space<vmem>> -> memref<1x64xf32, #tpu.memory_space<vmem>>
        %dma_start3A_492 = tpu.memref_squeeze %dma_start3A_491 : memref<1x64xf32, #tpu.memory_space<vmem>> -> memref<64xf32, #tpu.memory_space<vmem>>
        %dma_start3A_493 = arith.constant 0 : i32
        %dma_start3A_494 = tpu.memref_slice %arg5[%squeeze3A_489, %dma_start3A_493] : memref<1000000x64xf32, #tpu.memory_space<hbm>> -> memref<1x64xf32, #tpu.memory_space<hbm>>
        %dma_start3A_495 = tpu.memref_squeeze %dma_start3A_494 : memref<1x64xf32, #tpu.memory_space<hbm>> -> memref<64xf32, #tpu.memory_space<hbm>>
        %dma_start3A_496 = arith.constant 0 : i32
        %dma_start3A_497 = tpu.memref_slice %arg10[%add3A_473, %dma_start3A_496] : memref<128x64xf32, #tpu.memory_space<vmem>> -> memref<1x64xf32, #tpu.memory_space<vmem>>
        %dma_start3A_498 = tpu.memref_squeeze %dma_start3A_497 : memref<1x64xf32, #tpu.memory_space<vmem>> -> memref<64xf32, #tpu.memory_space<vmem>>
        %dma_start3A_499 = arith.constant 0 : i32
        %dma_start3A_500 = tpu.memref_slice %arg5[%squeeze3A_489, %dma_start3A_499] : memref<1000000x64xf32, #tpu.memory_space<hbm>> -> memref<1x64xf32, #tpu.memory_space<hbm>>
        %dma_start3A_501 = tpu.memref_squeeze %dma_start3A_500 : memref<1x64xf32, #tpu.memory_space<hbm>> -> memref<64xf32, #tpu.memory_space<hbm>>
        tpu.enqueue_dma source(%dma_start3A_501 : memref<64xf32, #tpu.memory_space<hbm>>) target(%dma_start3A_498 : memref<64xf32, #tpu.memory_space<vmem>>) target_semaphore(%arg13 : memref<!tpu.dma_semaphore, #tpu.memory_space<semaphore_mem>>)
        %mul3A_502 = arith.constant 16 : i32
        %mul3A_503 = arith.muli %scan3A_44, %mul3A_502 : i32
        %add3A_504 = arith.constant 14 : i32
        %add3A_505 = arith.addi %mul3A_503, %add3A_504 : i32
        %slice3A_506 = vector.extract_strided_slice %get3A_50 {offsets = [14], sizes = [1], strides = [1]} : vector<16xi32> to vector<1xi32>
        %squeeze3A_507 = vector.extract %slice3A_506[0] : i32 from vector<1xi32>
        %dma_start3A_508 = arith.constant 0 : i32
        %dma_start3A_509 = tpu.memref_slice %arg9[%add3A_505, %dma_start3A_508] : memref<128x64xf32, #tpu.memory_space<vmem>> -> memref<1x64xf32, #tpu.memory_space<vmem>>
        %dma_start3A_510 = tpu.memref_squeeze %dma_start3A_509 : memref<1x64xf32, #tpu.memory_space<vmem>> -> memref<64xf32, #tpu.memory_space<vmem>>
        %dma_start3A_511 = arith.constant 0 : i32
        %dma_start3A_512 = tpu.memref_slice %arg4[%squeeze3A_507, %dma_start3A_511] : memref<1000000x64xf32, #tpu.memory_space<hbm>> -> memref<1x64xf32, #tpu.memory_space<hbm>>
        %dma_start3A_513 = tpu.memref_squeeze %dma_start3A_512 : memref<1x64xf32, #tpu.memory_space<hbm>> -> memref<64xf32, #tpu.memory_space<hbm>>
        %dma_start3A_514 = arith.constant 0 : i32
        %dma_start3A_515 = tpu.memref_slice %arg9[%add3A_505, %dma_start3A_514] : memref<128x64xf32, #tpu.memory_space<vmem>> -> memref<1x64xf32, #tpu.memory_space<vmem>>
        %dma_start3A_516 = tpu.memref_squeeze %dma_start3A_515 : memref<1x64xf32, #tpu.memory_space<vmem>> -> memref<64xf32, #tpu.memory_space<vmem>>
        %dma_start3A_517 = arith.constant 0 : i32
        %dma_start3A_518 = tpu.memref_slice %arg4[%squeeze3A_507, %dma_start3A_517] : memref<1000000x64xf32, #tpu.memory_space<hbm>> -> memref<1x64xf32, #tpu.memory_space<hbm>>
        %dma_start3A_519 = tpu.memref_squeeze %dma_start3A_518 : memref<1x64xf32, #tpu.memory_space<hbm>> -> memref<64xf32, #tpu.memory_space<hbm>>
        tpu.enqueue_dma source(%dma_start3A_519 : memref<64xf32, #tpu.memory_space<hbm>>) target(%dma_start3A_516 : memref<64xf32, #tpu.memory_space<vmem>>) target_semaphore(%arg12 : memref<!tpu.dma_semaphore, #tpu.memory_space<semaphore_mem>>)
        %slice3A_520 = vector.extract_strided_slice %get3A_56 {offsets = [14], sizes = [1], strides = [1]} : vector<16xi32> to vector<1xi32>
        %squeeze3A_521 = vector.extract %slice3A_520[0] : i32 from vector<1xi32>
        %dma_start3A_522 = arith.constant 0 : i32
        %dma_start3A_523 = tpu.memref_slice %arg10[%add3A_505, %dma_start3A_522] : memref<128x64xf32, #tpu.memory_space<vmem>> -> memref<1x64xf32, #tpu.memory_space<vmem>>
        %dma_start3A_524 = tpu.memref_squeeze %dma_start3A_523 : memref<1x64xf32, #tpu.memory_space<vmem>> -> memref<64xf32, #tpu.memory_space<vmem>>
        %dma_start3A_525 = arith.constant 0 : i32
        %dma_start3A_526 = tpu.memref_slice %arg5[%squeeze3A_521, %dma_start3A_525] : memref<1000000x64xf32, #tpu.memory_space<hbm>> -> memref<1x64xf32, #tpu.memory_space<hbm>>
        %dma_start3A_527 = tpu.memref_squeeze %dma_start3A_526 : memref<1x64xf32, #tpu.memory_space<hbm>> -> memref<64xf32, #tpu.memory_space<hbm>>
        %dma_start3A_528 = arith.constant 0 : i32
        %dma_start3A_529 = tpu.memref_slice %arg10[%add3A_505, %dma_start3A_528] : memref<128x64xf32, #tpu.memory_space<vmem>> -> memref<1x64xf32, #tpu.memory_space<vmem>>
        %dma_start3A_530 = tpu.memref_squeeze %dma_start3A_529 : memref<1x64xf32, #tpu.memory_space<vmem>> -> memref<64xf32, #tpu.memory_space<vmem>>
        %dma_start3A_531 = arith.constant 0 : i32
        %dma_start3A_532 = tpu.memref_slice %arg5[%squeeze3A_521, %dma_start3A_531] : memref<1000000x64xf32, #tpu.memory_space<hbm>> -> memref<1x64xf32, #tpu.memory_space<hbm>>
        %dma_start3A_533 = tpu.memref_squeeze %dma_start3A_532 : memref<1x64xf32, #tpu.memory_space<hbm>> -> memref<64xf32, #tpu.memory_space<hbm>>
        tpu.enqueue_dma source(%dma_start3A_533 : memref<64xf32, #tpu.memory_space<hbm>>) target(%dma_start3A_530 : memref<64xf32, #tpu.memory_space<vmem>>) target_semaphore(%arg13 : memref<!tpu.dma_semaphore, #tpu.memory_space<semaphore_mem>>)
        %mul3A_534 = arith.constant 16 : i32
        %mul3A_535 = arith.muli %scan3A_44, %mul3A_534 : i32
        %add3A_536 = arith.constant 15 : i32
        %add3A_537 = arith.addi %mul3A_535, %add3A_536 : i32
        %slice3A_538 = vector.extract_strided_slice %get3A_50 {offsets = [15], sizes = [1], strides = [1]} : vector<16xi32> to vector<1xi32>
        %squeeze3A_539 = vector.extract %slice3A_538[0] : i32 from vector<1xi32>
        %dma_start3A_540 = arith.constant 0 : i32
        %dma_start3A_541 = tpu.memref_slice %arg9[%add3A_537, %dma_start3A_540] : memref<128x64xf32, #tpu.memory_space<vmem>> -> memref<1x64xf32, #tpu.memory_space<vmem>>
        %dma_start3A_542 = tpu.memref_squeeze %dma_start3A_541 : memref<1x64xf32, #tpu.memory_space<vmem>> -> memref<64xf32, #tpu.memory_space<vmem>>
        %dma_start3A_543 = arith.constant 0 : i32
        %dma_start3A_544 = tpu.memref_slice %arg4[%squeeze3A_539, %dma_start3A_543] : memref<1000000x64xf32, #tpu.memory_space<hbm>> -> memref<1x64xf32, #tpu.memory_space<hbm>>
        %dma_start3A_545 = tpu.memref_squeeze %dma_start3A_544 : memref<1x64xf32, #tpu.memory_space<hbm>> -> memref<64xf32, #tpu.memory_space<hbm>>
        %dma_start3A_546 = arith.constant 0 : i32
        %dma_start3A_547 = tpu.memref_slice %arg9[%add3A_537, %dma_start3A_546] : memref<128x64xf32, #tpu.memory_space<vmem>> -> memref<1x64xf32, #tpu.memory_space<vmem>>
        %dma_start3A_548 = tpu.memref_squeeze %dma_start3A_547 : memref<1x64xf32, #tpu.memory_space<vmem>> -> memref<64xf32, #tpu.memory_space<vmem>>
        %dma_start3A_549 = arith.constant 0 : i32
        %dma_start3A_550 = tpu.memref_slice %arg4[%squeeze3A_539, %dma_start3A_549] : memref<1000000x64xf32, #tpu.memory_space<hbm>> -> memref<1x64xf32, #tpu.memory_space<hbm>>
        %dma_start3A_551 = tpu.memref_squeeze %dma_start3A_550 : memref<1x64xf32, #tpu.memory_space<hbm>> -> memref<64xf32, #tpu.memory_space<hbm>>
        tpu.enqueue_dma source(%dma_start3A_551 : memref<64xf32, #tpu.memory_space<hbm>>) target(%dma_start3A_548 : memref<64xf32, #tpu.memory_space<vmem>>) target_semaphore(%arg12 : memref<!tpu.dma_semaphore, #tpu.memory_space<semaphore_mem>>)
        %slice3A_552 = vector.extract_strided_slice %get3A_56 {offsets = [15], sizes = [1], strides = [1]} : vector<16xi32> to vector<1xi32>
        %squeeze3A_553 = vector.extract %slice3A_552[0] : i32 from vector<1xi32>
        %dma_start3A_554 = arith.constant 0 : i32
        %dma_start3A_555 = tpu.memref_slice %arg10[%add3A_537, %dma_start3A_554] : memref<128x64xf32, #tpu.memory_space<vmem>> -> memref<1x64xf32, #tpu.memory_space<vmem>>
        %dma_start3A_556 = tpu.memref_squeeze %dma_start3A_555 : memref<1x64xf32, #tpu.memory_space<vmem>> -> memref<64xf32, #tpu.memory_space<vmem>>
        %dma_start3A_557 = arith.constant 0 : i32
        %dma_start3A_558 = tpu.memref_slice %arg5[%squeeze3A_553, %dma_start3A_557] : memref<1000000x64xf32, #tpu.memory_space<hbm>> -> memref<1x64xf32, #tpu.memory_space<hbm>>
        %dma_start3A_559 = tpu.memref_squeeze %dma_start3A_558 : memref<1x64xf32, #tpu.memory_space<hbm>> -> memref<64xf32, #tpu.memory_space<hbm>>
        %dma_start3A_560 = arith.constant 0 : i32
        %dma_start3A_561 = tpu.memref_slice %arg10[%add3A_537, %dma_start3A_560] : memref<128x64xf32, #tpu.memory_space<vmem>> -> memref<1x64xf32, #tpu.memory_space<vmem>>
        %dma_start3A_562 = tpu.memref_squeeze %dma_start3A_561 : memref<1x64xf32, #tpu.memory_space<vmem>> -> memref<64xf32, #tpu.memory_space<vmem>>
        %dma_start3A_563 = arith.constant 0 : i32
        %dma_start3A_564 = tpu.memref_slice %arg5[%squeeze3A_553, %dma_start3A_563] : memref<1000000x64xf32, #tpu.memory_space<hbm>> -> memref<1x64xf32, #tpu.memory_space<hbm>>
        %dma_start3A_565 = tpu.memref_squeeze %dma_start3A_564 : memref<1x64xf32, #tpu.memory_space<hbm>> -> memref<64xf32, #tpu.memory_space<hbm>>
        tpu.enqueue_dma source(%dma_start3A_565 : memref<64xf32, #tpu.memory_space<hbm>>) target(%dma_start3A_562 : memref<64xf32, #tpu.memory_space<vmem>>) target_semaphore(%arg13 : memref<!tpu.dma_semaphore, #tpu.memory_space<semaphore_mem>>)
        %scan3A_566 = arith.constant 0 : i32
        scf.yield %scan3A_566 : i32
      }
      %scan3A_28 = arith.constant 8 : i32
      %scan3A_29 = arith.constant 0 : i32
      %scan3A_30 = arith.constant 0 : i32
      %scan3A_31 = arith.constant 128 : i32
      %scan3A_32 = arith.addi %scan3A_30, %scan3A_31 : i32
      %scan3A_33 = arith.constant 1 : i32
      %scan3A_34 = scf.for %scan3A_44 = %scan3A_30 to %scan3A_32 step %scan3A_33 iter_args(%scan3A_45 = %scan3A_29) -> (i32)  : i32 {
        %dma_wait3A = arith.constant 0 : i32
        %dma_wait3A_46 = arith.constant 0 : i32
        %dma_wait3A_47 = tpu.memref_slice %arg9[%scan3A_44, %dma_wait3A_46] : memref<128x64xf32, #tpu.memory_space<vmem>> -> memref<1x64xf32, #tpu.memory_space<vmem>>
        %dma_wait3A_48 = tpu.memref_squeeze %dma_wait3A_47 : memref<1x64xf32, #tpu.memory_space<vmem>> -> memref<64xf32, #tpu.memory_space<vmem>>
        %dma_wait3A_49 = arith.constant 0 : i32
        %dma_wait3A_50 = tpu.memref_slice %arg4[%dma_wait3A, %dma_wait3A_49] : memref<1000000x64xf32, #tpu.memory_space<hbm>> -> memref<1x64xf32, #tpu.memory_space<hbm>>
        %dma_wait3A_51 = tpu.memref_squeeze %dma_wait3A_50 : memref<1x64xf32, #tpu.memory_space<hbm>> -> memref<64xf32, #tpu.memory_space<hbm>>
        %dma_wait3A_52 = arith.constant 0 : i32
        %dma_wait3A_53 = tpu.memref_slice %arg9[%scan3A_44, %dma_wait3A_52] : memref<128x64xf32, #tpu.memory_space<vmem>> -> memref<1x64xf32, #tpu.memory_space<vmem>>
        %dma_wait3A_54 = tpu.memref_squeeze %dma_wait3A_53 : memref<1x64xf32, #tpu.memory_space<vmem>> -> memref<64xf32, #tpu.memory_space<vmem>>
        %dma_wait3A_55 = arith.constant 0 : i32
        %dma_wait3A_56 = tpu.memref_slice %arg4[%dma_wait3A, %dma_wait3A_55] : memref<1000000x64xf32, #tpu.memory_space<hbm>> -> memref<1x64xf32, #tpu.memory_space<hbm>>
        %dma_wait3A_57 = tpu.memref_squeeze %dma_wait3A_56 : memref<1x64xf32, #tpu.memory_space<hbm>> -> memref<64xf32, #tpu.memory_space<hbm>>
        tpu.wait_dma2 semaphore(%arg12 : memref<!tpu.dma_semaphore, #tpu.memory_space<semaphore_mem>>) src(%dma_wait3A_57 : memref<64xf32, #tpu.memory_space<hbm>>) dst(%dma_wait3A_54 : memref<64xf32, #tpu.memory_space<vmem>>)
        %dma_wait3A_58 = arith.constant 0 : i32
        %dma_wait3A_59 = arith.constant 0 : i32
        %dma_wait3A_60 = tpu.memref_slice %arg10[%scan3A_44, %dma_wait3A_59] : memref<128x64xf32, #tpu.memory_space<vmem>> -> memref<1x64xf32, #tpu.memory_space<vmem>>
        %dma_wait3A_61 = tpu.memref_squeeze %dma_wait3A_60 : memref<1x64xf32, #tpu.memory_space<vmem>> -> memref<64xf32, #tpu.memory_space<vmem>>
        %dma_wait3A_62 = arith.constant 0 : i32
        %dma_wait3A_63 = tpu.memref_slice %arg5[%dma_wait3A_58, %dma_wait3A_62] : memref<1000000x64xf32, #tpu.memory_space<hbm>> -> memref<1x64xf32, #tpu.memory_space<hbm>>
        %dma_wait3A_64 = tpu.memref_squeeze %dma_wait3A_63 : memref<1x64xf32, #tpu.memory_space<hbm>> -> memref<64xf32, #tpu.memory_space<hbm>>
        %dma_wait3A_65 = arith.constant 0 : i32
        %dma_wait3A_66 = tpu.memref_slice %arg10[%scan3A_44, %dma_wait3A_65] : memref<128x64xf32, #tpu.memory_space<vmem>> -> memref<1x64xf32, #tpu.memory_space<vmem>>
        %dma_wait3A_67 = tpu.memref_squeeze %dma_wait3A_66 : memref<1x64xf32, #tpu.memory_space<vmem>> -> memref<64xf32, #tpu.memory_space<vmem>>
        %dma_wait3A_68 = arith.constant 0 : i32
        %dma_wait3A_69 = tpu.memref_slice %arg5[%dma_wait3A_58, %dma_wait3A_68] : memref<1000000x64xf32, #tpu.memory_space<hbm>> -> memref<1x64xf32, #tpu.memory_space<hbm>>
        %dma_wait3A_70 = tpu.memref_squeeze %dma_wait3A_69 : memref<1x64xf32, #tpu.memory_space<hbm>> -> memref<64xf32, #tpu.memory_space<hbm>>
        tpu.wait_dma2 semaphore(%arg13 : memref<!tpu.dma_semaphore, #tpu.memory_space<semaphore_mem>>) src(%dma_wait3A_70 : memref<64xf32, #tpu.memory_space<hbm>>) dst(%dma_wait3A_67 : memref<64xf32, #tpu.memory_space<vmem>>)
        %scan3A_71 = arith.constant 0 : i32
        scf.yield %scan3A_71 : i32
      }
      %scan3A_35 = arith.constant 128 : i32
      %scan3A_36 = arith.constant 0 : i32
      %scan3A_37 = arith.constant 0 : i32
      %scan3A_38 = arith.constant 8 : i32
      %scan3A_39 = arith.addi %scan3A_37, %scan3A_38 : i32
      %scan3A_40 = arith.constant 1 : i32
      %scan3A_41 = scf.for %scan3A_44 = %scan3A_37 to %scan3A_39 step %scan3A_40 iter_args(%scan3A_45 = %scan3A_36) -> (i32)  : i32 {
        %broadcast_in_dim3A = arith.constant 0.000000e+00 : f32
        %broadcast_in_dim3A_46 = vector.broadcast %broadcast_in_dim3A : f32 to vector<16xf32>
        %mul3A_47 = arith.constant 16 : i32
        %mul3A_48 = arith.muli %scan3A_44, %mul3A_47 : i32
        %add3A_49 = arith.constant 0 : i32
        %add3A_50 = arith.addi %mul3A_48, %add3A_49 : i32
        %get3A = arith.index_cast %add3A_50 : i32 to index
        %get3A_51 = arith.constant 0 : index
        %get3A_52 = tpu.vector_load %arg9[%get3A, %get3A_51] {strides = array<i32>} : memref<128x64xf32, #tpu.memory_space<vmem>>, vector<1x16xf32>,
        %get3A_53 = vector.shape_cast %get3A_52 : vector<1x16xf32> to vector<16xf32>
        %get3A_54 = arith.index_cast %add3A_50 : i32 to index
        %get3A_55 = arith.constant 0 : index
        %get3A_56 = tpu.vector_load %arg10[%get3A_54, %get3A_55] {strides = array<i32>} : memref<128x64xf32, #tpu.memory_space<vmem>>, vector<1x16xf32>,
        %get3A_57 = vector.shape_cast %get3A_56 : vector<1x16xf32> to vector<16xf32>
        %mul3A_58 = arith.mulf %get3A_53, %get3A_57 : vector<16xf32>
        %get3A_59 = arith.index_cast %add3A_50 : i32 to index
        %get3A_60 = arith.constant 16 : index
        %get3A_61 = tpu.vector_load %arg9[%get3A_59, %get3A_60] {strides = array<i32>} : memref<128x64xf32, #tpu.memory_space<vmem>>, vector<1x16xf32>,
        %get3A_62 = vector.shape_cast %get3A_61 : vector<1x16xf32> to vector<16xf32>
        %get3A_63 = arith.index_cast %add3A_50 : i32 to index
        %get3A_64 = arith.constant 16 : index
        %get3A_65 = tpu.vector_load %arg10[%get3A_63, %get3A_64] {strides = array<i32>} : memref<128x64xf32, #tpu.memory_space<vmem>>, vector<1x16xf32>,
        %get3A_66 = vector.shape_cast %get3A_65 : vector<1x16xf32> to vector<16xf32>
        %mul3A_67 = arith.mulf %get3A_62, %get3A_66 : vector<16xf32>
        %add3A_68 = arith.addf %mul3A_58, %mul3A_67 : vector<16xf32>
        %get3A_69 = arith.index_cast %add3A_50 : i32 to index
        %get3A_70 = arith.constant 32 : index
        %get3A_71 = tpu.vector_load %arg9[%get3A_69, %get3A_70] {strides = array<i32>} : memref<128x64xf32, #tpu.memory_space<vmem>>, vector<1x16xf32>,
        %get3A_72 = vector.shape_cast %get3A_71 : vector<1x16xf32> to vector<16xf32>
        %get3A_73 = arith.index_cast %add3A_50 : i32 to index
        %get3A_74 = arith.constant 32 : index
        %get3A_75 = tpu.vector_load %arg10[%get3A_73, %get3A_74] {strides = array<i32>} : memref<128x64xf32, #tpu.memory_space<vmem>>, vector<1x16xf32>,
        %get3A_76 = vector.shape_cast %get3A_75 : vector<1x16xf32> to vector<16xf32>
        %mul3A_77 = arith.mulf %get3A_72, %get3A_76 : vector<16xf32>
        %add3A_78 = arith.addf %add3A_68, %mul3A_77 : vector<16xf32>
        %get3A_79 = arith.index_cast %add3A_50 : i32 to index
        %get3A_80 = arith.constant 48 : index
        %get3A_81 = tpu.vector_load %arg9[%get3A_79, %get3A_80] {strides = array<i32>} : memref<128x64xf32, #tpu.memory_space<vmem>>, vector<1x16xf32>,
        %get3A_82 = vector.shape_cast %get3A_81 : vector<1x16xf32> to vector<16xf32>
        %get3A_83 = arith.index_cast %add3A_50 : i32 to index
        %get3A_84 = arith.constant 48 : index
        %get3A_85 = tpu.vector_load %arg10[%get3A_83, %get3A_84] {strides = array<i32>} : memref<128x64xf32, #tpu.memory_space<vmem>>, vector<1x16xf32>,
        %get3A_86 = vector.shape_cast %get3A_85 : vector<1x16xf32> to vector<16xf32>
        %mul3A_87 = arith.mulf %get3A_82, %get3A_86 : vector<16xf32>
        %add3A_88 = arith.addf %add3A_78, %mul3A_87 : vector<16xf32>
        %broadcast_in_dim3A_89 = vector.shape_cast %xor3A_2 : vector<16xi32> to vector<16x1xi32>
        %gather3A = vector.shape_cast %broadcast_in_dim3A_89 : vector<16x1xi32> to vector<16xi32>
        %gather3A_90 = tpu.dynamic_gather %add3A_88[%gather3A] in [0] : vector<16xf32>, vector<16xi32> -> vector<16xf32>
        %add3A_91 = arith.addf %add3A_88, %gather3A_90 : vector<16xf32>
        %broadcast_in_dim3A_92 = vector.shape_cast %xor3A_5 : vector<16xi32> to vector<16x1xi32>
        %gather3A_93 = vector.shape_cast %broadcast_in_dim3A_92 : vector<16x1xi32> to vector<16xi32>
        %gather3A_94 = tpu.dynamic_gather %add3A_91[%gather3A_93] in [0] : vector<16xf32>, vector<16xi32> -> vector<16xf32>
        %add3A_95 = arith.addf %add3A_91, %gather3A_94 : vector<16xf32>
        %broadcast_in_dim3A_96 = vector.shape_cast %xor3A_8 : vector<16xi32> to vector<16x1xi32>
        %gather3A_97 = vector.shape_cast %broadcast_in_dim3A_96 : vector<16x1xi32> to vector<16xi32>
        %gather3A_98 = tpu.dynamic_gather %add3A_95[%gather3A_97] in [0] : vector<16xf32>, vector<16xi32> -> vector<16xf32>
        %add3A_99 = arith.addf %add3A_95, %gather3A_98 : vector<16xf32>
        %broadcast_in_dim3A_100 = vector.shape_cast %xor3A_11 : vector<16xi32> to vector<16x1xi32>
        %gather3A_101 = vector.shape_cast %broadcast_in_dim3A_100 : vector<16x1xi32> to vector<16xi32>
        %gather3A_102 = tpu.dynamic_gather %add3A_99[%gather3A_101] in [0] : vector<16xf32>, vector<16xi32> -> vector<16xf32>
        %add3A_103 = arith.addf %add3A_99, %gather3A_102 : vector<16xf32>
        %eq3A = arith.constant 0 : i32
        %eq3A_104 = vector.broadcast %eq3A : i32 to vector<16xi32>
        %eq3A_105 = arith.cmpi eq, %iota3A, %eq3A_104 : vector<16xi32>
        %select_n3A = arith.select %eq3A_105, %add3A_103, %broadcast_in_dim3A_46 : vector<16xi1>, vector<16xf32>
        %mul3A_106 = arith.constant 16 : i32
        %mul3A_107 = arith.muli %scan3A_44, %mul3A_106 : i32
        %add3A_108 = arith.constant 1 : i32
        %add3A_109 = arith.addi %mul3A_107, %add3A_108 : i32
        %get3A_110 = arith.index_cast %add3A_109 : i32 to index
        %get3A_111 = arith.constant 0 : index
        %get3A_112 = tpu.vector_load %arg9[%get3A_110, %get3A_111] {strides = array<i32>} : memref<128x64xf32, #tpu.memory_space<vmem>>, vector<1x16xf32>,
        %get3A_113 = vector.shape_cast %get3A_112 : vector<1x16xf32> to vector<16xf32>
        %get3A_114 = arith.index_cast %add3A_109 : i32 to index
        %get3A_115 = arith.constant 0 : index
        %get3A_116 = tpu.vector_load %arg10[%get3A_114, %get3A_115] {strides = array<i32>} : memref<128x64xf32, #tpu.memory_space<vmem>>, vector<1x16xf32>,
        %get3A_117 = vector.shape_cast %get3A_116 : vector<1x16xf32> to vector<16xf32>
        %mul3A_118 = arith.mulf %get3A_113, %get3A_117 : vector<16xf32>
        %get3A_119 = arith.index_cast %add3A_109 : i32 to index
        %get3A_120 = arith.constant 16 : index
        %get3A_121 = tpu.vector_load %arg9[%get3A_119, %get3A_120] {strides = array<i32>} : memref<128x64xf32, #tpu.memory_space<vmem>>, vector<1x16xf32>,
        %get3A_122 = vector.shape_cast %get3A_121 : vector<1x16xf32> to vector<16xf32>
        %get3A_123 = arith.index_cast %add3A_109 : i32 to index
        %get3A_124 = arith.constant 16 : index
        %get3A_125 = tpu.vector_load %arg10[%get3A_123, %get3A_124] {strides = array<i32>} : memref<128x64xf32, #tpu.memory_space<vmem>>, vector<1x16xf32>,
        %get3A_126 = vector.shape_cast %get3A_125 : vector<1x16xf32> to vector<16xf32>
        %mul3A_127 = arith.mulf %get3A_122, %get3A_126 : vector<16xf32>
        %add3A_128 = arith.addf %mul3A_118, %mul3A_127 : vector<16xf32>
        %get3A_129 = arith.index_cast %add3A_109 : i32 to index
        %get3A_130 = arith.constant 32 : index
        %get3A_131 = tpu.vector_load %arg9[%get3A_129, %get3A_130] {strides = array<i32>} : memref<128x64xf32, #tpu.memory_space<vmem>>, vector<1x16xf32>,
        %get3A_132 = vector.shape_cast %get3A_131 : vector<1x16xf32> to vector<16xf32>
        %get3A_133 = arith.index_cast %add3A_109 : i32 to index
        %get3A_134 = arith.constant 32 : index
        %get3A_135 = tpu.vector_load %arg10[%get3A_133, %get3A_134] {strides = array<i32>} : memref<128x64xf32, #tpu.memory_space<vmem>>, vector<1x16xf32>,
        %get3A_136 = vector.shape_cast %get3A_135 : vector<1x16xf32> to vector<16xf32>
        %mul3A_137 = arith.mulf %get3A_132, %get3A_136 : vector<16xf32>
        %add3A_138 = arith.addf %add3A_128, %mul3A_137 : vector<16xf32>
        %get3A_139 = arith.index_cast %add3A_109 : i32 to index
        %get3A_140 = arith.constant 48 : index
        %get3A_141 = tpu.vector_load %arg9[%get3A_139, %get3A_140] {strides = array<i32>} : memref<128x64xf32, #tpu.memory_space<vmem>>, vector<1x16xf32>,
        %get3A_142 = vector.shape_cast %get3A_141 : vector<1x16xf32> to vector<16xf32>
        %get3A_143 = arith.index_cast %add3A_109 : i32 to index
        %get3A_144 = arith.constant 48 : index
        %get3A_145 = tpu.vector_load %arg10[%get3A_143, %get3A_144] {strides = array<i32>} : memref<128x64xf32, #tpu.memory_space<vmem>>, vector<1x16xf32>,
        %get3A_146 = vector.shape_cast %get3A_145 : vector<1x16xf32> to vector<16xf32>
        %mul3A_147 = arith.mulf %get3A_142, %get3A_146 : vector<16xf32>
        %add3A_148 = arith.addf %add3A_138, %mul3A_147 : vector<16xf32>
        %broadcast_in_dim3A_149 = vector.shape_cast %xor3A_2 : vector<16xi32> to vector<16x1xi32>
        %gather3A_150 = vector.shape_cast %broadcast_in_dim3A_149 : vector<16x1xi32> to vector<16xi32>
        %gather3A_151 = tpu.dynamic_gather %add3A_148[%gather3A_150] in [0] : vector<16xf32>, vector<16xi32> -> vector<16xf32>
        %add3A_152 = arith.addf %add3A_148, %gather3A_151 : vector<16xf32>
        %broadcast_in_dim3A_153 = vector.shape_cast %xor3A_5 : vector<16xi32> to vector<16x1xi32>
        %gather3A_154 = vector.shape_cast %broadcast_in_dim3A_153 : vector<16x1xi32> to vector<16xi32>
        %gather3A_155 = tpu.dynamic_gather %add3A_152[%gather3A_154] in [0] : vector<16xf32>, vector<16xi32> -> vector<16xf32>
        %add3A_156 = arith.addf %add3A_152, %gather3A_155 : vector<16xf32>
        %broadcast_in_dim3A_157 = vector.shape_cast %xor3A_8 : vector<16xi32> to vector<16x1xi32>
        %gather3A_158 = vector.shape_cast %broadcast_in_dim3A_157 : vector<16x1xi32> to vector<16xi32>
        %gather3A_159 = tpu.dynamic_gather %add3A_156[%gather3A_158] in [0] : vector<16xf32>, vector<16xi32> -> vector<16xf32>
        %add3A_160 = arith.addf %add3A_156, %gather3A_159 : vector<16xf32>
        %broadcast_in_dim3A_161 = vector.shape_cast %xor3A_11 : vector<16xi32> to vector<16x1xi32>
        %gather3A_162 = vector.shape_cast %broadcast_in_dim3A_161 : vector<16x1xi32> to vector<16xi32>
        %gather3A_163 = tpu.dynamic_gather %add3A_160[%gather3A_162] in [0] : vector<16xf32>, vector<16xi32> -> vector<16xf32>
        %add3A_164 = arith.addf %add3A_160, %gather3A_163 : vector<16xf32>
        %eq3A_165 = arith.constant 1 : i32
        %eq3A_166 = vector.broadcast %eq3A_165 : i32 to vector<16xi32>
        %eq3A_167 = arith.cmpi eq, %iota3A, %eq3A_166 : vector<16xi32>
        %select_n3A_168 = arith.select %eq3A_167, %add3A_164, %select_n3A : vector<16xi1>, vector<16xf32>
        %mul3A_169 = arith.constant 16 : i32
        %mul3A_170 = arith.muli %scan3A_44, %mul3A_169 : i32
        %add3A_171 = arith.constant 2 : i32
        %add3A_172 = arith.addi %mul3A_170, %add3A_171 : i32
        %get3A_173 = arith.index_cast %add3A_172 : i32 to index
        %get3A_174 = arith.constant 0 : index
        %get3A_175 = tpu.vector_load %arg9[%get3A_173, %get3A_174] {strides = array<i32>} : memref<128x64xf32, #tpu.memory_space<vmem>>, vector<1x16xf32>,
        %get3A_176 = vector.shape_cast %get3A_175 : vector<1x16xf32> to vector<16xf32>
        %get3A_177 = arith.index_cast %add3A_172 : i32 to index
        %get3A_178 = arith.constant 0 : index
        %get3A_179 = tpu.vector_load %arg10[%get3A_177, %get3A_178] {strides = array<i32>} : memref<128x64xf32, #tpu.memory_space<vmem>>, vector<1x16xf32>,
        %get3A_180 = vector.shape_cast %get3A_179 : vector<1x16xf32> to vector<16xf32>
        %mul3A_181 = arith.mulf %get3A_176, %get3A_180 : vector<16xf32>
        %get3A_182 = arith.index_cast %add3A_172 : i32 to index
        %get3A_183 = arith.constant 16 : index
        %get3A_184 = tpu.vector_load %arg9[%get3A_182, %get3A_183] {strides = array<i32>} : memref<128x64xf32, #tpu.memory_space<vmem>>, vector<1x16xf32>,
        %get3A_185 = vector.shape_cast %get3A_184 : vector<1x16xf32> to vector<16xf32>
        %get3A_186 = arith.index_cast %add3A_172 : i32 to index
        %get3A_187 = arith.constant 16 : index
        %get3A_188 = tpu.vector_load %arg10[%get3A_186, %get3A_187] {strides = array<i32>} : memref<128x64xf32, #tpu.memory_space<vmem>>, vector<1x16xf32>,
        %get3A_189 = vector.shape_cast %get3A_188 : vector<1x16xf32> to vector<16xf32>
        %mul3A_190 = arith.mulf %get3A_185, %get3A_189 : vector<16xf32>
        %add3A_191 = arith.addf %mul3A_181, %mul3A_190 : vector<16xf32>
        %get3A_192 = arith.index_cast %add3A_172 : i32 to index
        %get3A_193 = arith.constant 32 : index
        %get3A_194 = tpu.vector_load %arg9[%get3A_192, %get3A_193] {strides = array<i32>} : memref<128x64xf32, #tpu.memory_space<vmem>>, vector<1x16xf32>,
        %get3A_195 = vector.shape_cast %get3A_194 : vector<1x16xf32> to vector<16xf32>
        %get3A_196 = arith.index_cast %add3A_172 : i32 to index
        %get3A_197 = arith.constant 32 : index
        %get3A_198 = tpu.vector_load %arg10[%get3A_196, %get3A_197] {strides = array<i32>} : memref<128x64xf32, #tpu.memory_space<vmem>>, vector<1x16xf32>,
        %get3A_199 = vector.shape_cast %get3A_198 : vector<1x16xf32> to vector<16xf32>
        %mul3A_200 = arith.mulf %get3A_195, %get3A_199 : vector<16xf32>
        %add3A_201 = arith.addf %add3A_191, %mul3A_200 : vector<16xf32>
        %get3A_202 = arith.index_cast %add3A_172 : i32 to index
        %get3A_203 = arith.constant 48 : index
        %get3A_204 = tpu.vector_load %arg9[%get3A_202, %get3A_203] {strides = array<i32>} : memref<128x64xf32, #tpu.memory_space<vmem>>, vector<1x16xf32>,
        %get3A_205 = vector.shape_cast %get3A_204 : vector<1x16xf32> to vector<16xf32>
        %get3A_206 = arith.index_cast %add3A_172 : i32 to index
        %get3A_207 = arith.constant 48 : index
        %get3A_208 = tpu.vector_load %arg10[%get3A_206, %get3A_207] {strides = array<i32>} : memref<128x64xf32, #tpu.memory_space<vmem>>, vector<1x16xf32>,
        %get3A_209 = vector.shape_cast %get3A_208 : vector<1x16xf32> to vector<16xf32>
        %mul3A_210 = arith.mulf %get3A_205, %get3A_209 : vector<16xf32>
        %add3A_211 = arith.addf %add3A_201, %mul3A_210 : vector<16xf32>
        %broadcast_in_dim3A_212 = vector.shape_cast %xor3A_2 : vector<16xi32> to vector<16x1xi32>
        %gather3A_213 = vector.shape_cast %broadcast_in_dim3A_212 : vector<16x1xi32> to vector<16xi32>
        %gather3A_214 = tpu.dynamic_gather %add3A_211[%gather3A_213] in [0] : vector<16xf32>, vector<16xi32> -> vector<16xf32>
        %add3A_215 = arith.addf %add3A_211, %gather3A_214 : vector<16xf32>
        %broadcast_in_dim3A_216 = vector.shape_cast %xor3A_5 : vector<16xi32> to vector<16x1xi32>
        %gather3A_217 = vector.shape_cast %broadcast_in_dim3A_216 : vector<16x1xi32> to vector<16xi32>
        %gather3A_218 = tpu.dynamic_gather %add3A_215[%gather3A_217] in [0] : vector<16xf32>, vector<16xi32> -> vector<16xf32>
        %add3A_219 = arith.addf %add3A_215, %gather3A_218 : vector<16xf32>
        %broadcast_in_dim3A_220 = vector.shape_cast %xor3A_8 : vector<16xi32> to vector<16x1xi32>
        %gather3A_221 = vector.shape_cast %broadcast_in_dim3A_220 : vector<16x1xi32> to vector<16xi32>
        %gather3A_222 = tpu.dynamic_gather %add3A_219[%gather3A_221] in [0] : vector<16xf32>, vector<16xi32> -> vector<16xf32>
        %add3A_223 = arith.addf %add3A_219, %gather3A_222 : vector<16xf32>
        %broadcast_in_dim3A_224 = vector.shape_cast %xor3A_11 : vector<16xi32> to vector<16x1xi32>
        %gather3A_225 = vector.shape_cast %broadcast_in_dim3A_224 : vector<16x1xi32> to vector<16xi32>
        %gather3A_226 = tpu.dynamic_gather %add3A_223[%gather3A_225] in [0] : vector<16xf32>, vector<16xi32> -> vector<16xf32>
        %add3A_227 = arith.addf %add3A_223, %gather3A_226 : vector<16xf32>
        %eq3A_228 = arith.constant 2 : i32
        %eq3A_229 = vector.broadcast %eq3A_228 : i32 to vector<16xi32>
        %eq3A_230 = arith.cmpi eq, %iota3A, %eq3A_229 : vector<16xi32>
        %select_n3A_231 = arith.select %eq3A_230, %add3A_227, %select_n3A_168 : vector<16xi1>, vector<16xf32>
        %mul3A_232 = arith.constant 16 : i32
        %mul3A_233 = arith.muli %scan3A_44, %mul3A_232 : i32
        %add3A_234 = arith.constant 3 : i32
        %add3A_235 = arith.addi %mul3A_233, %add3A_234 : i32
        %get3A_236 = arith.index_cast %add3A_235 : i32 to index
        %get3A_237 = arith.constant 0 : index
        %get3A_238 = tpu.vector_load %arg9[%get3A_236, %get3A_237] {strides = array<i32>} : memref<128x64xf32, #tpu.memory_space<vmem>>, vector<1x16xf32>,
        %get3A_239 = vector.shape_cast %get3A_238 : vector<1x16xf32> to vector<16xf32>
        %get3A_240 = arith.index_cast %add3A_235 : i32 to index
        %get3A_241 = arith.constant 0 : index
        %get3A_242 = tpu.vector_load %arg10[%get3A_240, %get3A_241] {strides = array<i32>} : memref<128x64xf32, #tpu.memory_space<vmem>>, vector<1x16xf32>,
        %get3A_243 = vector.shape_cast %get3A_242 : vector<1x16xf32> to vector<16xf32>
        %mul3A_244 = arith.mulf %get3A_239, %get3A_243 : vector<16xf32>
        %get3A_245 = arith.index_cast %add3A_235 : i32 to index
        %get3A_246 = arith.constant 16 : index
        %get3A_247 = tpu.vector_load %arg9[%get3A_245, %get3A_246] {strides = array<i32>} : memref<128x64xf32, #tpu.memory_space<vmem>>, vector<1x16xf32>,
        %get3A_248 = vector.shape_cast %get3A_247 : vector<1x16xf32> to vector<16xf32>
        %get3A_249 = arith.index_cast %add3A_235 : i32 to index
        %get3A_250 = arith.constant 16 : index
        %get3A_251 = tpu.vector_load %arg10[%get3A_249, %get3A_250] {strides = array<i32>} : memref<128x64xf32, #tpu.memory_space<vmem>>, vector<1x16xf32>,
        %get3A_252 = vector.shape_cast %get3A_251 : vector<1x16xf32> to vector<16xf32>
        %mul3A_253 = arith.mulf %get3A_248, %get3A_252 : vector<16xf32>
        %add3A_254 = arith.addf %mul3A_244, %mul3A_253 : vector<16xf32>
        %get3A_255 = arith.index_cast %add3A_235 : i32 to index
        %get3A_256 = arith.constant 32 : index
        %get3A_257 = tpu.vector_load %arg9[%get3A_255, %get3A_256] {strides = array<i32>} : memref<128x64xf32, #tpu.memory_space<vmem>>, vector<1x16xf32>,
        %get3A_258 = vector.shape_cast %get3A_257 : vector<1x16xf32> to vector<16xf32>
        %get3A_259 = arith.index_cast %add3A_235 : i32 to index
        %get3A_260 = arith.constant 32 : index
        %get3A_261 = tpu.vector_load %arg10[%get3A_259, %get3A_260] {strides = array<i32>} : memref<128x64xf32, #tpu.memory_space<vmem>>, vector<1x16xf32>,
        %get3A_262 = vector.shape_cast %get3A_261 : vector<1x16xf32> to vector<16xf32>
        %mul3A_263 = arith.mulf %get3A_258, %get3A_262 : vector<16xf32>
        %add3A_264 = arith.addf %add3A_254, %mul3A_263 : vector<16xf32>
        %get3A_265 = arith.index_cast %add3A_235 : i32 to index
        %get3A_266 = arith.constant 48 : index
        %get3A_267 = tpu.vector_load %arg9[%get3A_265, %get3A_266] {strides = array<i32>} : memref<128x64xf32, #tpu.memory_space<vmem>>, vector<1x16xf32>,
        %get3A_268 = vector.shape_cast %get3A_267 : vector<1x16xf32> to vector<16xf32>
        %get3A_269 = arith.index_cast %add3A_235 : i32 to index
        %get3A_270 = arith.constant 48 : index
        %get3A_271 = tpu.vector_load %arg10[%get3A_269, %get3A_270] {strides = array<i32>} : memref<128x64xf32, #tpu.memory_space<vmem>>, vector<1x16xf32>,
        %get3A_272 = vector.shape_cast %get3A_271 : vector<1x16xf32> to vector<16xf32>
        %mul3A_273 = arith.mulf %get3A_268, %get3A_272 : vector<16xf32>
        %add3A_274 = arith.addf %add3A_264, %mul3A_273 : vector<16xf32>
        %broadcast_in_dim3A_275 = vector.shape_cast %xor3A_2 : vector<16xi32> to vector<16x1xi32>
        %gather3A_276 = vector.shape_cast %broadcast_in_dim3A_275 : vector<16x1xi32> to vector<16xi32>
        %gather3A_277 = tpu.dynamic_gather %add3A_274[%gather3A_276] in [0] : vector<16xf32>, vector<16xi32> -> vector<16xf32>
        %add3A_278 = arith.addf %add3A_274, %gather3A_277 : vector<16xf32>
        %broadcast_in_dim3A_279 = vector.shape_cast %xor3A_5 : vector<16xi32> to vector<16x1xi32>
        %gather3A_280 = vector.shape_cast %broadcast_in_dim3A_279 : vector<16x1xi32> to vector<16xi32>
        %gather3A_281 = tpu.dynamic_gather %add3A_278[%gather3A_280] in [0] : vector<16xf32>, vector<16xi32> -> vector<16xf32>
        %add3A_282 = arith.addf %add3A_278, %gather3A_281 : vector<16xf32>
        %broadcast_in_dim3A_283 = vector.shape_cast %xor3A_8 : vector<16xi32> to vector<16x1xi32>
        %gather3A_284 = vector.shape_cast %broadcast_in_dim3A_283 : vector<16x1xi32> to vector<16xi32>
        %gather3A_285 = tpu.dynamic_gather %add3A_282[%gather3A_284] in [0] : vector<16xf32>, vector<16xi32> -> vector<16xf32>
        %add3A_286 = arith.addf %add3A_282, %gather3A_285 : vector<16xf32>
        %broadcast_in_dim3A_287 = vector.shape_cast %xor3A_11 : vector<16xi32> to vector<16x1xi32>
        %gather3A_288 = vector.shape_cast %broadcast_in_dim3A_287 : vector<16x1xi32> to vector<16xi32>
        %gather3A_289 = tpu.dynamic_gather %add3A_286[%gather3A_288] in [0] : vector<16xf32>, vector<16xi32> -> vector<16xf32>
        %add3A_290 = arith.addf %add3A_286, %gather3A_289 : vector<16xf32>
        %eq3A_291 = arith.constant 3 : i32
        %eq3A_292 = vector.broadcast %eq3A_291 : i32 to vector<16xi32>
        %eq3A_293 = arith.cmpi eq, %iota3A, %eq3A_292 : vector<16xi32>
        %select_n3A_294 = arith.select %eq3A_293, %add3A_290, %select_n3A_231 : vector<16xi1>, vector<16xf32>
        %mul3A_295 = arith.constant 16 : i32
        %mul3A_296 = arith.muli %scan3A_44, %mul3A_295 : i32
        %add3A_297 = arith.constant 4 : i32
        %add3A_298 = arith.addi %mul3A_296, %add3A_297 : i32
        %get3A_299 = arith.index_cast %add3A_298 : i32 to index
        %get3A_300 = arith.constant 0 : index
        %get3A_301 = tpu.vector_load %arg9[%get3A_299, %get3A_300] {strides = array<i32>} : memref<128x64xf32, #tpu.memory_space<vmem>>, vector<1x16xf32>,
        %get3A_302 = vector.shape_cast %get3A_301 : vector<1x16xf32> to vector<16xf32>
        %get3A_303 = arith.index_cast %add3A_298 : i32 to index
        %get3A_304 = arith.constant 0 : index
        %get3A_305 = tpu.vector_load %arg10[%get3A_303, %get3A_304] {strides = array<i32>} : memref<128x64xf32, #tpu.memory_space<vmem>>, vector<1x16xf32>,
        %get3A_306 = vector.shape_cast %get3A_305 : vector<1x16xf32> to vector<16xf32>
        %mul3A_307 = arith.mulf %get3A_302, %get3A_306 : vector<16xf32>
        %get3A_308 = arith.index_cast %add3A_298 : i32 to index
        %get3A_309 = arith.constant 16 : index
        %get3A_310 = tpu.vector_load %arg9[%get3A_308, %get3A_309] {strides = array<i32>} : memref<128x64xf32, #tpu.memory_space<vmem>>, vector<1x16xf32>,
        %get3A_311 = vector.shape_cast %get3A_310 : vector<1x16xf32> to vector<16xf32>
        %get3A_312 = arith.index_cast %add3A_298 : i32 to index
        %get3A_313 = arith.constant 16 : index
        %get3A_314 = tpu.vector_load %arg10[%get3A_312, %get3A_313] {strides = array<i32>} : memref<128x64xf32, #tpu.memory_space<vmem>>, vector<1x16xf32>,
        %get3A_315 = vector.shape_cast %get3A_314 : vector<1x16xf32> to vector<16xf32>
        %mul3A_316 = arith.mulf %get3A_311, %get3A_315 : vector<16xf32>
        %add3A_317 = arith.addf %mul3A_307, %mul3A_316 : vector<16xf32>
        %get3A_318 = arith.index_cast %add3A_298 : i32 to index
        %get3A_319 = arith.constant 32 : index
        %get3A_320 = tpu.vector_load %arg9[%get3A_318, %get3A_319] {strides = array<i32>} : memref<128x64xf32, #tpu.memory_space<vmem>>, vector<1x16xf32>,
        %get3A_321 = vector.shape_cast %get3A_320 : vector<1x16xf32> to vector<16xf32>
        %get3A_322 = arith.index_cast %add3A_298 : i32 to index
        %get3A_323 = arith.constant 32 : index
        %get3A_324 = tpu.vector_load %arg10[%get3A_322, %get3A_323] {strides = array<i32>} : memref<128x64xf32, #tpu.memory_space<vmem>>, vector<1x16xf32>,
        %get3A_325 = vector.shape_cast %get3A_324 : vector<1x16xf32> to vector<16xf32>
        %mul3A_326 = arith.mulf %get3A_321, %get3A_325 : vector<16xf32>
        %add3A_327 = arith.addf %add3A_317, %mul3A_326 : vector<16xf32>
        %get3A_328 = arith.index_cast %add3A_298 : i32 to index
        %get3A_329 = arith.constant 48 : index
        %get3A_330 = tpu.vector_load %arg9[%get3A_328, %get3A_329] {strides = array<i32>} : memref<128x64xf32, #tpu.memory_space<vmem>>, vector<1x16xf32>,
        %get3A_331 = vector.shape_cast %get3A_330 : vector<1x16xf32> to vector<16xf32>
        %get3A_332 = arith.index_cast %add3A_298 : i32 to index
        %get3A_333 = arith.constant 48 : index
        %get3A_334 = tpu.vector_load %arg10[%get3A_332, %get3A_333] {strides = array<i32>} : memref<128x64xf32, #tpu.memory_space<vmem>>, vector<1x16xf32>,
        %get3A_335 = vector.shape_cast %get3A_334 : vector<1x16xf32> to vector<16xf32>
        %mul3A_336 = arith.mulf %get3A_331, %get3A_335 : vector<16xf32>
        %add3A_337 = arith.addf %add3A_327, %mul3A_336 : vector<16xf32>
        %broadcast_in_dim3A_338 = vector.shape_cast %xor3A_2 : vector<16xi32> to vector<16x1xi32>
        %gather3A_339 = vector.shape_cast %broadcast_in_dim3A_338 : vector<16x1xi32> to vector<16xi32>
        %gather3A_340 = tpu.dynamic_gather %add3A_337[%gather3A_339] in [0] : vector<16xf32>, vector<16xi32> -> vector<16xf32>
        %add3A_341 = arith.addf %add3A_337, %gather3A_340 : vector<16xf32>
        %broadcast_in_dim3A_342 = vector.shape_cast %xor3A_5 : vector<16xi32> to vector<16x1xi32>
        %gather3A_343 = vector.shape_cast %broadcast_in_dim3A_342 : vector<16x1xi32> to vector<16xi32>
        %gather3A_344 = tpu.dynamic_gather %add3A_341[%gather3A_343] in [0] : vector<16xf32>, vector<16xi32> -> vector<16xf32>
        %add3A_345 = arith.addf %add3A_341, %gather3A_344 : vector<16xf32>
        %broadcast_in_dim3A_346 = vector.shape_cast %xor3A_8 : vector<16xi32> to vector<16x1xi32>
        %gather3A_347 = vector.shape_cast %broadcast_in_dim3A_346 : vector<16x1xi32> to vector<16xi32>
        %gather3A_348 = tpu.dynamic_gather %add3A_345[%gather3A_347] in [0] : vector<16xf32>, vector<16xi32> -> vector<16xf32>
        %add3A_349 = arith.addf %add3A_345, %gather3A_348 : vector<16xf32>
        %broadcast_in_dim3A_350 = vector.shape_cast %xor3A_11 : vector<16xi32> to vector<16x1xi32>
        %gather3A_351 = vector.shape_cast %broadcast_in_dim3A_350 : vector<16x1xi32> to vector<16xi32>
        %gather3A_352 = tpu.dynamic_gather %add3A_349[%gather3A_351] in [0] : vector<16xf32>, vector<16xi32> -> vector<16xf32>
        %add3A_353 = arith.addf %add3A_349, %gather3A_352 : vector<16xf32>
        %eq3A_354 = arith.constant 4 : i32
        %eq3A_355 = vector.broadcast %eq3A_354 : i32 to vector<16xi32>
        %eq3A_356 = arith.cmpi eq, %iota3A, %eq3A_355 : vector<16xi32>
        %select_n3A_357 = arith.select %eq3A_356, %add3A_353, %select_n3A_294 : vector<16xi1>, vector<16xf32>
        %mul3A_358 = arith.constant 16 : i32
        %mul3A_359 = arith.muli %scan3A_44, %mul3A_358 : i32
        %add3A_360 = arith.constant 5 : i32
        %add3A_361 = arith.addi %mul3A_359, %add3A_360 : i32
        %get3A_362 = arith.index_cast %add3A_361 : i32 to index
        %get3A_363 = arith.constant 0 : index
        %get3A_364 = tpu.vector_load %arg9[%get3A_362, %get3A_363] {strides = array<i32>} : memref<128x64xf32, #tpu.memory_space<vmem>>, vector<1x16xf32>,
        %get3A_365 = vector.shape_cast %get3A_364 : vector<1x16xf32> to vector<16xf32>
        %get3A_366 = arith.index_cast %add3A_361 : i32 to index
        %get3A_367 = arith.constant 0 : index
        %get3A_368 = tpu.vector_load %arg10[%get3A_366, %get3A_367] {strides = array<i32>} : memref<128x64xf32, #tpu.memory_space<vmem>>, vector<1x16xf32>,
        %get3A_369 = vector.shape_cast %get3A_368 : vector<1x16xf32> to vector<16xf32>
        %mul3A_370 = arith.mulf %get3A_365, %get3A_369 : vector<16xf32>
        %get3A_371 = arith.index_cast %add3A_361 : i32 to index
        %get3A_372 = arith.constant 16 : index
        %get3A_373 = tpu.vector_load %arg9[%get3A_371, %get3A_372] {strides = array<i32>} : memref<128x64xf32, #tpu.memory_space<vmem>>, vector<1x16xf32>,
        %get3A_374 = vector.shape_cast %get3A_373 : vector<1x16xf32> to vector<16xf32>
        %get3A_375 = arith.index_cast %add3A_361 : i32 to index
        %get3A_376 = arith.constant 16 : index
        %get3A_377 = tpu.vector_load %arg10[%get3A_375, %get3A_376] {strides = array<i32>} : memref<128x64xf32, #tpu.memory_space<vmem>>, vector<1x16xf32>,
        %get3A_378 = vector.shape_cast %get3A_377 : vector<1x16xf32> to vector<16xf32>
        %mul3A_379 = arith.mulf %get3A_374, %get3A_378 : vector<16xf32>
        %add3A_380 = arith.addf %mul3A_370, %mul3A_379 : vector<16xf32>
        %get3A_381 = arith.index_cast %add3A_361 : i32 to index
        %get3A_382 = arith.constant 32 : index
        %get3A_383 = tpu.vector_load %arg9[%get3A_381, %get3A_382] {strides = array<i32>} : memref<128x64xf32, #tpu.memory_space<vmem>>, vector<1x16xf32>,
        %get3A_384 = vector.shape_cast %get3A_383 : vector<1x16xf32> to vector<16xf32>
        %get3A_385 = arith.index_cast %add3A_361 : i32 to index
        %get3A_386 = arith.constant 32 : index
        %get3A_387 = tpu.vector_load %arg10[%get3A_385, %get3A_386] {strides = array<i32>} : memref<128x64xf32, #tpu.memory_space<vmem>>, vector<1x16xf32>,
        %get3A_388 = vector.shape_cast %get3A_387 : vector<1x16xf32> to vector<16xf32>
        %mul3A_389 = arith.mulf %get3A_384, %get3A_388 : vector<16xf32>
        %add3A_390 = arith.addf %add3A_380, %mul3A_389 : vector<16xf32>
        %get3A_391 = arith.index_cast %add3A_361 : i32 to index
        %get3A_392 = arith.constant 48 : index
        %get3A_393 = tpu.vector_load %arg9[%get3A_391, %get3A_392] {strides = array<i32>} : memref<128x64xf32, #tpu.memory_space<vmem>>, vector<1x16xf32>,
        %get3A_394 = vector.shape_cast %get3A_393 : vector<1x16xf32> to vector<16xf32>
        %get3A_395 = arith.index_cast %add3A_361 : i32 to index
        %get3A_396 = arith.constant 48 : index
        %get3A_397 = tpu.vector_load %arg10[%get3A_395, %get3A_396] {strides = array<i32>} : memref<128x64xf32, #tpu.memory_space<vmem>>, vector<1x16xf32>,
        %get3A_398 = vector.shape_cast %get3A_397 : vector<1x16xf32> to vector<16xf32>
        %mul3A_399 = arith.mulf %get3A_394, %get3A_398 : vector<16xf32>
        %add3A_400 = arith.addf %add3A_390, %mul3A_399 : vector<16xf32>
        %broadcast_in_dim3A_401 = vector.shape_cast %xor3A_2 : vector<16xi32> to vector<16x1xi32>
        %gather3A_402 = vector.shape_cast %broadcast_in_dim3A_401 : vector<16x1xi32> to vector<16xi32>
        %gather3A_403 = tpu.dynamic_gather %add3A_400[%gather3A_402] in [0] : vector<16xf32>, vector<16xi32> -> vector<16xf32>
        %add3A_404 = arith.addf %add3A_400, %gather3A_403 : vector<16xf32>
        %broadcast_in_dim3A_405 = vector.shape_cast %xor3A_5 : vector<16xi32> to vector<16x1xi32>
        %gather3A_406 = vector.shape_cast %broadcast_in_dim3A_405 : vector<16x1xi32> to vector<16xi32>
        %gather3A_407 = tpu.dynamic_gather %add3A_404[%gather3A_406] in [0] : vector<16xf32>, vector<16xi32> -> vector<16xf32>
        %add3A_408 = arith.addf %add3A_404, %gather3A_407 : vector<16xf32>
        %broadcast_in_dim3A_409 = vector.shape_cast %xor3A_8 : vector<16xi32> to vector<16x1xi32>
        %gather3A_410 = vector.shape_cast %broadcast_in_dim3A_409 : vector<16x1xi32> to vector<16xi32>
        %gather3A_411 = tpu.dynamic_gather %add3A_408[%gather3A_410] in [0] : vector<16xf32>, vector<16xi32> -> vector<16xf32>
        %add3A_412 = arith.addf %add3A_408, %gather3A_411 : vector<16xf32>
        %broadcast_in_dim3A_413 = vector.shape_cast %xor3A_11 : vector<16xi32> to vector<16x1xi32>
        %gather3A_414 = vector.shape_cast %broadcast_in_dim3A_413 : vector<16x1xi32> to vector<16xi32>
        %gather3A_415 = tpu.dynamic_gather %add3A_412[%gather3A_414] in [0] : vector<16xf32>, vector<16xi32> -> vector<16xf32>
        %add3A_416 = arith.addf %add3A_412, %gather3A_415 : vector<16xf32>
        %eq3A_417 = arith.constant 5 : i32
        %eq3A_418 = vector.broadcast %eq3A_417 : i32 to vector<16xi32>
        %eq3A_419 = arith.cmpi eq, %iota3A, %eq3A_418 : vector<16xi32>
        %select_n3A_420 = arith.select %eq3A_419, %add3A_416, %select_n3A_357 : vector<16xi1>, vector<16xf32>
        %mul3A_421 = arith.constant 16 : i32
        %mul3A_422 = arith.muli %scan3A_44, %mul3A_421 : i32
        %add3A_423 = arith.constant 6 : i32
        %add3A_424 = arith.addi %mul3A_422, %add3A_423 : i32
        %get3A_425 = arith.index_cast %add3A_424 : i32 to index
        %get3A_426 = arith.constant 0 : index
        %get3A_427 = tpu.vector_load %arg9[%get3A_425, %get3A_426] {strides = array<i32>} : memref<128x64xf32, #tpu.memory_space<vmem>>, vector<1x16xf32>,
        %get3A_428 = vector.shape_cast %get3A_427 : vector<1x16xf32> to vector<16xf32>
        %get3A_429 = arith.index_cast %add3A_424 : i32 to index
        %get3A_430 = arith.constant 0 : index
        %get3A_431 = tpu.vector_load %arg10[%get3A_429, %get3A_430] {strides = array<i32>} : memref<128x64xf32, #tpu.memory_space<vmem>>, vector<1x16xf32>,
        %get3A_432 = vector.shape_cast %get3A_431 : vector<1x16xf32> to vector<16xf32>
        %mul3A_433 = arith.mulf %get3A_428, %get3A_432 : vector<16xf32>
        %get3A_434 = arith.index_cast %add3A_424 : i32 to index
        %get3A_435 = arith.constant 16 : index
        %get3A_436 = tpu.vector_load %arg9[%get3A_434, %get3A_435] {strides = array<i32>} : memref<128x64xf32, #tpu.memory_space<vmem>>, vector<1x16xf32>,
        %get3A_437 = vector.shape_cast %get3A_436 : vector<1x16xf32> to vector<16xf32>
        %get3A_438 = arith.index_cast %add3A_424 : i32 to index
        %get3A_439 = arith.constant 16 : index
        %get3A_440 = tpu.vector_load %arg10[%get3A_438, %get3A_439] {strides = array<i32>} : memref<128x64xf32, #tpu.memory_space<vmem>>, vector<1x16xf32>,
        %get3A_441 = vector.shape_cast %get3A_440 : vector<1x16xf32> to vector<16xf32>
        %mul3A_442 = arith.mulf %get3A_437, %get3A_441 : vector<16xf32>
        %add3A_443 = arith.addf %mul3A_433, %mul3A_442 : vector<16xf32>
        %get3A_444 = arith.index_cast %add3A_424 : i32 to index
        %get3A_445 = arith.constant 32 : index
        %get3A_446 = tpu.vector_load %arg9[%get3A_444, %get3A_445] {strides = array<i32>} : memref<128x64xf32, #tpu.memory_space<vmem>>, vector<1x16xf32>,
        %get3A_447 = vector.shape_cast %get3A_446 : vector<1x16xf32> to vector<16xf32>
        %get3A_448 = arith.index_cast %add3A_424 : i32 to index
        %get3A_449 = arith.constant 32 : index
        %get3A_450 = tpu.vector_load %arg10[%get3A_448, %get3A_449] {strides = array<i32>} : memref<128x64xf32, #tpu.memory_space<vmem>>, vector<1x16xf32>,
        %get3A_451 = vector.shape_cast %get3A_450 : vector<1x16xf32> to vector<16xf32>
        %mul3A_452 = arith.mulf %get3A_447, %get3A_451 : vector<16xf32>
        %add3A_453 = arith.addf %add3A_443, %mul3A_452 : vector<16xf32>
        %get3A_454 = arith.index_cast %add3A_424 : i32 to index
        %get3A_455 = arith.constant 48 : index
        %get3A_456 = tpu.vector_load %arg9[%get3A_454, %get3A_455] {strides = array<i32>} : memref<128x64xf32, #tpu.memory_space<vmem>>, vector<1x16xf32>,
        %get3A_457 = vector.shape_cast %get3A_456 : vector<1x16xf32> to vector<16xf32>
        %get3A_458 = arith.index_cast %add3A_424 : i32 to index
        %get3A_459 = arith.constant 48 : index
        %get3A_460 = tpu.vector_load %arg10[%get3A_458, %get3A_459] {strides = array<i32>} : memref<128x64xf32, #tpu.memory_space<vmem>>, vector<1x16xf32>,
        %get3A_461 = vector.shape_cast %get3A_460 : vector<1x16xf32> to vector<16xf32>
        %mul3A_462 = arith.mulf %get3A_457, %get3A_461 : vector<16xf32>
        %add3A_463 = arith.addf %add3A_453, %mul3A_462 : vector<16xf32>
        %broadcast_in_dim3A_464 = vector.shape_cast %xor3A_2 : vector<16xi32> to vector<16x1xi32>
        %gather3A_465 = vector.shape_cast %broadcast_in_dim3A_464 : vector<16x1xi32> to vector<16xi32>
        %gather3A_466 = tpu.dynamic_gather %add3A_463[%gather3A_465] in [0] : vector<16xf32>, vector<16xi32> -> vector<16xf32>
        %add3A_467 = arith.addf %add3A_463, %gather3A_466 : vector<16xf32>
        %broadcast_in_dim3A_468 = vector.shape_cast %xor3A_5 : vector<16xi32> to vector<16x1xi32>
        %gather3A_469 = vector.shape_cast %broadcast_in_dim3A_468 : vector<16x1xi32> to vector<16xi32>
        %gather3A_470 = tpu.dynamic_gather %add3A_467[%gather3A_469] in [0] : vector<16xf32>, vector<16xi32> -> vector<16xf32>
        %add3A_471 = arith.addf %add3A_467, %gather3A_470 : vector<16xf32>
        %broadcast_in_dim3A_472 = vector.shape_cast %xor3A_8 : vector<16xi32> to vector<16x1xi32>
        %gather3A_473 = vector.shape_cast %broadcast_in_dim3A_472 : vector<16x1xi32> to vector<16xi32>
        %gather3A_474 = tpu.dynamic_gather %add3A_471[%gather3A_473] in [0] : vector<16xf32>, vector<16xi32> -> vector<16xf32>
        %add3A_475 = arith.addf %add3A_471, %gather3A_474 : vector<16xf32>
        %broadcast_in_dim3A_476 = vector.shape_cast %xor3A_11 : vector<16xi32> to vector<16x1xi32>
        %gather3A_477 = vector.shape_cast %broadcast_in_dim3A_476 : vector<16x1xi32> to vector<16xi32>
        %gather3A_478 = tpu.dynamic_gather %add3A_475[%gather3A_477] in [0] : vector<16xf32>, vector<16xi32> -> vector<16xf32>
        %add3A_479 = arith.addf %add3A_475, %gather3A_478 : vector<16xf32>
        %eq3A_480 = arith.constant 6 : i32
        %eq3A_481 = vector.broadcast %eq3A_480 : i32 to vector<16xi32>
        %eq3A_482 = arith.cmpi eq, %iota3A, %eq3A_481 : vector<16xi32>
        %select_n3A_483 = arith.select %eq3A_482, %add3A_479, %select_n3A_420 : vector<16xi1>, vector<16xf32>
        %mul3A_484 = arith.constant 16 : i32
        %mul3A_485 = arith.muli %scan3A_44, %mul3A_484 : i32
        %add3A_486 = arith.constant 7 : i32
        %add3A_487 = arith.addi %mul3A_485, %add3A_486 : i32
        %get3A_488 = arith.index_cast %add3A_487 : i32 to index
        %get3A_489 = arith.constant 0 : index
        %get3A_490 = tpu.vector_load %arg9[%get3A_488, %get3A_489] {strides = array<i32>} : memref<128x64xf32, #tpu.memory_space<vmem>>, vector<1x16xf32>,
        %get3A_491 = vector.shape_cast %get3A_490 : vector<1x16xf32> to vector<16xf32>
        %get3A_492 = arith.index_cast %add3A_487 : i32 to index
        %get3A_493 = arith.constant 0 : index
        %get3A_494 = tpu.vector_load %arg10[%get3A_492, %get3A_493] {strides = array<i32>} : memref<128x64xf32, #tpu.memory_space<vmem>>, vector<1x16xf32>,
        %get3A_495 = vector.shape_cast %get3A_494 : vector<1x16xf32> to vector<16xf32>
        %mul3A_496 = arith.mulf %get3A_491, %get3A_495 : vector<16xf32>
        %get3A_497 = arith.index_cast %add3A_487 : i32 to index
        %get3A_498 = arith.constant 16 : index
        %get3A_499 = tpu.vector_load %arg9[%get3A_497, %get3A_498] {strides = array<i32>} : memref<128x64xf32, #tpu.memory_space<vmem>>, vector<1x16xf32>,
        %get3A_500 = vector.shape_cast %get3A_499 : vector<1x16xf32> to vector<16xf32>
        %get3A_501 = arith.index_cast %add3A_487 : i32 to index
        %get3A_502 = arith.constant 16 : index
        %get3A_503 = tpu.vector_load %arg10[%get3A_501, %get3A_502] {strides = array<i32>} : memref<128x64xf32, #tpu.memory_space<vmem>>, vector<1x16xf32>,
        %get3A_504 = vector.shape_cast %get3A_503 : vector<1x16xf32> to vector<16xf32>
        %mul3A_505 = arith.mulf %get3A_500, %get3A_504 : vector<16xf32>
        %add3A_506 = arith.addf %mul3A_496, %mul3A_505 : vector<16xf32>
        %get3A_507 = arith.index_cast %add3A_487 : i32 to index
        %get3A_508 = arith.constant 32 : index
        %get3A_509 = tpu.vector_load %arg9[%get3A_507, %get3A_508] {strides = array<i32>} : memref<128x64xf32, #tpu.memory_space<vmem>>, vector<1x16xf32>,
        %get3A_510 = vector.shape_cast %get3A_509 : vector<1x16xf32> to vector<16xf32>
        %get3A_511 = arith.index_cast %add3A_487 : i32 to index
        %get3A_512 = arith.constant 32 : index
        %get3A_513 = tpu.vector_load %arg10[%get3A_511, %get3A_512] {strides = array<i32>} : memref<128x64xf32, #tpu.memory_space<vmem>>, vector<1x16xf32>,
        %get3A_514 = vector.shape_cast %get3A_513 : vector<1x16xf32> to vector<16xf32>
        %mul3A_515 = arith.mulf %get3A_510, %get3A_514 : vector<16xf32>
        %add3A_516 = arith.addf %add3A_506, %mul3A_515 : vector<16xf32>
        %get3A_517 = arith.index_cast %add3A_487 : i32 to index
        %get3A_518 = arith.constant 48 : index
        %get3A_519 = tpu.vector_load %arg9[%get3A_517, %get3A_518] {strides = array<i32>} : memref<128x64xf32, #tpu.memory_space<vmem>>, vector<1x16xf32>,
        %get3A_520 = vector.shape_cast %get3A_519 : vector<1x16xf32> to vector<16xf32>
        %get3A_521 = arith.index_cast %add3A_487 : i32 to index
        %get3A_522 = arith.constant 48 : index
        %get3A_523 = tpu.vector_load %arg10[%get3A_521, %get3A_522] {strides = array<i32>} : memref<128x64xf32, #tpu.memory_space<vmem>>, vector<1x16xf32>,
        %get3A_524 = vector.shape_cast %get3A_523 : vector<1x16xf32> to vector<16xf32>
        %mul3A_525 = arith.mulf %get3A_520, %get3A_524 : vector<16xf32>
        %add3A_526 = arith.addf %add3A_516, %mul3A_525 : vector<16xf32>
        %broadcast_in_dim3A_527 = vector.shape_cast %xor3A_2 : vector<16xi32> to vector<16x1xi32>
        %gather3A_528 = vector.shape_cast %broadcast_in_dim3A_527 : vector<16x1xi32> to vector<16xi32>
        %gather3A_529 = tpu.dynamic_gather %add3A_526[%gather3A_528] in [0] : vector<16xf32>, vector<16xi32> -> vector<16xf32>
        %add3A_530 = arith.addf %add3A_526, %gather3A_529 : vector<16xf32>
        %broadcast_in_dim3A_531 = vector.shape_cast %xor3A_5 : vector<16xi32> to vector<16x1xi32>
        %gather3A_532 = vector.shape_cast %broadcast_in_dim3A_531 : vector<16x1xi32> to vector<16xi32>
        %gather3A_533 = tpu.dynamic_gather %add3A_530[%gather3A_532] in [0] : vector<16xf32>, vector<16xi32> -> vector<16xf32>
        %add3A_534 = arith.addf %add3A_530, %gather3A_533 : vector<16xf32>
        %broadcast_in_dim3A_535 = vector.shape_cast %xor3A_8 : vector<16xi32> to vector<16x1xi32>
        %gather3A_536 = vector.shape_cast %broadcast_in_dim3A_535 : vector<16x1xi32> to vector<16xi32>
        %gather3A_537 = tpu.dynamic_gather %add3A_534[%gather3A_536] in [0] : vector<16xf32>, vector<16xi32> -> vector<16xf32>
        %add3A_538 = arith.addf %add3A_534, %gather3A_537 : vector<16xf32>
        %broadcast_in_dim3A_539 = vector.shape_cast %xor3A_11 : vector<16xi32> to vector<16x1xi32>
        %gather3A_540 = vector.shape_cast %broadcast_in_dim3A_539 : vector<16x1xi32> to vector<16xi32>
        %gather3A_541 = tpu.dynamic_gather %add3A_538[%gather3A_540] in [0] : vector<16xf32>, vector<16xi32> -> vector<16xf32>
        %add3A_542 = arith.addf %add3A_538, %gather3A_541 : vector<16xf32>
        %eq3A_543 = arith.constant 7 : i32
        %eq3A_544 = vector.broadcast %eq3A_543 : i32 to vector<16xi32>
        %eq3A_545 = arith.cmpi eq, %iota3A, %eq3A_544 : vector<16xi32>
        %select_n3A_546 = arith.select %eq3A_545, %add3A_542, %select_n3A_483 : vector<16xi1>, vector<16xf32>
        %mul3A_547 = arith.constant 16 : i32
        %mul3A_548 = arith.muli %scan3A_44, %mul3A_547 : i32
        %add3A_549 = arith.constant 8 : i32
        %add3A_550 = arith.addi %mul3A_548, %add3A_549 : i32
        %get3A_551 = arith.index_cast %add3A_550 : i32 to index
        %get3A_552 = arith.constant 0 : index
        %get3A_553 = tpu.vector_load %arg9[%get3A_551, %get3A_552] {strides = array<i32>} : memref<128x64xf32, #tpu.memory_space<vmem>>, vector<1x16xf32>,
        %get3A_554 = vector.shape_cast %get3A_553 : vector<1x16xf32> to vector<16xf32>
        %get3A_555 = arith.index_cast %add3A_550 : i32 to index
        %get3A_556 = arith.constant 0 : index
        %get3A_557 = tpu.vector_load %arg10[%get3A_555, %get3A_556] {strides = array<i32>} : memref<128x64xf32, #tpu.memory_space<vmem>>, vector<1x16xf32>,
        %get3A_558 = vector.shape_cast %get3A_557 : vector<1x16xf32> to vector<16xf32>
        %mul3A_559 = arith.mulf %get3A_554, %get3A_558 : vector<16xf32>
        %get3A_560 = arith.index_cast %add3A_550 : i32 to index
        %get3A_561 = arith.constant 16 : index
        %get3A_562 = tpu.vector_load %arg9[%get3A_560, %get3A_561] {strides = array<i32>} : memref<128x64xf32, #tpu.memory_space<vmem>>, vector<1x16xf32>,
        %get3A_563 = vector.shape_cast %get3A_562 : vector<1x16xf32> to vector<16xf32>
        %get3A_564 = arith.index_cast %add3A_550 : i32 to index
        %get3A_565 = arith.constant 16 : index
        %get3A_566 = tpu.vector_load %arg10[%get3A_564, %get3A_565] {strides = array<i32>} : memref<128x64xf32, #tpu.memory_space<vmem>>, vector<1x16xf32>,
        %get3A_567 = vector.shape_cast %get3A_566 : vector<1x16xf32> to vector<16xf32>
        %mul3A_568 = arith.mulf %get3A_563, %get3A_567 : vector<16xf32>
        %add3A_569 = arith.addf %mul3A_559, %mul3A_568 : vector<16xf32>
        %get3A_570 = arith.index_cast %add3A_550 : i32 to index
        %get3A_571 = arith.constant 32 : index
        %get3A_572 = tpu.vector_load %arg9[%get3A_570, %get3A_571] {strides = array<i32>} : memref<128x64xf32, #tpu.memory_space<vmem>>, vector<1x16xf32>,
        %get3A_573 = vector.shape_cast %get3A_572 : vector<1x16xf32> to vector<16xf32>
        %get3A_574 = arith.index_cast %add3A_550 : i32 to index
        %get3A_575 = arith.constant 32 : index
        %get3A_576 = tpu.vector_load %arg10[%get3A_574, %get3A_575] {strides = array<i32>} : memref<128x64xf32, #tpu.memory_space<vmem>>, vector<1x16xf32>,
        %get3A_577 = vector.shape_cast %get3A_576 : vector<1x16xf32> to vector<16xf32>
        %mul3A_578 = arith.mulf %get3A_573, %get3A_577 : vector<16xf32>
        %add3A_579 = arith.addf %add3A_569, %mul3A_578 : vector<16xf32>
        %get3A_580 = arith.index_cast %add3A_550 : i32 to index
        %get3A_581 = arith.constant 48 : index
        %get3A_582 = tpu.vector_load %arg9[%get3A_580, %get3A_581] {strides = array<i32>} : memref<128x64xf32, #tpu.memory_space<vmem>>, vector<1x16xf32>,
        %get3A_583 = vector.shape_cast %get3A_582 : vector<1x16xf32> to vector<16xf32>
        %get3A_584 = arith.index_cast %add3A_550 : i32 to index
        %get3A_585 = arith.constant 48 : index
        %get3A_586 = tpu.vector_load %arg10[%get3A_584, %get3A_585] {strides = array<i32>} : memref<128x64xf32, #tpu.memory_space<vmem>>, vector<1x16xf32>,
        %get3A_587 = vector.shape_cast %get3A_586 : vector<1x16xf32> to vector<16xf32>
        %mul3A_588 = arith.mulf %get3A_583, %get3A_587 : vector<16xf32>
        %add3A_589 = arith.addf %add3A_579, %mul3A_588 : vector<16xf32>
        %broadcast_in_dim3A_590 = vector.shape_cast %xor3A_2 : vector<16xi32> to vector<16x1xi32>
        %gather3A_591 = vector.shape_cast %broadcast_in_dim3A_590 : vector<16x1xi32> to vector<16xi32>
        %gather3A_592 = tpu.dynamic_gather %add3A_589[%gather3A_591] in [0] : vector<16xf32>, vector<16xi32> -> vector<16xf32>
        %add3A_593 = arith.addf %add3A_589, %gather3A_592 : vector<16xf32>
        %broadcast_in_dim3A_594 = vector.shape_cast %xor3A_5 : vector<16xi32> to vector<16x1xi32>
        %gather3A_595 = vector.shape_cast %broadcast_in_dim3A_594 : vector<16x1xi32> to vector<16xi32>
        %gather3A_596 = tpu.dynamic_gather %add3A_593[%gather3A_595] in [0] : vector<16xf32>, vector<16xi32> -> vector<16xf32>
        %add3A_597 = arith.addf %add3A_593, %gather3A_596 : vector<16xf32>
        %broadcast_in_dim3A_598 = vector.shape_cast %xor3A_8 : vector<16xi32> to vector<16x1xi32>
        %gather3A_599 = vector.shape_cast %broadcast_in_dim3A_598 : vector<16x1xi32> to vector<16xi32>
        %gather3A_600 = tpu.dynamic_gather %add3A_597[%gather3A_599] in [0] : vector<16xf32>, vector<16xi32> -> vector<16xf32>
        %add3A_601 = arith.addf %add3A_597, %gather3A_600 : vector<16xf32>
        %broadcast_in_dim3A_602 = vector.shape_cast %xor3A_11 : vector<16xi32> to vector<16x1xi32>
        %gather3A_603 = vector.shape_cast %broadcast_in_dim3A_602 : vector<16x1xi32> to vector<16xi32>
        %gather3A_604 = tpu.dynamic_gather %add3A_601[%gather3A_603] in [0] : vector<16xf32>, vector<16xi32> -> vector<16xf32>
        %add3A_605 = arith.addf %add3A_601, %gather3A_604 : vector<16xf32>
        %eq3A_606 = arith.constant 8 : i32
        %eq3A_607 = vector.broadcast %eq3A_606 : i32 to vector<16xi32>
        %eq3A_608 = arith.cmpi eq, %iota3A, %eq3A_607 : vector<16xi32>
        %select_n3A_609 = arith.select %eq3A_608, %add3A_605, %select_n3A_546 : vector<16xi1>, vector<16xf32>
        %mul3A_610 = arith.constant 16 : i32
        %mul3A_611 = arith.muli %scan3A_44, %mul3A_610 : i32
        %add3A_612 = arith.constant 9 : i32
        %add3A_613 = arith.addi %mul3A_611, %add3A_612 : i32
        %get3A_614 = arith.index_cast %add3A_613 : i32 to index
        %get3A_615 = arith.constant 0 : index
        %get3A_616 = tpu.vector_load %arg9[%get3A_614, %get3A_615] {strides = array<i32>} : memref<128x64xf32, #tpu.memory_space<vmem>>, vector<1x16xf32>,
        %get3A_617 = vector.shape_cast %get3A_616 : vector<1x16xf32> to vector<16xf32>
        %get3A_618 = arith.index_cast %add3A_613 : i32 to index
        %get3A_619 = arith.constant 0 : index
        %get3A_620 = tpu.vector_load %arg10[%get3A_618, %get3A_619] {strides = array<i32>} : memref<128x64xf32, #tpu.memory_space<vmem>>, vector<1x16xf32>,
        %get3A_621 = vector.shape_cast %get3A_620 : vector<1x16xf32> to vector<16xf32>
        %mul3A_622 = arith.mulf %get3A_617, %get3A_621 : vector<16xf32>
        %get3A_623 = arith.index_cast %add3A_613 : i32 to index
        %get3A_624 = arith.constant 16 : index
        %get3A_625 = tpu.vector_load %arg9[%get3A_623, %get3A_624] {strides = array<i32>} : memref<128x64xf32, #tpu.memory_space<vmem>>, vector<1x16xf32>,
        %get3A_626 = vector.shape_cast %get3A_625 : vector<1x16xf32> to vector<16xf32>
        %get3A_627 = arith.index_cast %add3A_613 : i32 to index
        %get3A_628 = arith.constant 16 : index
        %get3A_629 = tpu.vector_load %arg10[%get3A_627, %get3A_628] {strides = array<i32>} : memref<128x64xf32, #tpu.memory_space<vmem>>, vector<1x16xf32>,
        %get3A_630 = vector.shape_cast %get3A_629 : vector<1x16xf32> to vector<16xf32>
        %mul3A_631 = arith.mulf %get3A_626, %get3A_630 : vector<16xf32>
        %add3A_632 = arith.addf %mul3A_622, %mul3A_631 : vector<16xf32>
        %get3A_633 = arith.index_cast %add3A_613 : i32 to index
        %get3A_634 = arith.constant 32 : index
        %get3A_635 = tpu.vector_load %arg9[%get3A_633, %get3A_634] {strides = array<i32>} : memref<128x64xf32, #tpu.memory_space<vmem>>, vector<1x16xf32>,
        %get3A_636 = vector.shape_cast %get3A_635 : vector<1x16xf32> to vector<16xf32>
        %get3A_637 = arith.index_cast %add3A_613 : i32 to index
        %get3A_638 = arith.constant 32 : index
        %get3A_639 = tpu.vector_load %arg10[%get3A_637, %get3A_638] {strides = array<i32>} : memref<128x64xf32, #tpu.memory_space<vmem>>, vector<1x16xf32>,
        %get3A_640 = vector.shape_cast %get3A_639 : vector<1x16xf32> to vector<16xf32>
        %mul3A_641 = arith.mulf %get3A_636, %get3A_640 : vector<16xf32>
        %add3A_642 = arith.addf %add3A_632, %mul3A_641 : vector<16xf32>
        %get3A_643 = arith.index_cast %add3A_613 : i32 to index
        %get3A_644 = arith.constant 48 : index
        %get3A_645 = tpu.vector_load %arg9[%get3A_643, %get3A_644] {strides = array<i32>} : memref<128x64xf32, #tpu.memory_space<vmem>>, vector<1x16xf32>,
        %get3A_646 = vector.shape_cast %get3A_645 : vector<1x16xf32> to vector<16xf32>
        %get3A_647 = arith.index_cast %add3A_613 : i32 to index
        %get3A_648 = arith.constant 48 : index
        %get3A_649 = tpu.vector_load %arg10[%get3A_647, %get3A_648] {strides = array<i32>} : memref<128x64xf32, #tpu.memory_space<vmem>>, vector<1x16xf32>,
        %get3A_650 = vector.shape_cast %get3A_649 : vector<1x16xf32> to vector<16xf32>
        %mul3A_651 = arith.mulf %get3A_646, %get3A_650 : vector<16xf32>
        %add3A_652 = arith.addf %add3A_642, %mul3A_651 : vector<16xf32>
        %broadcast_in_dim3A_653 = vector.shape_cast %xor3A_2 : vector<16xi32> to vector<16x1xi32>
        %gather3A_654 = vector.shape_cast %broadcast_in_dim3A_653 : vector<16x1xi32> to vector<16xi32>
        %gather3A_655 = tpu.dynamic_gather %add3A_652[%gather3A_654] in [0] : vector<16xf32>, vector<16xi32> -> vector<16xf32>
        %add3A_656 = arith.addf %add3A_652, %gather3A_655 : vector<16xf32>
        %broadcast_in_dim3A_657 = vector.shape_cast %xor3A_5 : vector<16xi32> to vector<16x1xi32>
        %gather3A_658 = vector.shape_cast %broadcast_in_dim3A_657 : vector<16x1xi32> to vector<16xi32>
        %gather3A_659 = tpu.dynamic_gather %add3A_656[%gather3A_658] in [0] : vector<16xf32>, vector<16xi32> -> vector<16xf32>
        %add3A_660 = arith.addf %add3A_656, %gather3A_659 : vector<16xf32>
        %broadcast_in_dim3A_661 = vector.shape_cast %xor3A_8 : vector<16xi32> to vector<16x1xi32>
        %gather3A_662 = vector.shape_cast %broadcast_in_dim3A_661 : vector<16x1xi32> to vector<16xi32>
        %gather3A_663 = tpu.dynamic_gather %add3A_660[%gather3A_662] in [0] : vector<16xf32>, vector<16xi32> -> vector<16xf32>
        %add3A_664 = arith.addf %add3A_660, %gather3A_663 : vector<16xf32>
        %broadcast_in_dim3A_665 = vector.shape_cast %xor3A_11 : vector<16xi32> to vector<16x1xi32>
        %gather3A_666 = vector.shape_cast %broadcast_in_dim3A_665 : vector<16x1xi32> to vector<16xi32>
        %gather3A_667 = tpu.dynamic_gather %add3A_664[%gather3A_666] in [0] : vector<16xf32>, vector<16xi32> -> vector<16xf32>
        %add3A_668 = arith.addf %add3A_664, %gather3A_667 : vector<16xf32>
        %eq3A_669 = arith.constant 9 : i32
        %eq3A_670 = vector.broadcast %eq3A_669 : i32 to vector<16xi32>
        %eq3A_671 = arith.cmpi eq, %iota3A, %eq3A_670 : vector<16xi32>
        %select_n3A_672 = arith.select %eq3A_671, %add3A_668, %select_n3A_609 : vector<16xi1>, vector<16xf32>
        %mul3A_673 = arith.constant 16 : i32
        %mul3A_674 = arith.muli %scan3A_44, %mul3A_673 : i32
        %add3A_675 = arith.constant 10 : i32
        %add3A_676 = arith.addi %mul3A_674, %add3A_675 : i32
        %get3A_677 = arith.index_cast %add3A_676 : i32 to index
        %get3A_678 = arith.constant 0 : index
        %get3A_679 = tpu.vector_load %arg9[%get3A_677, %get3A_678] {strides = array<i32>} : memref<128x64xf32, #tpu.memory_space<vmem>>, vector<1x16xf32>,
        %get3A_680 = vector.shape_cast %get3A_679 : vector<1x16xf32> to vector<16xf32>
        %get3A_681 = arith.index_cast %add3A_676 : i32 to index
        %get3A_682 = arith.constant 0 : index
        %get3A_683 = tpu.vector_load %arg10[%get3A_681, %get3A_682] {strides = array<i32>} : memref<128x64xf32, #tpu.memory_space<vmem>>, vector<1x16xf32>,
        %get3A_684 = vector.shape_cast %get3A_683 : vector<1x16xf32> to vector<16xf32>
        %mul3A_685 = arith.mulf %get3A_680, %get3A_684 : vector<16xf32>
        %get3A_686 = arith.index_cast %add3A_676 : i32 to index
        %get3A_687 = arith.constant 16 : index
        %get3A_688 = tpu.vector_load %arg9[%get3A_686, %get3A_687] {strides = array<i32>} : memref<128x64xf32, #tpu.memory_space<vmem>>, vector<1x16xf32>,
        %get3A_689 = vector.shape_cast %get3A_688 : vector<1x16xf32> to vector<16xf32>
        %get3A_690 = arith.index_cast %add3A_676 : i32 to index
        %get3A_691 = arith.constant 16 : index
        %get3A_692 = tpu.vector_load %arg10[%get3A_690, %get3A_691] {strides = array<i32>} : memref<128x64xf32, #tpu.memory_space<vmem>>, vector<1x16xf32>,
        %get3A_693 = vector.shape_cast %get3A_692 : vector<1x16xf32> to vector<16xf32>
        %mul3A_694 = arith.mulf %get3A_689, %get3A_693 : vector<16xf32>
        %add3A_695 = arith.addf %mul3A_685, %mul3A_694 : vector<16xf32>
        %get3A_696 = arith.index_cast %add3A_676 : i32 to index
        %get3A_697 = arith.constant 32 : index
        %get3A_698 = tpu.vector_load %arg9[%get3A_696, %get3A_697] {strides = array<i32>} : memref<128x64xf32, #tpu.memory_space<vmem>>, vector<1x16xf32>,
        %get3A_699 = vector.shape_cast %get3A_698 : vector<1x16xf32> to vector<16xf32>
        %get3A_700 = arith.index_cast %add3A_676 : i32 to index
        %get3A_701 = arith.constant 32 : index
        %get3A_702 = tpu.vector_load %arg10[%get3A_700, %get3A_701] {strides = array<i32>} : memref<128x64xf32, #tpu.memory_space<vmem>>, vector<1x16xf32>,
        %get3A_703 = vector.shape_cast %get3A_702 : vector<1x16xf32> to vector<16xf32>
        %mul3A_704 = arith.mulf %get3A_699, %get3A_703 : vector<16xf32>
        %add3A_705 = arith.addf %add3A_695, %mul3A_704 : vector<16xf32>
        %get3A_706 = arith.index_cast %add3A_676 : i32 to index
        %get3A_707 = arith.constant 48 : index
        %get3A_708 = tpu.vector_load %arg9[%get3A_706, %get3A_707] {strides = array<i32>} : memref<128x64xf32, #tpu.memory_space<vmem>>, vector<1x16xf32>,
        %get3A_709 = vector.shape_cast %get3A_708 : vector<1x16xf32> to vector<16xf32>
        %get3A_710 = arith.index_cast %add3A_676 : i32 to index
        %get3A_711 = arith.constant 48 : index
        %get3A_712 = tpu.vector_load %arg10[%get3A_710, %get3A_711] {strides = array<i32>} : memref<128x64xf32, #tpu.memory_space<vmem>>, vector<1x16xf32>,
        %get3A_713 = vector.shape_cast %get3A_712 : vector<1x16xf32> to vector<16xf32>
        %mul3A_714 = arith.mulf %get3A_709, %get3A_713 : vector<16xf32>
        %add3A_715 = arith.addf %add3A_705, %mul3A_714 : vector<16xf32>
        %broadcast_in_dim3A_716 = vector.shape_cast %xor3A_2 : vector<16xi32> to vector<16x1xi32>
        %gather3A_717 = vector.shape_cast %broadcast_in_dim3A_716 : vector<16x1xi32> to vector<16xi32>
        %gather3A_718 = tpu.dynamic_gather %add3A_715[%gather3A_717] in [0] : vector<16xf32>, vector<16xi32> -> vector<16xf32>
        %add3A_719 = arith.addf %add3A_715, %gather3A_718 : vector<16xf32>
        %broadcast_in_dim3A_720 = vector.shape_cast %xor3A_5 : vector<16xi32> to vector<16x1xi32>
        %gather3A_721 = vector.shape_cast %broadcast_in_dim3A_720 : vector<16x1xi32> to vector<16xi32>
        %gather3A_722 = tpu.dynamic_gather %add3A_719[%gather3A_721] in [0] : vector<16xf32>, vector<16xi32> -> vector<16xf32>
        %add3A_723 = arith.addf %add3A_719, %gather3A_722 : vector<16xf32>
        %broadcast_in_dim3A_724 = vector.shape_cast %xor3A_8 : vector<16xi32> to vector<16x1xi32>
        %gather3A_725 = vector.shape_cast %broadcast_in_dim3A_724 : vector<16x1xi32> to vector<16xi32>
        %gather3A_726 = tpu.dynamic_gather %add3A_723[%gather3A_725] in [0] : vector<16xf32>, vector<16xi32> -> vector<16xf32>
        %add3A_727 = arith.addf %add3A_723, %gather3A_726 : vector<16xf32>
        %broadcast_in_dim3A_728 = vector.shape_cast %xor3A_11 : vector<16xi32> to vector<16x1xi32>
        %gather3A_729 = vector.shape_cast %broadcast_in_dim3A_728 : vector<16x1xi32> to vector<16xi32>
        %gather3A_730 = tpu.dynamic_gather %add3A_727[%gather3A_729] in [0] : vector<16xf32>, vector<16xi32> -> vector<16xf32>
        %add3A_731 = arith.addf %add3A_727, %gather3A_730 : vector<16xf32>
        %eq3A_732 = arith.constant 10 : i32
        %eq3A_733 = vector.broadcast %eq3A_732 : i32 to vector<16xi32>
        %eq3A_734 = arith.cmpi eq, %iota3A, %eq3A_733 : vector<16xi32>
        %select_n3A_735 = arith.select %eq3A_734, %add3A_731, %select_n3A_672 : vector<16xi1>, vector<16xf32>
        %mul3A_736 = arith.constant 16 : i32
        %mul3A_737 = arith.muli %scan3A_44, %mul3A_736 : i32
        %add3A_738 = arith.constant 11 : i32
        %add3A_739 = arith.addi %mul3A_737, %add3A_738 : i32
        %get3A_740 = arith.index_cast %add3A_739 : i32 to index
        %get3A_741 = arith.constant 0 : index
        %get3A_742 = tpu.vector_load %arg9[%get3A_740, %get3A_741] {strides = array<i32>} : memref<128x64xf32, #tpu.memory_space<vmem>>, vector<1x16xf32>,
        %get3A_743 = vector.shape_cast %get3A_742 : vector<1x16xf32> to vector<16xf32>
        %get3A_744 = arith.index_cast %add3A_739 : i32 to index
        %get3A_745 = arith.constant 0 : index
        %get3A_746 = tpu.vector_load %arg10[%get3A_744, %get3A_745] {strides = array<i32>} : memref<128x64xf32, #tpu.memory_space<vmem>>, vector<1x16xf32>,
        %get3A_747 = vector.shape_cast %get3A_746 : vector<1x16xf32> to vector<16xf32>
        %mul3A_748 = arith.mulf %get3A_743, %get3A_747 : vector<16xf32>
        %get3A_749 = arith.index_cast %add3A_739 : i32 to index
        %get3A_750 = arith.constant 16 : index
        %get3A_751 = tpu.vector_load %arg9[%get3A_749, %get3A_750] {strides = array<i32>} : memref<128x64xf32, #tpu.memory_space<vmem>>, vector<1x16xf32>,
        %get3A_752 = vector.shape_cast %get3A_751 : vector<1x16xf32> to vector<16xf32>
        %get3A_753 = arith.index_cast %add3A_739 : i32 to index
        %get3A_754 = arith.constant 16 : index
        %get3A_755 = tpu.vector_load %arg10[%get3A_753, %get3A_754] {strides = array<i32>} : memref<128x64xf32, #tpu.memory_space<vmem>>, vector<1x16xf32>,
        %get3A_756 = vector.shape_cast %get3A_755 : vector<1x16xf32> to vector<16xf32>
        %mul3A_757 = arith.mulf %get3A_752, %get3A_756 : vector<16xf32>
        %add3A_758 = arith.addf %mul3A_748, %mul3A_757 : vector<16xf32>
        %get3A_759 = arith.index_cast %add3A_739 : i32 to index
        %get3A_760 = arith.constant 32 : index
        %get3A_761 = tpu.vector_load %arg9[%get3A_759, %get3A_760] {strides = array<i32>} : memref<128x64xf32, #tpu.memory_space<vmem>>, vector<1x16xf32>,
        %get3A_762 = vector.shape_cast %get3A_761 : vector<1x16xf32> to vector<16xf32>
        %get3A_763 = arith.index_cast %add3A_739 : i32 to index
        %get3A_764 = arith.constant 32 : index
        %get3A_765 = tpu.vector_load %arg10[%get3A_763, %get3A_764] {strides = array<i32>} : memref<128x64xf32, #tpu.memory_space<vmem>>, vector<1x16xf32>,
        %get3A_766 = vector.shape_cast %get3A_765 : vector<1x16xf32> to vector<16xf32>
        %mul3A_767 = arith.mulf %get3A_762, %get3A_766 : vector<16xf32>
        %add3A_768 = arith.addf %add3A_758, %mul3A_767 : vector<16xf32>
        %get3A_769 = arith.index_cast %add3A_739 : i32 to index
        %get3A_770 = arith.constant 48 : index
        %get3A_771 = tpu.vector_load %arg9[%get3A_769, %get3A_770] {strides = array<i32>} : memref<128x64xf32, #tpu.memory_space<vmem>>, vector<1x16xf32>,
        %get3A_772 = vector.shape_cast %get3A_771 : vector<1x16xf32> to vector<16xf32>
        %get3A_773 = arith.index_cast %add3A_739 : i32 to index
        %get3A_774 = arith.constant 48 : index
        %get3A_775 = tpu.vector_load %arg10[%get3A_773, %get3A_774] {strides = array<i32>} : memref<128x64xf32, #tpu.memory_space<vmem>>, vector<1x16xf32>,
        %get3A_776 = vector.shape_cast %get3A_775 : vector<1x16xf32> to vector<16xf32>
        %mul3A_777 = arith.mulf %get3A_772, %get3A_776 : vector<16xf32>
        %add3A_778 = arith.addf %add3A_768, %mul3A_777 : vector<16xf32>
        %broadcast_in_dim3A_779 = vector.shape_cast %xor3A_2 : vector<16xi32> to vector<16x1xi32>
        %gather3A_780 = vector.shape_cast %broadcast_in_dim3A_779 : vector<16x1xi32> to vector<16xi32>
        %gather3A_781 = tpu.dynamic_gather %add3A_778[%gather3A_780] in [0] : vector<16xf32>, vector<16xi32> -> vector<16xf32>
        %add3A_782 = arith.addf %add3A_778, %gather3A_781 : vector<16xf32>
        %broadcast_in_dim3A_783 = vector.shape_cast %xor3A_5 : vector<16xi32> to vector<16x1xi32>
        %gather3A_784 = vector.shape_cast %broadcast_in_dim3A_783 : vector<16x1xi32> to vector<16xi32>
        %gather3A_785 = tpu.dynamic_gather %add3A_782[%gather3A_784] in [0] : vector<16xf32>, vector<16xi32> -> vector<16xf32>
        %add3A_786 = arith.addf %add3A_782, %gather3A_785 : vector<16xf32>
        %broadcast_in_dim3A_787 = vector.shape_cast %xor3A_8 : vector<16xi32> to vector<16x1xi32>
        %gather3A_788 = vector.shape_cast %broadcast_in_dim3A_787 : vector<16x1xi32> to vector<16xi32>
        %gather3A_789 = tpu.dynamic_gather %add3A_786[%gather3A_788] in [0] : vector<16xf32>, vector<16xi32> -> vector<16xf32>
        %add3A_790 = arith.addf %add3A_786, %gather3A_789 : vector<16xf32>
        %broadcast_in_dim3A_791 = vector.shape_cast %xor3A_11 : vector<16xi32> to vector<16x1xi32>
        %gather3A_792 = vector.shape_cast %broadcast_in_dim3A_791 : vector<16x1xi32> to vector<16xi32>
        %gather3A_793 = tpu.dynamic_gather %add3A_790[%gather3A_792] in [0] : vector<16xf32>, vector<16xi32> -> vector<16xf32>
        %add3A_794 = arith.addf %add3A_790, %gather3A_793 : vector<16xf32>
        %eq3A_795 = arith.constant 11 : i32
        %eq3A_796 = vector.broadcast %eq3A_795 : i32 to vector<16xi32>
        %eq3A_797 = arith.cmpi eq, %iota3A, %eq3A_796 : vector<16xi32>
        %select_n3A_798 = arith.select %eq3A_797, %add3A_794, %select_n3A_735 : vector<16xi1>, vector<16xf32>
        %mul3A_799 = arith.constant 16 : i32
        %mul3A_800 = arith.muli %scan3A_44, %mul3A_799 : i32
        %add3A_801 = arith.constant 12 : i32
        %add3A_802 = arith.addi %mul3A_800, %add3A_801 : i32
        %get3A_803 = arith.index_cast %add3A_802 : i32 to index
        %get3A_804 = arith.constant 0 : index
        %get3A_805 = tpu.vector_load %arg9[%get3A_803, %get3A_804] {strides = array<i32>} : memref<128x64xf32, #tpu.memory_space<vmem>>, vector<1x16xf32>,
        %get3A_806 = vector.shape_cast %get3A_805 : vector<1x16xf32> to vector<16xf32>
        %get3A_807 = arith.index_cast %add3A_802 : i32 to index
        %get3A_808 = arith.constant 0 : index
        %get3A_809 = tpu.vector_load %arg10[%get3A_807, %get3A_808] {strides = array<i32>} : memref<128x64xf32, #tpu.memory_space<vmem>>, vector<1x16xf32>,
        %get3A_810 = vector.shape_cast %get3A_809 : vector<1x16xf32> to vector<16xf32>
        %mul3A_811 = arith.mulf %get3A_806, %get3A_810 : vector<16xf32>
        %get3A_812 = arith.index_cast %add3A_802 : i32 to index
        %get3A_813 = arith.constant 16 : index
        %get3A_814 = tpu.vector_load %arg9[%get3A_812, %get3A_813] {strides = array<i32>} : memref<128x64xf32, #tpu.memory_space<vmem>>, vector<1x16xf32>,
        %get3A_815 = vector.shape_cast %get3A_814 : vector<1x16xf32> to vector<16xf32>
        %get3A_816 = arith.index_cast %add3A_802 : i32 to index
        %get3A_817 = arith.constant 16 : index
        %get3A_818 = tpu.vector_load %arg10[%get3A_816, %get3A_817] {strides = array<i32>} : memref<128x64xf32, #tpu.memory_space<vmem>>, vector<1x16xf32>,
        %get3A_819 = vector.shape_cast %get3A_818 : vector<1x16xf32> to vector<16xf32>
        %mul3A_820 = arith.mulf %get3A_815, %get3A_819 : vector<16xf32>
        %add3A_821 = arith.addf %mul3A_811, %mul3A_820 : vector<16xf32>
        %get3A_822 = arith.index_cast %add3A_802 : i32 to index
        %get3A_823 = arith.constant 32 : index
        %get3A_824 = tpu.vector_load %arg9[%get3A_822, %get3A_823] {strides = array<i32>} : memref<128x64xf32, #tpu.memory_space<vmem>>, vector<1x16xf32>,
        %get3A_825 = vector.shape_cast %get3A_824 : vector<1x16xf32> to vector<16xf32>
        %get3A_826 = arith.index_cast %add3A_802 : i32 to index
        %get3A_827 = arith.constant 32 : index
        %get3A_828 = tpu.vector_load %arg10[%get3A_826, %get3A_827] {strides = array<i32>} : memref<128x64xf32, #tpu.memory_space<vmem>>, vector<1x16xf32>,
        %get3A_829 = vector.shape_cast %get3A_828 : vector<1x16xf32> to vector<16xf32>
        %mul3A_830 = arith.mulf %get3A_825, %get3A_829 : vector<16xf32>
        %add3A_831 = arith.addf %add3A_821, %mul3A_830 : vector<16xf32>
        %get3A_832 = arith.index_cast %add3A_802 : i32 to index
        %get3A_833 = arith.constant 48 : index
        %get3A_834 = tpu.vector_load %arg9[%get3A_832, %get3A_833] {strides = array<i32>} : memref<128x64xf32, #tpu.memory_space<vmem>>, vector<1x16xf32>,
        %get3A_835 = vector.shape_cast %get3A_834 : vector<1x16xf32> to vector<16xf32>
        %get3A_836 = arith.index_cast %add3A_802 : i32 to index
        %get3A_837 = arith.constant 48 : index
        %get3A_838 = tpu.vector_load %arg10[%get3A_836, %get3A_837] {strides = array<i32>} : memref<128x64xf32, #tpu.memory_space<vmem>>, vector<1x16xf32>,
        %get3A_839 = vector.shape_cast %get3A_838 : vector<1x16xf32> to vector<16xf32>
        %mul3A_840 = arith.mulf %get3A_835, %get3A_839 : vector<16xf32>
        %add3A_841 = arith.addf %add3A_831, %mul3A_840 : vector<16xf32>
        %broadcast_in_dim3A_842 = vector.shape_cast %xor3A_2 : vector<16xi32> to vector<16x1xi32>
        %gather3A_843 = vector.shape_cast %broadcast_in_dim3A_842 : vector<16x1xi32> to vector<16xi32>
        %gather3A_844 = tpu.dynamic_gather %add3A_841[%gather3A_843] in [0] : vector<16xf32>, vector<16xi32> -> vector<16xf32>
        %add3A_845 = arith.addf %add3A_841, %gather3A_844 : vector<16xf32>
        %broadcast_in_dim3A_846 = vector.shape_cast %xor3A_5 : vector<16xi32> to vector<16x1xi32>
        %gather3A_847 = vector.shape_cast %broadcast_in_dim3A_846 : vector<16x1xi32> to vector<16xi32>
        %gather3A_848 = tpu.dynamic_gather %add3A_845[%gather3A_847] in [0] : vector<16xf32>, vector<16xi32> -> vector<16xf32>
        %add3A_849 = arith.addf %add3A_845, %gather3A_848 : vector<16xf32>
        %broadcast_in_dim3A_850 = vector.shape_cast %xor3A_8 : vector<16xi32> to vector<16x1xi32>
        %gather3A_851 = vector.shape_cast %broadcast_in_dim3A_850 : vector<16x1xi32> to vector<16xi32>
        %gather3A_852 = tpu.dynamic_gather %add3A_849[%gather3A_851] in [0] : vector<16xf32>, vector<16xi32> -> vector<16xf32>
        %add3A_853 = arith.addf %add3A_849, %gather3A_852 : vector<16xf32>
        %broadcast_in_dim3A_854 = vector.shape_cast %xor3A_11 : vector<16xi32> to vector<16x1xi32>
        %gather3A_855 = vector.shape_cast %broadcast_in_dim3A_854 : vector<16x1xi32> to vector<16xi32>
        %gather3A_856 = tpu.dynamic_gather %add3A_853[%gather3A_855] in [0] : vector<16xf32>, vector<16xi32> -> vector<16xf32>
        %add3A_857 = arith.addf %add3A_853, %gather3A_856 : vector<16xf32>
        %eq3A_858 = arith.constant 12 : i32
        %eq3A_859 = vector.broadcast %eq3A_858 : i32 to vector<16xi32>
        %eq3A_860 = arith.cmpi eq, %iota3A, %eq3A_859 : vector<16xi32>
        %select_n3A_861 = arith.select %eq3A_860, %add3A_857, %select_n3A_798 : vector<16xi1>, vector<16xf32>
        %mul3A_862 = arith.constant 16 : i32
        %mul3A_863 = arith.muli %scan3A_44, %mul3A_862 : i32
        %add3A_864 = arith.constant 13 : i32
        %add3A_865 = arith.addi %mul3A_863, %add3A_864 : i32
        %get3A_866 = arith.index_cast %add3A_865 : i32 to index
        %get3A_867 = arith.constant 0 : index
        %get3A_868 = tpu.vector_load %arg9[%get3A_866, %get3A_867] {strides = array<i32>} : memref<128x64xf32, #tpu.memory_space<vmem>>, vector<1x16xf32>,
        %get3A_869 = vector.shape_cast %get3A_868 : vector<1x16xf32> to vector<16xf32>
        %get3A_870 = arith.index_cast %add3A_865 : i32 to index
        %get3A_871 = arith.constant 0 : index
        %get3A_872 = tpu.vector_load %arg10[%get3A_870, %get3A_871] {strides = array<i32>} : memref<128x64xf32, #tpu.memory_space<vmem>>, vector<1x16xf32>,
        %get3A_873 = vector.shape_cast %get3A_872 : vector<1x16xf32> to vector<16xf32>
        %mul3A_874 = arith.mulf %get3A_869, %get3A_873 : vector<16xf32>
        %get3A_875 = arith.index_cast %add3A_865 : i32 to index
        %get3A_876 = arith.constant 16 : index
        %get3A_877 = tpu.vector_load %arg9[%get3A_875, %get3A_876] {strides = array<i32>} : memref<128x64xf32, #tpu.memory_space<vmem>>, vector<1x16xf32>,
        %get3A_878 = vector.shape_cast %get3A_877 : vector<1x16xf32> to vector<16xf32>
        %get3A_879 = arith.index_cast %add3A_865 : i32 to index
        %get3A_880 = arith.constant 16 : index
        %get3A_881 = tpu.vector_load %arg10[%get3A_879, %get3A_880] {strides = array<i32>} : memref<128x64xf32, #tpu.memory_space<vmem>>, vector<1x16xf32>,
        %get3A_882 = vector.shape_cast %get3A_881 : vector<1x16xf32> to vector<16xf32>
        %mul3A_883 = arith.mulf %get3A_878, %get3A_882 : vector<16xf32>
        %add3A_884 = arith.addf %mul3A_874, %mul3A_883 : vector<16xf32>
        %get3A_885 = arith.index_cast %add3A_865 : i32 to index
        %get3A_886 = arith.constant 32 : index
        %get3A_887 = tpu.vector_load %arg9[%get3A_885, %get3A_886] {strides = array<i32>} : memref<128x64xf32, #tpu.memory_space<vmem>>, vector<1x16xf32>,
        %get3A_888 = vector.shape_cast %get3A_887 : vector<1x16xf32> to vector<16xf32>
        %get3A_889 = arith.index_cast %add3A_865 : i32 to index
        %get3A_890 = arith.constant 32 : index
        %get3A_891 = tpu.vector_load %arg10[%get3A_889, %get3A_890] {strides = array<i32>} : memref<128x64xf32, #tpu.memory_space<vmem>>, vector<1x16xf32>,
        %get3A_892 = vector.shape_cast %get3A_891 : vector<1x16xf32> to vector<16xf32>
        %mul3A_893 = arith.mulf %get3A_888, %get3A_892 : vector<16xf32>
        %add3A_894 = arith.addf %add3A_884, %mul3A_893 : vector<16xf32>
        %get3A_895 = arith.index_cast %add3A_865 : i32 to index
        %get3A_896 = arith.constant 48 : index
        %get3A_897 = tpu.vector_load %arg9[%get3A_895, %get3A_896] {strides = array<i32>} : memref<128x64xf32, #tpu.memory_space<vmem>>, vector<1x16xf32>,
        %get3A_898 = vector.shape_cast %get3A_897 : vector<1x16xf32> to vector<16xf32>
        %get3A_899 = arith.index_cast %add3A_865 : i32 to index
        %get3A_900 = arith.constant 48 : index
        %get3A_901 = tpu.vector_load %arg10[%get3A_899, %get3A_900] {strides = array<i32>} : memref<128x64xf32, #tpu.memory_space<vmem>>, vector<1x16xf32>,
        %get3A_902 = vector.shape_cast %get3A_901 : vector<1x16xf32> to vector<16xf32>
        %mul3A_903 = arith.mulf %get3A_898, %get3A_902 : vector<16xf32>
        %add3A_904 = arith.addf %add3A_894, %mul3A_903 : vector<16xf32>
        %broadcast_in_dim3A_905 = vector.shape_cast %xor3A_2 : vector<16xi32> to vector<16x1xi32>
        %gather3A_906 = vector.shape_cast %broadcast_in_dim3A_905 : vector<16x1xi32> to vector<16xi32>
        %gather3A_907 = tpu.dynamic_gather %add3A_904[%gather3A_906] in [0] : vector<16xf32>, vector<16xi32> -> vector<16xf32>
        %add3A_908 = arith.addf %add3A_904, %gather3A_907 : vector<16xf32>
        %broadcast_in_dim3A_909 = vector.shape_cast %xor3A_5 : vector<16xi32> to vector<16x1xi32>
        %gather3A_910 = vector.shape_cast %broadcast_in_dim3A_909 : vector<16x1xi32> to vector<16xi32>
        %gather3A_911 = tpu.dynamic_gather %add3A_908[%gather3A_910] in [0] : vector<16xf32>, vector<16xi32> -> vector<16xf32>
        %add3A_912 = arith.addf %add3A_908, %gather3A_911 : vector<16xf32>
        %broadcast_in_dim3A_913 = vector.shape_cast %xor3A_8 : vector<16xi32> to vector<16x1xi32>
        %gather3A_914 = vector.shape_cast %broadcast_in_dim3A_913 : vector<16x1xi32> to vector<16xi32>
        %gather3A_915 = tpu.dynamic_gather %add3A_912[%gather3A_914] in [0] : vector<16xf32>, vector<16xi32> -> vector<16xf32>
        %add3A_916 = arith.addf %add3A_912, %gather3A_915 : vector<16xf32>
        %broadcast_in_dim3A_917 = vector.shape_cast %xor3A_11 : vector<16xi32> to vector<16x1xi32>
        %gather3A_918 = vector.shape_cast %broadcast_in_dim3A_917 : vector<16x1xi32> to vector<16xi32>
        %gather3A_919 = tpu.dynamic_gather %add3A_916[%gather3A_918] in [0] : vector<16xf32>, vector<16xi32> -> vector<16xf32>
        %add3A_920 = arith.addf %add3A_916, %gather3A_919 : vector<16xf32>
        %eq3A_921 = arith.constant 13 : i32
        %eq3A_922 = vector.broadcast %eq3A_921 : i32 to vector<16xi32>
        %eq3A_923 = arith.cmpi eq, %iota3A, %eq3A_922 : vector<16xi32>
        %select_n3A_924 = arith.select %eq3A_923, %add3A_920, %select_n3A_861 : vector<16xi1>, vector<16xf32>
        %mul3A_925 = arith.constant 16 : i32
        %mul3A_926 = arith.muli %scan3A_44, %mul3A_925 : i32
        %add3A_927 = arith.constant 14 : i32
        %add3A_928 = arith.addi %mul3A_926, %add3A_927 : i32
        %get3A_929 = arith.index_cast %add3A_928 : i32 to index
        %get3A_930 = arith.constant 0 : index
        %get3A_931 = tpu.vector_load %arg9[%get3A_929, %get3A_930] {strides = array<i32>} : memref<128x64xf32, #tpu.memory_space<vmem>>, vector<1x16xf32>,
        %get3A_932 = vector.shape_cast %get3A_931 : vector<1x16xf32> to vector<16xf32>
        %get3A_933 = arith.index_cast %add3A_928 : i32 to index
        %get3A_934 = arith.constant 0 : index
        %get3A_935 = tpu.vector_load %arg10[%get3A_933, %get3A_934] {strides = array<i32>} : memref<128x64xf32, #tpu.memory_space<vmem>>, vector<1x16xf32>,
        %get3A_936 = vector.shape_cast %get3A_935 : vector<1x16xf32> to vector<16xf32>
        %mul3A_937 = arith.mulf %get3A_932, %get3A_936 : vector<16xf32>
        %get3A_938 = arith.index_cast %add3A_928 : i32 to index
        %get3A_939 = arith.constant 16 : index
        %get3A_940 = tpu.vector_load %arg9[%get3A_938, %get3A_939] {strides = array<i32>} : memref<128x64xf32, #tpu.memory_space<vmem>>, vector<1x16xf32>,
        %get3A_941 = vector.shape_cast %get3A_940 : vector<1x16xf32> to vector<16xf32>
        %get3A_942 = arith.index_cast %add3A_928 : i32 to index
        %get3A_943 = arith.constant 16 : index
        %get3A_944 = tpu.vector_load %arg10[%get3A_942, %get3A_943] {strides = array<i32>} : memref<128x64xf32, #tpu.memory_space<vmem>>, vector<1x16xf32>,
        %get3A_945 = vector.shape_cast %get3A_944 : vector<1x16xf32> to vector<16xf32>
        %mul3A_946 = arith.mulf %get3A_941, %get3A_945 : vector<16xf32>
        %add3A_947 = arith.addf %mul3A_937, %mul3A_946 : vector<16xf32>
        %get3A_948 = arith.index_cast %add3A_928 : i32 to index
        %get3A_949 = arith.constant 32 : index
        %get3A_950 = tpu.vector_load %arg9[%get3A_948, %get3A_949] {strides = array<i32>} : memref<128x64xf32, #tpu.memory_space<vmem>>, vector<1x16xf32>,
        %get3A_951 = vector.shape_cast %get3A_950 : vector<1x16xf32> to vector<16xf32>
        %get3A_952 = arith.index_cast %add3A_928 : i32 to index
        %get3A_953 = arith.constant 32 : index
        %get3A_954 = tpu.vector_load %arg10[%get3A_952, %get3A_953] {strides = array<i32>} : memref<128x64xf32, #tpu.memory_space<vmem>>, vector<1x16xf32>,
        %get3A_955 = vector.shape_cast %get3A_954 : vector<1x16xf32> to vector<16xf32>
        %mul3A_956 = arith.mulf %get3A_951, %get3A_955 : vector<16xf32>
        %add3A_957 = arith.addf %add3A_947, %mul3A_956 : vector<16xf32>
        %get3A_958 = arith.index_cast %add3A_928 : i32 to index
        %get3A_959 = arith.constant 48 : index
        %get3A_960 = tpu.vector_load %arg9[%get3A_958, %get3A_959] {strides = array<i32>} : memref<128x64xf32, #tpu.memory_space<vmem>>, vector<1x16xf32>,
        %get3A_961 = vector.shape_cast %get3A_960 : vector<1x16xf32> to vector<16xf32>
        %get3A_962 = arith.index_cast %add3A_928 : i32 to index
        %get3A_963 = arith.constant 48 : index
        %get3A_964 = tpu.vector_load %arg10[%get3A_962, %get3A_963] {strides = array<i32>} : memref<128x64xf32, #tpu.memory_space<vmem>>, vector<1x16xf32>,
        %get3A_965 = vector.shape_cast %get3A_964 : vector<1x16xf32> to vector<16xf32>
        %mul3A_966 = arith.mulf %get3A_961, %get3A_965 : vector<16xf32>
        %add3A_967 = arith.addf %add3A_957, %mul3A_966 : vector<16xf32>
        %broadcast_in_dim3A_968 = vector.shape_cast %xor3A_2 : vector<16xi32> to vector<16x1xi32>
        %gather3A_969 = vector.shape_cast %broadcast_in_dim3A_968 : vector<16x1xi32> to vector<16xi32>
        %gather3A_970 = tpu.dynamic_gather %add3A_967[%gather3A_969] in [0] : vector<16xf32>, vector<16xi32> -> vector<16xf32>
        %add3A_971 = arith.addf %add3A_967, %gather3A_970 : vector<16xf32>
        %broadcast_in_dim3A_972 = vector.shape_cast %xor3A_5 : vector<16xi32> to vector<16x1xi32>
        %gather3A_973 = vector.shape_cast %broadcast_in_dim3A_972 : vector<16x1xi32> to vector<16xi32>
        %gather3A_974 = tpu.dynamic_gather %add3A_971[%gather3A_973] in [0] : vector<16xf32>, vector<16xi32> -> vector<16xf32>
        %add3A_975 = arith.addf %add3A_971, %gather3A_974 : vector<16xf32>
        %broadcast_in_dim3A_976 = vector.shape_cast %xor3A_8 : vector<16xi32> to vector<16x1xi32>
        %gather3A_977 = vector.shape_cast %broadcast_in_dim3A_976 : vector<16x1xi32> to vector<16xi32>
        %gather3A_978 = tpu.dynamic_gather %add3A_975[%gather3A_977] in [0] : vector<16xf32>, vector<16xi32> -> vector<16xf32>
        %add3A_979 = arith.addf %add3A_975, %gather3A_978 : vector<16xf32>
        %broadcast_in_dim3A_980 = vector.shape_cast %xor3A_11 : vector<16xi32> to vector<16x1xi32>
        %gather3A_981 = vector.shape_cast %broadcast_in_dim3A_980 : vector<16x1xi32> to vector<16xi32>
        %gather3A_982 = tpu.dynamic_gather %add3A_979[%gather3A_981] in [0] : vector<16xf32>, vector<16xi32> -> vector<16xf32>
        %add3A_983 = arith.addf %add3A_979, %gather3A_982 : vector<16xf32>
        %eq3A_984 = arith.constant 14 : i32
        %eq3A_985 = vector.broadcast %eq3A_984 : i32 to vector<16xi32>
        %eq3A_986 = arith.cmpi eq, %iota3A, %eq3A_985 : vector<16xi32>
        %select_n3A_987 = arith.select %eq3A_986, %add3A_983, %select_n3A_924 : vector<16xi1>, vector<16xf32>
        %mul3A_988 = arith.constant 16 : i32
        %mul3A_989 = arith.muli %scan3A_44, %mul3A_988 : i32
        %add3A_990 = arith.constant 15 : i32
        %add3A_991 = arith.addi %mul3A_989, %add3A_990 : i32
        %get3A_992 = arith.index_cast %add3A_991 : i32 to index
        %get3A_993 = arith.constant 0 : index
        %get3A_994 = tpu.vector_load %arg9[%get3A_992, %get3A_993] {strides = array<i32>} : memref<128x64xf32, #tpu.memory_space<vmem>>, vector<1x16xf32>,
        %get3A_995 = vector.shape_cast %get3A_994 : vector<1x16xf32> to vector<16xf32>
        %get3A_996 = arith.index_cast %add3A_991 : i32 to index
        %get3A_997 = arith.constant 0 : index
        %get3A_998 = tpu.vector_load %arg10[%get3A_996, %get3A_997] {strides = array<i32>} : memref<128x64xf32, #tpu.memory_space<vmem>>, vector<1x16xf32>,
        %get3A_999 = vector.shape_cast %get3A_998 : vector<1x16xf32> to vector<16xf32>
        %mul3A_1000 = arith.mulf %get3A_995, %get3A_999 : vector<16xf32>
        %get3A_1001 = arith.index_cast %add3A_991 : i32 to index
        %get3A_1002 = arith.constant 16 : index
        %get3A_1003 = tpu.vector_load %arg9[%get3A_1001, %get3A_1002] {strides = array<i32>} : memref<128x64xf32, #tpu.memory_space<vmem>>, vector<1x16xf32>,
        %get3A_1004 = vector.shape_cast %get3A_1003 : vector<1x16xf32> to vector<16xf32>
        %get3A_1005 = arith.index_cast %add3A_991 : i32 to index
        %get3A_1006 = arith.constant 16 : index
        %get3A_1007 = tpu.vector_load %arg10[%get3A_1005, %get3A_1006] {strides = array<i32>} : memref<128x64xf32, #tpu.memory_space<vmem>>, vector<1x16xf32>,
        %get3A_1008 = vector.shape_cast %get3A_1007 : vector<1x16xf32> to vector<16xf32>
        %mul3A_1009 = arith.mulf %get3A_1004, %get3A_1008 : vector<16xf32>
        %add3A_1010 = arith.addf %mul3A_1000, %mul3A_1009 : vector<16xf32>
        %get3A_1011 = arith.index_cast %add3A_991 : i32 to index
        %get3A_1012 = arith.constant 32 : index
        %get3A_1013 = tpu.vector_load %arg9[%get3A_1011, %get3A_1012] {strides = array<i32>} : memref<128x64xf32, #tpu.memory_space<vmem>>, vector<1x16xf32>,
        %get3A_1014 = vector.shape_cast %get3A_1013 : vector<1x16xf32> to vector<16xf32>
        %get3A_1015 = arith.index_cast %add3A_991 : i32 to index
        %get3A_1016 = arith.constant 32 : index
        %get3A_1017 = tpu.vector_load %arg10[%get3A_1015, %get3A_1016] {strides = array<i32>} : memref<128x64xf32, #tpu.memory_space<vmem>>, vector<1x16xf32>,
        %get3A_1018 = vector.shape_cast %get3A_1017 : vector<1x16xf32> to vector<16xf32>
        %mul3A_1019 = arith.mulf %get3A_1014, %get3A_1018 : vector<16xf32>
        %add3A_1020 = arith.addf %add3A_1010, %mul3A_1019 : vector<16xf32>
        %get3A_1021 = arith.index_cast %add3A_991 : i32 to index
        %get3A_1022 = arith.constant 48 : index
        %get3A_1023 = tpu.vector_load %arg9[%get3A_1021, %get3A_1022] {strides = array<i32>} : memref<128x64xf32, #tpu.memory_space<vmem>>, vector<1x16xf32>,
        %get3A_1024 = vector.shape_cast %get3A_1023 : vector<1x16xf32> to vector<16xf32>
        %get3A_1025 = arith.index_cast %add3A_991 : i32 to index
        %get3A_1026 = arith.constant 48 : index
        %get3A_1027 = tpu.vector_load %arg10[%get3A_1025, %get3A_1026] {strides = array<i32>} : memref<128x64xf32, #tpu.memory_space<vmem>>, vector<1x16xf32>,
        %get3A_1028 = vector.shape_cast %get3A_1027 : vector<1x16xf32> to vector<16xf32>
        %mul3A_1029 = arith.mulf %get3A_1024, %get3A_1028 : vector<16xf32>
        %add3A_1030 = arith.addf %add3A_1020, %mul3A_1029 : vector<16xf32>
        %broadcast_in_dim3A_1031 = vector.shape_cast %xor3A_2 : vector<16xi32> to vector<16x1xi32>
        %gather3A_1032 = vector.shape_cast %broadcast_in_dim3A_1031 : vector<16x1xi32> to vector<16xi32>
        %gather3A_1033 = tpu.dynamic_gather %add3A_1030[%gather3A_1032] in [0] : vector<16xf32>, vector<16xi32> -> vector<16xf32>
        %add3A_1034 = arith.addf %add3A_1030, %gather3A_1033 : vector<16xf32>
        %broadcast_in_dim3A_1035 = vector.shape_cast %xor3A_5 : vector<16xi32> to vector<16x1xi32>
        %gather3A_1036 = vector.shape_cast %broadcast_in_dim3A_1035 : vector<16x1xi32> to vector<16xi32>
        %gather3A_1037 = tpu.dynamic_gather %add3A_1034[%gather3A_1036] in [0] : vector<16xf32>, vector<16xi32> -> vector<16xf32>
        %add3A_1038 = arith.addf %add3A_1034, %gather3A_1037 : vector<16xf32>
        %broadcast_in_dim3A_1039 = vector.shape_cast %xor3A_8 : vector<16xi32> to vector<16x1xi32>
        %gather3A_1040 = vector.shape_cast %broadcast_in_dim3A_1039 : vector<16x1xi32> to vector<16xi32>
        %gather3A_1041 = tpu.dynamic_gather %add3A_1038[%gather3A_1040] in [0] : vector<16xf32>, vector<16xi32> -> vector<16xf32>
        %add3A_1042 = arith.addf %add3A_1038, %gather3A_1041 : vector<16xf32>
        %broadcast_in_dim3A_1043 = vector.shape_cast %xor3A_11 : vector<16xi32> to vector<16x1xi32>
        %gather3A_1044 = vector.shape_cast %broadcast_in_dim3A_1043 : vector<16x1xi32> to vector<16xi32>
        %gather3A_1045 = tpu.dynamic_gather %add3A_1042[%gather3A_1044] in [0] : vector<16xf32>, vector<16xi32> -> vector<16xf32>
        %add3A_1046 = arith.addf %add3A_1042, %gather3A_1045 : vector<16xf32>
        %eq3A_1047 = arith.constant 15 : i32
        %eq3A_1048 = vector.broadcast %eq3A_1047 : i32 to vector<16xi32>
        %eq3A_1049 = arith.cmpi eq, %iota3A, %eq3A_1048 : vector<16xi32>
        %select_n3A_1050 = arith.select %eq3A_1049, %add3A_1046, %select_n3A_987 : vector<16xi1>, vector<16xf32>
        %mul3A_1051 = arith.constant 16 : i32
        %mul3A_1052 = arith.muli %scan3A_44, %mul3A_1051 : i32
        %add3A_1053 = arith.addi %mul3A_21, %mul3A_1052 : i32
        %swap3A = arith.index_cast %add3A_1053 : i32 to index
        %swap3A_1054 = tpu.vector_load %arg11[%swap3A] {strides = array<i32>} : memref<512xf32, #tpu.memory_space<vmem>>, vector<16xf32>,
        %swap3A_1055 = vector.shape_cast %swap3A_1054 : vector<16xf32> to vector<16xf32>
        %swap3A_1056 = vector.shape_cast %select_n3A_1050 : vector<16xf32> to vector<16xf32>
        tpu.vector_store %arg11[%swap3A], %swap3A_1056 {strides = array<i32>} : memref<512xf32, #tpu.memory_space<vmem>>, vector<16xf32>,
        %scan3A_1057 = arith.constant 0 : i32
        scf.yield %scan3A_1057 : i32
      }
      %scan3A_42 = arith.constant 8 : i32
      %scan3A_43 = arith.constant 0 : i32
      scf.yield %scan3A_43 : i32
    }
    %scan3A_17 = arith.constant 4 : i32
    "tpu.region"() ({
      %run_scoped3A = tpu.sem_alloc : memref<!tpu.dma_semaphore, #tpu.memory_space<semaphore_mem>>
      %dma_start3A = arith.constant 0 : i32
      %dma_start3A_18 = tpu.memref_slice %arg6[%add3A, %dma_start3A] : memref<32x512xf32, #tpu.memory_space<hbm>> -> memref<1x512xf32, #tpu.memory_space<hbm>>
      %dma_start3A_19 = tpu.memref_squeeze %dma_start3A_18 : memref<1x512xf32, #tpu.memory_space<hbm>> -> memref<512xf32, #tpu.memory_space<hbm>>
      %dma_start3A_20 = arith.constant 0 : i32
      %dma_start3A_21 = tpu.memref_slice %arg6[%add3A, %dma_start3A_20] : memref<32x512xf32, #tpu.memory_space<hbm>> -> memref<1x512xf32, #tpu.memory_space<hbm>>
      %dma_start3A_22 = tpu.memref_squeeze %dma_start3A_21 : memref<1x512xf32, #tpu.memory_space<hbm>> -> memref<512xf32, #tpu.memory_space<hbm>>
      tpu.enqueue_dma source(%arg11 : memref<512xf32, #tpu.memory_space<vmem>>) target(%dma_start3A_22 : memref<512xf32, #tpu.memory_space<hbm>>) target_semaphore(%run_scoped3A : memref<!tpu.dma_semaphore, #tpu.memory_space<semaphore_mem>>)
      %dma_wait3A = arith.constant 0 : i32
      %dma_wait3A_23 = tpu.memref_slice %arg6[%add3A, %dma_wait3A] : memref<32x512xf32, #tpu.memory_space<hbm>> -> memref<1x512xf32, #tpu.memory_space<hbm>>
      %dma_wait3A_24 = tpu.memref_squeeze %dma_wait3A_23 : memref<1x512xf32, #tpu.memory_space<hbm>> -> memref<512xf32, #tpu.memory_space<hbm>>
      %dma_wait3A_25 = arith.constant 0 : i32
      %dma_wait3A_26 = tpu.memref_slice %arg6[%add3A, %dma_wait3A_25] : memref<32x512xf32, #tpu.memory_space<hbm>> -> memref<1x512xf32, #tpu.memory_space<hbm>>
      %dma_wait3A_27 = tpu.memref_squeeze %dma_wait3A_26 : memref<1x512xf32, #tpu.memory_space<hbm>> -> memref<512xf32, #tpu.memory_space<hbm>>
      tpu.wait_dma2 semaphore(%run_scoped3A : memref<!tpu.dma_semaphore, #tpu.memory_space<semaphore_mem>>) src(%arg11 : memref<512xf32, #tpu.memory_space<vmem>>) dst(%dma_wait3A_27 : memref<512xf32, #tpu.memory_space<hbm>>)
      tpu.yield
    }) : () -> ()
    return
  }
}

</mosaic_0001>

<sc_bundles>
// kernel: kernel.3.cloned.1.call-start
scs
__scs_entry_jumppad:
0x0: {  	(pc) =	sbr.rel $0x88, $3  }
0x1: {  	(tag) =	ssettag $0x0;
	lr =	simm.s32 $0x1  }
0x2: {  	[smem:$0x3F9D] =	sst lr;
	_ =	strace $0xD0000000  }
0x3: {  	_ = 	snop  }
0x4: {  	_ = 	snop  }
0x5: {  	_ = 	snop  }
0x6: {  	_ = 	snop  }
0x7: {  	_ = 	snop  }
__scs_overlays_trampoline_lowered:
0x8: {  	[smem:$0x3FAC] =	sst s0  }
0x9: {  	[smem:$0x3FAD] =	sst s1  }
0xa: {  	[smem:$0x3FAE] =	sst s2  }
0xb: {  	[smem:$0x3FAF] =	sst s3  }
0xc: {  	[smem:$0x3FB0] =	sst s4  }
0xd: {  	[smem:$0x3FB1] =	sst s5  }
0xe: {  	[smem:$0x3FB2] =	sst s6  }
0xf: {  	[smem:$0x3FB3] =	sst s7  }
0x10: {  	[smem:$0x3FB4] =	sst s8  }
0x11: {  	[smem:$0x3FB5] =	sst s9;
	s0 =	simm.s32 @!p0 $0x0  }
0x12: {  	s1 =	sld [smem:$0x3F9B];
	s0 =	simm.s32 @p0 $0x1  }
0x13: {  	[smem:$0x3FB6] =	sst s0;
	s0 =	simm.s32 @!p1 $0x0  }
0x14: {  	s2 =	sld [smem:$0x3F9A];
	s0 =	simm.s32 @p1 $0x1  }
0x15: {  	[smem:$0x3FB7] =	sst s0;
	s0 =	simm.s32 @!p2 $0x0  }
0x16: {  	s3 =	sld [smem:$0x3FDB];
	s0 =	simm.s32 @p2 $0x1  }
0x17: {  	s4 =	simm.s32 $0x1BF5;
	[smem:$0x3FB9] =	sst s0  }
0x18: {  	s0 =	sld [smem:$0x3F9C];
	_ =	swait.ge [sflag:s4], $0x0  }
0x19: {  	s7 =	sld [smem:$0x3F9D]  }
0x1a: {  	s8 =	sadd.s32 $0xFFFFE003, lr  }
0x1b: {  	s9 =	sadd.s32 $0xFFFFFEF7, lr;
	s5 =	simm.s32 $0xFFFFFFFF;
	p2 =	slt.u32 s8, $0xFFFFF086  }
0x1c: {  	p1 =	slt.u32 s9, $0xF7A;
	s5 =	simm.s32 @!p2 $0x0  }
0x1d: {  	s5 =	simm.s32 @p1 $0x1;
	p0 =	seq.s32 s7, s2  }
0x1e: {  	s7 =	smul.u32 @!p0 $0xF7A, s2;
	p2 =	seq.s32 @!p0 s5, $0x0  }
0x1f: {  	s9 =	smul.u32 $0xF7A, s1;
	s8 =	simm.s32 @!p0 $0x1BF5;
	p2 =	por !p2, p0  }
0x20: {  	[sflag:s8] =	ssyncset.s32 @!p0 $0xFFFFF086;
	s6 =	sadd.s32 @!p0 s3, s7;
	s7 =	simm.s32 @!p0 $0x108  }
0x21: {  	s3 =	sadd.s32 s3, s9;
	s6 =	sadd.s32 @!p0 $0x88, s6;
	s7 =	simm.s32 @p2 $0x1082  }
0x22: {  	[simem:s7], [sflag:s8] =	dma.local @!p0 [hbm:s6], $0xF7A  }
0x23: {  	s9 =	sor.u32 $0xD0000000, s2;
	s6 =	simm.s32 $0x108;
	_ =	swait.ge @!p0 [sflag:s8], $0x0  }
0x24: {  	s3 =	sadd.s32 $0x88, s3;
	s6 =	simm.s32 @!p1 $0x1082;
	[sflag:s4] =	ssyncset.s32 $0xFFFFF086  }
0x25: {  	[simem:s6], [sflag:s4] =	dma.local [hbm:s3], $0xF7A  }
0x26: {  	[smem:$0x3F9D] =	sst s1;
	(tag) =	ssettag s2;
	_ =	strace s9  }
0x27: {  	s1 =	sld [smem:$0x3FAD]  }
0x28: {  	s2 =	sld [smem:$0x3FAE]  }
0x29: {  	s4 =	sld [smem:$0x3FB0]  }
0x2a: {  	p0 =	seq.s32 s5, $0x0;
	s5 =	sld [smem:$0x3FB1]  }
0x2b: {  	s6 =	sld [smem:$0x3FB2]  }
0x2c: {  	s7 =	sld [smem:$0x3FB3]  }
0x2d: {  	s3 =	simm.s32 $0x108;
	s8 =	sld [smem:$0x3FB4]  }
0x2e: {  	s3 =	simm.s32 @!p0 $0x1082;
	s9 =	sld [smem:$0x3FB5]  }
0x2f: {  	lr =	sadd.s32 s0, s3;
	s0 =	sld [smem:$0x3FAC]  }
0x30: {  	s3 =	sld [smem:$0x3FAF]  }
0x31: {  	[smem:$0x3FB8] =	sst s10  }
0x32: {  	s10 =	sld [smem:$0x3FB6];
	_ =	sdelay $0x3  }
0x33: {  	p0 =	seq.s32 s10, $0x1;
	s10 =	sld [smem:$0x3FB8];
	_ =	sdelay $0x3  }
0x34: {  	[smem:$0x3FB8] =	sst s10  }
0x35: {  	s10 =	sld [smem:$0x3FB7];
	_ =	sdelay $0x3  }
0x36: {  	p1 =	seq.s32 s10, $0x1;
	s10 =	sld [smem:$0x3FB8];
	_ =	sdelay $0x3  }
0x37: {  	[smem:$0x3FB8] =	sst s10  }
0x38: {  	s10 =	sld [smem:$0x3FB9]  }
0x39: {  	_ = 	snop;
	(pc) =	sbr.ind lr, $3  }
0x3a: {  	_ = 	snop  }
0x3b: {  	_ = 	snop  }
0x3c: {  	p2 =	seq.s32 s10, $0x1;
	s10 =	sld [smem:$0x3FB8]  }
0x3d: {  	_ =	shalt  }
0x3e: {  	_ =	shalt  }
0x3f: {  	_ =	shalt  }
0x40: {  	_ =	shalt  }
0x41: {  	_ =	shalt  }
0x42: {  	_ =	shalt  }
0x43: {  	_ =	shalt  }
0x44: {  	_ =	shalt  }
0x45: {  	_ =	shalt  }
0x46: {  	_ =	shalt  }
0x47: {  	_ =	shalt  }
0x48: {  	_ =	shalt  }
0x49: {  	_ =	shalt  }
0x4a: {  	_ =	shalt  }
0x4b: {  	_ =	shalt  }
0x4c: {  	_ =	shalt  }
0x4d: {  	_ =	shalt  }
0x4e: {  	_ =	shalt  }
0x4f: {  	_ =	shalt  }
0x50: {  	_ =	shalt  }
0x51: {  	_ =	shalt  }
0x52: {  	_ =	shalt  }
0x53: {  	_ =	shalt  }
0x54: {  	_ =	shalt  }
0x55: {  	_ =	shalt  }
0x56: {  	_ =	shalt  }
0x57: {  	_ =	shalt  }
0x58: {  	_ =	shalt  }
0x59: {  	_ =	shalt  }
0x5a: {  	_ =	shalt  }
0x5b: {  	_ =	shalt  }
0x5c: {  	_ =	shalt  }
0x5d: {  	_ =	shalt  }
0x5e: {  	_ =	shalt  }
0x5f: {  	_ =	shalt  }
0x60: {  	_ =	shalt  }
0x61: {  	_ =	shalt  }
0x62: {  	_ =	shalt  }
0x63: {  	_ =	shalt  }
0x64: {  	_ =	shalt  }
0x65: {  	_ =	shalt  }
0x66: {  	_ =	shalt  }
0x67: {  	_ =	shalt  }
0x68: {  	_ =	shalt  }
0x69: {  	_ =	shalt  }
0x6a: {  	_ =	shalt  }
0x6b: {  	_ =	shalt  }
0x6c: {  	_ =	shalt  }
0x6d: {  	_ =	shalt  }
0x6e: {  	_ =	shalt  }
0x6f: {  	_ =	shalt  }
0x70: {  	_ =	shalt  }
0x71: {  	_ =	shalt  }
0x72: {  	_ =	shalt  }
0x73: {  	_ =	shalt  }
0x74: {  	_ =	shalt  }
0x75: {  	_ =	shalt  }
0x76: {  	_ =	shalt  }
0x77: {  	_ =	shalt  }
0x78: {  	_ =	shalt  }
0x79: {  	_ =	shalt  }
0x7a: {  	_ =	shalt  }
0x7b: {  	_ =	shalt  }
0x7c: {  	_ =	shalt  }
0x7d: {  	_ =	shalt  }
0x7e: {  	_ =	shalt  }
0x7f: {  	_ =	shalt  }
0x80: {  	_ =	shalt  }
0x81: {  	_ =	shalt  }
0x82: {  	_ =	shalt  }
0x83: {  	_ =	shalt  }
0x84: {  	_ =	shalt  }
0x85: {  	_ =	shalt  }
0x86: {  	_ =	shalt  }
0x87: {  	_ =	shalt  }
.Lfunc_end0:
.L_simem_size_0:
called_computation_lowered:
.L_overlay_start_0:
0x88: {  	s2 =	sld [smem:$0x3FD9]  }
0x89: {  	s3 =	sld [smem:$0x3FFE];
	_ =	sdelay $0x1  }
0x8a: {  	s1 =	srdreg.scid  }
0x8b: {  	s0 =	sand.u32 $0x1, s1  }
0x8c: {  	s17 =	sshll.u32 s0, $0xA;
	s2 =	sadd.s32 s3, s2  }
0x8d: {  	s2 =	sadd.s32 s2, s17  }
0x8e: {  	[smem:$0x3FC4] =	sst s2  }
0x8f: {  	_ = 	snop  }
0x90: {  	s2 =	sld [smem:$0x3FD0];
	(tm) =	ssettm $0x1  }
0x91: {  	s18 =	sld [smem:$0x3FFB];
	_ =	sdelay $0x3  }
0x92: {  	_ =	strace s18  }
0x93: {  	s3 =	sld [smem:$0x3FFC];
	_ =	sdelay $0x3  }
0x94: {  	_ =	strace s3  }
0x95: {  	s3 =	sld [smem:$0x3FFD];
	_ =	sdelay $0x3  }
0x96: {  	_ =	strace s3  }
0x97: {  	_ =	strace $0x8FFFFFFF  }
0x98: {  	s19 =	sld [smem:$0x3FDB];
	_ =	sdelay $0x1  }
0x99: {  	s4 =	simm.s32 $_scs_section_size  }
0x9a: {  	s5 =	simm.s32 $_size__tile_overlayer_lowered;
	s6 =	simm.s32 $_tile_overlayer_lowered  }
0x9b: {  	s22 =	simm.s32 $0x1BFF;
	s21 =	sshll.u32 s6, $0x1;
	s3 =	sadd.s32 s4, s19  }
0x9c: {  	s7 =	simm.s32 $0x0;
	s20 =	sshll.u32 s5, $0x1;
	s5 =	sadd.s32 s21, s3  }
0x9d: {  	[timem:s7], [sflag:s22] =	dma.local [hbm:s5], s20  }
0x9e: {  	_ =	swait.ge [sflag:s22], s20  }
0x9f: {  	s4 =	ssub.s32 $0x0, s20;
	[sflag:s22] =	ssyncset.done $0x0  }
0xa0: {  	[sflag:s22] =	ssyncadd.s32 s4;
	_ =	sdelay $0x1  }
0xa1: {  	s23 =	simm.s32 $0x1B8B  }
0xa2: {  	_ =	swait.ge [sflag:s23], $0x1  }
0xa3: {  	[sflag:s23] =	ssyncset.done $0x0  }
0xa4: {  	s25 =	simm.s32 $0x1B8E;
	s24 =	sld [smem:$0x3FFE];
	[sflag:s23] =	ssyncadd.s32 $0xFFFFFFFF  }
0xa5: {  	s26 =	simm.s32 $execute0_lowered;
	[smem:$0x3FD2] =	sst s25  }
0xa6: {  	s5 =	sshll.u32 s26, $0x1;
	_ =	strace $0x80000046;
	[dreg:$0x1] =	wrdreg $0xFFFFFFFF  }
0xa7: {  	s28 =	simm.s32 $_size_execute0_lowered;
	s3 =	sadd.s32 s3, s5;
	[dreg:$0x0] =	wrdreg $0x0  }
0xa8: {  	s5 =	sshll.u32 s28, $0x1;
	[dreg:$0x2] =	wrdreg s3  }
0xa9: {  	[dreg:$0x3] =	wrdreg s5  }
0xaa: {  	[dreg:$0x4] =	wrdreg $0xC0  }
0xab: {  	_ =	task [dreg:s7], $0x5FFFF  }
0xac: {  	[dreg:$0x1] =	wrdreg $0xFFFFFFFF  }
0xad: {  	[dreg:$0x0] =	wrdreg $0x60  }
0xae: {  	[dreg:$0x2] =	wrdreg s2  }
0xaf: {  	[dreg:$0x3] =	wrdreg s24  }
0xb0: {  	[dreg:$0x4] =	wrdreg $0x9  }
0xb1: {  	_ =	task.clear_ibuf [dreg:s7], $0x5FFFF;
	_ =	strace $0x90000046  }
0xb2: {  	s29 =	simm.s32 $0x9;
	_ =	strace $0x80000048  }
0xb3: {  	_ =	swait.ge [sflag:s29], $0x1  }
0xb4: {  	[sflag:s29] =	ssyncadd.s32 $0xFFFFFFFF  }
0xb5: {  	_ =	strace $0x90000048  }
0xb6: {  	_ =	sfence  }
0xb7: {  	s30 =	sld [smem:$0x0];
	_ =	sdelay $0x2  }
0xb8: {  	s31 =	sshll.u32 s1, $0xD;
	s1 =	sshrl.u32 s1, $0x2  }
0xb9: {  	s3 =	sand.u32 $0x4000, s31;
	s1 =	sadd.s32 s1, s30  }
0xba: {  	s0 =	sor.u32 s3, s0;
	s1 =	sshll.u32 s1, $0x11  }
0xbb: {  	s0 =	sor.u32 s1, s0  }
0xbc: {  	s0 =	sadd.s32 $0x8F2B, s0  }
0xbd: {  	[sflag:s0] =	ssyncadd.remote.s32 $0x1  }
0xbe: {  	_ =	sfence.sel $0xFFFF  }
0xbf: {  	[dreg:$0x0] =	wrdreg $0xFFFFFFFF;
	(pc) =	sbr.abs _section_cstart, $3  }
0xc0: {  	[dreg:$0x1] =	wrdreg $0xFFFFFFFF  }
0xc1: {  	_ =	task.clear_ibuf [dreg:s7], $0x2FFFF;
	_ =	strace $0x9FFFFFFF  }
0xc2: {  	(tm) =	ssettm $0x7FFFFFFF  }
0xc3: {  	_ =	shalt  }
tec
execute0_lowered:
.L_overlay_start_1:
0x0: {  	(tag) =	ssettag $0x1  }
0x1: {  	v0 =	vimm.s32 $0xFEDCBA98;
	v1 =	vimm.s32 $0x76543210  }
0x2: {  	v2 =	vimm.s32 $0xBA98FEDC;
	v3 =	vimm.s32 $0x32107654;
	v4 =	vimm.s32 $0xDCFE98BA  }
0x3: {  	v5 =	vimm.s32 $0x54761032;
	v6 =	vimm.s32 $0xEFCDAB89;
	v7 =	vimm.s32 $0x67452301  }
0x4: {  	vm0 =	vmmov $0x1;
	vm1 =	vmmov $0x3;
	vm2 =	vmmov $0x7  }
0x5: {  	s0 =	rddreg [dreg:$0x0];
	vm3 =	vmmov $0xf;
	vm4 =	vmmov $0x1f;
	vm5 =	vmmov $0x3f  }
0x6: {  	s1 =	rddreg [dreg:$0x1];
	s10 =	simm.s32 $0x0;
	s2 =	srdreg.scid;
	vm6 =	vmmov $0x7f;
	vm7 =	vmmov $0xff;
	v0 =	vunpack.c.l.s4.s8 v0  }
0x7: {  	s4 =	stileid.u32;
	v1 =	vunpack.c.l.s4.s8 v1;
	v2 =	vunpack.c.l.s4.s8 v2;
	v3 =	vunpack.c.l.s4.s8 v3;
	[smem:$0x7FF] =	sst s10  }
0x8: {  	v4 =	vunpack.c.l.s4.s8 v4;
	v5 =	vunpack.c.l.s4.s8 v5;
	v6 =	vunpack.c.l.s4.s8 v6;
	s2 =	sand.u32 $0x1, s2;
	s3 =	sshll.u32 s4, $0x5;
	s4 =	sshll.u32 s4, $0x7  }
0x9: {  	v7 =	vunpack.c.l.s4.s8 v7;
	s11 =	sadd.s32 $0xC00, s1;
	s5 =	sshll.u32 s2, $0x4;
	s3 =	sand.u32 $0x60, s3;
	v0 =	vunpack.c.0.s8.s32 v0;
	v2 =	vunpack.c.0.s8.s32 v2  }
0xa: {  	s4 =	sand.u32 $0x600, s4;
	s2 =	ssub.s32 $0x2, s2;
	v3 =	vunpack.c.0.s8.s32 v3;
	v4 =	vunpack.c.0.s8.s32 v4;
	v1 =	vunpack.c.0.s8.s32 v1;
	s3 =	sor.u32 s5, s3  }
0xb: {  	s12 =	sadd.s32 $0xF43000, s1;
	v5 =	vunpack.c.0.s8.s32 v5;
	v6 =	vunpack.c.0.s8.s32 v6;
	s28 =	sshrl.u32 s2, $0x1;
	s3 =	sor.u32 s4, s3;
	v0 =	vand.u32 $0xF, v0  }
0xc: {  	_ =	strace $0x80000047;
	v7 =	vunpack.c.0.s8.s32 v7;
	s2 =	ssub.s32 s2, s28;
	v2 =	vcombine.low v3, v2;
	s0 =	sadd.s32 s0, s3;
	v60 =	vcombine.low v0, v1  }
0xd: {  	vm8 =	vmmov $0x1ff;
	vm9 =	vmmov $0x3ff;
	v54 =	vcombine.low v5, v4;
	s1 =	sadd.s32 s3, s1;
	s31 =	smax.u32 s2, $0x1;
	[dreg:$0xc] =	wrdreg s0  }
0xe: {  	vm10 =	vmmov $0x7ff;
	s4 =	simm.s32 $0x0;
	v55 =	vcombine.low v7, v6;
	s29 =	sadd.s32 $0x400, s1;
	[dreg:$0xf] =	wrdreg s31;
	v57 =	vand.u32 $0xF, v2;
	[tilespmem:$0x1FFD0] =	vst v60  }
0xf: {  	vm11 =	vmmov $0xfff;
	vm12 =	vmmov $0x1fff;
	s2 =	simm.s32 $0x400;
	s30 =	sadd.s32 $0x1E85400, s1;
	v61 =	vand.u32 $0xF, v54;
	[dreg:$0xd] =	wrdreg s29;
	[tilespmem:$0x1FFE0] =	vst v57  }
0x10: {  	vm13 =	vmmov $0x3fff;
	vm14 =	vmmov $0x7fff;
	s3 =	simm.s32 $0x3;
	s1 =	simm.s32 $0x80;
	v48 =	vand.u32 $0xF, v55;
	[dreg:$0xe] =	wrdreg s30;
	[tilespmem:$0x1FFF0] =	vst v61  }
.LBB2_1:
0x11: {  	[dreg:$0x10] =	wrdreg s4  }
0x12: {  	s0 =	rddreg [dreg:$0xc]  }
0x13: {  	[tilespmem:s10], [sflag:$0x3] =	stream.strided.gather [hbm4b:s0+s1], $0x200, s2, s1, $0x38;
	[tilespmem:$0x8600] =	vst v63  }
0x14: {  	_ =	swait.ge [sflag:s3], $0x200  }
0x15: {  	[sflag:s3] =	ssyncset.done $0x0  }
0x16: {  	s13 =	simm.s32 $0x200;
	s31 =	rddreg [dreg:$0xd];
	[sflag:s3] =	ssyncadd.s32 $0xFFFFFE00  }
0x17: {  	[tilespmem:s13], [sflag:$0x3] =	stream.strided.gather [hbm4b:s31+s1], $0x200, s2, s1, $0x38;
	[tilespmem:$0x8600] =	vst v63  }
0x18: {  	_ =	swait.ge [sflag:s3], $0x200  }
0x19: {  	s14 =	simm.s32 $0x0;
	[sflag:s3] =	ssyncset.done $0x0  }
0x1a: {  	s1 =	simm.s32 $0x8400;
	s2 =	simm.s32 $0x0;
	[sflag:s3] =	ssyncadd.s32 $0xFFFFFE00  }
.LBB2_2:
0x1b: {  	v4 =	vld [tilespmem:s14+$0x0];
	_ =	sdelay $0x1  }
0x1c: {  	v6 =	vld [tilespmem:s13+$0x0];
	_ =	sdelay $0x2  }
0x1d: {  	v5 =	vshll.u32 v4, $0x4  }
0x1e: {  	(v2sf) =	vpush v5, $0x0  }
0x1f: {  	v63 =	vshll.u32 v6, $0x4  }
0x20: {  	(v2sf) =	vpush v63, $0x0;
	_ =	sdelay $0x1  }
0x21: {  	(v2sf) =	vpush v5, $0x1  }
0x22: {  	(v2sf) =	vpush v63, $0x1  }
0x23: {  	(v2sf) =	vpush v5, $0x2;
	_ =	sdelay $0x1  }
0x24: {  	(v2sf) =	vpush v63, $0x2  }
0x25: {  	[dreg:$0x14] =	wrdreg s2  }
0x26: {  	[dreg:$0x12] =	wrdreg s1;
	(v2sf) =	vpush v5, $0x3  }
0x27: {  	s21 =	simm.s32 $0x2000;
	s20 =	simm.s32 $0x0;
	s3 =	simm.s32 $0x4400  }
0x28: {  	s2 =	simm.s32 $0x680;
	s1 =	simm.s32 $0x880;
	s4 =	simm.s32 $0x400  }
0x29: {  	s6 =	simm.s32 $0x600;
	s0 =	simm.s32 $0x4900;
	s7 =	simm.s32 $0x580  }
0x2a: {  	s18 =	simm.s32 $0x480;
	s23 =	simm.s32 $0x4480;
	s25 =	simm.s32 $0x500  }
0x2b: {  	s30 =	simm.s32 $0xA00;
	[dreg:$0x11] =	wrdreg s13;
	s5 =	spop (v2sf)  }
0x2c: {  	[dreg:$0x13] =	wrdreg s14;
	s29 =	simm.s32 $0xB00;
	(v2sf) =	vpush v63, $0x3;
	s5 =	sand.u32 $0x1FFFFFF0, s5  }
0x2d: {  	s28 =	simm.s32 $0x4B00;
	s8 =	spop (v2sf);
	s5 =	sadd.s32 s11, s5  }
0x2e: {  	(v2sf) =	vpush v5, $0x4;
	[tilespmem:s4], [sflag:$0x1] =	stream.linear.gather [hbm4b:s5+s10], $0x80, $0x38;
	[tilespmem:$0x8600] =	vst v63  }
0x2f: {  	(v2sf) =	vpush v63, $0x4;
	s16 =	sand.u32 $0x1FFFFFF0, s8;
	s17 =	spop (v2sf);
	s4 =	simm.s32 $0x4580  }
0x30: {  	s5 =	sadd.s32 s12, s16;
	s8 =	sand.u32 $0x1FFFFFF0, s17;
	s9 =	spop (v2sf)  }
0x31: {  	(v2sf) =	vpush v5, $0x5;
	s19 =	sadd.s32 s11, s8;
	s22 =	sand.u32 $0x1FFFFFF0, s9;
	s24 =	spop (v2sf)  }
0x32: {  	[tilespmem:s3], [sflag:$0x2] =	stream.linear.gather [hbm4b:s5+s10], $0x80, $0x38;
	[tilespmem:$0x8600] =	vst v63  }
0x33: {  	(v2sf) =	vpush v63, $0x5;
	s9 =	simm.s32 $0x4A00;
	s5 =	sand.u32 $0x1FFFFFF0, s24;
	s26 =	spop (v2sf)  }
0x34: {  	(v2sf) =	vpush v5, $0x6;
	[tilespmem:s18], [sflag:$0x1] =	stream.linear.gather [hbm4b:s19+s10], $0x80, $0x38;
	[tilespmem:$0x8600] =	vst v63  }
0x35: {  	s8 =	sadd.s32 s12, s22;
	s5 =	sadd.s32 s11, s5;
	s31 =	spop (v2sf)  }
0x36: {  	[tilespmem:s23], [sflag:$0x2] =	stream.linear.gather [hbm4b:s8+s10], $0x80, $0x38;
	[tilespmem:$0x8600] =	vst v63  }
0x37: {  	s15 =	sand.u32 $0x1FFFFFF0, s31;
	s18 =	simm.s32 $0x4600;
	s8 =	sand.u32 $0x1FFFFFF0, s26  }
0x38: {  	(v2sf) =	vpush v63, $0x6;
	[tilespmem:s25], [sflag:$0x1] =	stream.linear.gather [hbm4b:s5+s10], $0x80, $0x38;
	[tilespmem:$0x8600] =	vst v63  }
0x39: {  	s31 =	simm.s32 $0x700;
	s8 =	sadd.s32 s12, s8;
	s5 =	simm.s32 $0x4500  }
0x3a: {  	[tilespmem:s5], [sflag:$0x2] =	stream.linear.gather [hbm4b:s8+s10], $0x80, $0x38;
	[tilespmem:$0x8600] =	vst v63  }
0x3b: {  	s17 =	sadd.s32 s11, s15;
	s15 =	simm.s32 $0xA80;
	s16 =	spop (v2sf)  }
0x3c: {  	(v2sf) =	vpush v5, $0x7;
	[tilespmem:s7], [sflag:$0x1] =	stream.linear.gather [hbm4b:s17+s10], $0x80, $0x38;
	[tilespmem:$0x8600] =	vst v63  }
0x3d: {  	s25 =	simm.s32 $0x4680;
	s3 =	sand.u32 $0x1FFFFFF0, s16;
	s19 =	spop (v2sf)  }
0x3e: {  	(v2sf) =	vpush v63, $0x7;
	s3 =	sadd.s32 s12, s3;
	s7 =	sand.u32 $0x1FFFFFF0, s19;
	s22 =	spop (v2sf)  }
0x3f: {  	[tilespmem:s4], [sflag:$0x2] =	stream.linear.gather [hbm4b:s3+s10], $0x80, $0x38;
	[tilespmem:$0x8600] =	vst v63  }
0x40: {  	s23 =	sadd.s32 s11, s7;
	s24 =	sand.u32 $0x1FFFFFF0, s22;
	s26 =	spop (v2sf)  }
0x41: {  	(v2sf) =	vpush v5, $0x8;
	[tilespmem:s6], [sflag:$0x1] =	stream.linear.gather [hbm4b:s23+s10], $0x80, $0x38;
	[tilespmem:$0x8600] =	vst v63  }
0x42: {  	s22 =	simm.s32 $0x4700;
	s7 =	spop (v2sf);
	s6 =	sand.u32 $0x1FFFFFF0, s26  }
0x43: {  	(v2sf) =	vpush v63, $0x8;
	s4 =	sadd.s32 s12, s24;
	s8 =	spop (v2sf);
	s5 =	sadd.s32 s11, s6  }
0x44: {  	(v2sf) =	vpush v5, $0x9;
	[tilespmem:s18], [sflag:$0x2] =	stream.linear.gather [hbm4b:s4+s10], $0x80, $0x38;
	[tilespmem:$0x8600] =	vst v63  }
0x45: {  	s6 =	sand.u32 $0x1FFFFFF0, s7;
	s17 =	sand.u32 $0x1FFFFFF0, s8;
	s7 =	simm.s32 $0x4A80  }
0x46: {  	(v2sf) =	vpush v63, $0x9;
	[tilespmem:s2], [sflag:$0x1] =	stream.linear.gather [hbm4b:s5+s10], $0x80, $0x38;
	[tilespmem:$0x8600] =	vst v63  }
0x47: {  	s8 =	simm.s32 $0x800;
	s16 =	sadd.s32 s12, s6;
	s18 =	spop (v2sf)  }
0x48: {  	(v2sf) =	vpush v5, $0xA;
	[tilespmem:s25], [sflag:$0x2] =	stream.linear.gather [hbm4b:s16+s10], $0x80, $0x38;
	[tilespmem:$0x8600] =	vst v63  }
0x49: {  	s19 =	sadd.s32 s11, s17;
	s4 =	simm.s32 $0x4780;
	s3 =	sand.u32 $0x1FFFFFF0, s18  }
0x4a: {  	(v2sf) =	vpush v63, $0xA;
	[tilespmem:s31], [sflag:$0x1] =	stream.linear.gather [hbm4b:s19+s10], $0x80, $0x38;
	[tilespmem:$0x8600] =	vst v63  }
0x4b: {  	s18 =	simm.s32 $0x4800;
	s3 =	sadd.s32 s12, s3;
	s23 =	spop (v2sf)  }
0x4c: {  	(v2sf) =	vpush v5, $0xB;
	[tilespmem:s22], [sflag:$0x2] =	stream.linear.gather [hbm4b:s3+s10], $0x80, $0x38;
	[tilespmem:$0x8600] =	vst v63  }
0x4d: {  	s2 =	simm.s32 $0x4980;
	s5 =	sand.u32 $0x1FFFFFF0, s23;
	s24 =	spop (v2sf)  }
0x4e: {  	s25 =	simm.s32 $0x780;
	(v2sf) =	vpush v63, $0xB;
	s26 =	sadd.s32 s11, s5;
	s31 =	sand.u32 $0x1FFFFFF0, s24  }
0x4f: {  	[tilespmem:s25], [sflag:$0x1] =	stream.linear.gather [hbm4b:s26+s10], $0x80, $0x38;
	[tilespmem:$0x8600] =	vst v63  }
0x50: {  	s23 =	simm.s32 $0x4880;
	s6 =	spop (v2sf);
	s5 =	sadd.s32 s12, s31  }
0x51: {  	[tilespmem:s4], [sflag:$0x2] =	stream.linear.gather [hbm4b:s5+s10], $0x80, $0x38;
	[tilespmem:$0x8600] =	vst v63  }
0x52: {  	s16 =	spop (v2sf);
	(v2sf) =	vpush v5, $0xC;
	s25 =	simm.s32 $0x900;
	s4 =	sand.u32 $0x1FFFFFF0, s6  }
0x53: {  	s17 =	spop (v2sf);
	s5 =	sand.u32 $0x1FFFFFF0, s16;
	s4 =	sadd.s32 s11, s4  }
0x54: {  	(v2sf) =	vpush v63, $0xC;
	[tilespmem:s8], [sflag:$0x1] =	stream.linear.gather [hbm4b:s4+s10], $0x80, $0x38;
	[tilespmem:$0x8600] =	vst v63  }
0x55: {  	s22 =	sand.u32 $0x1FFFFFF0, s17;
	s24 =	spop (v2sf);
	s19 =	sadd.s32 s12, s5  }
0x56: {  	[tilespmem:s18], [sflag:$0x2] =	stream.linear.gather [hbm4b:s19+s10], $0x80, $0x38;
	[tilespmem:$0x8600] =	vst v63  }
0x57: {  	s5 =	sadd.s32 s11, s22;
	s26 =	spop (v2sf);
	s4 =	sand.u32 $0x1FFFFFF0, s24  }
0x58: {  	[tilespmem:s1], [sflag:$0x1] =	stream.linear.gather [hbm4b:s5+s10], $0x80, $0x38;
	[tilespmem:$0x8600] =	vst v63  }
0x59: {  	s31 =	spop (v2sf);
	s4 =	sadd.s32 s12, s4;
	s5 =	sand.u32 $0x1FFFFFF0, s26  }
0x5a: {  	[tilespmem:s23], [sflag:$0x2] =	stream.linear.gather [hbm4b:s4+s10], $0x80, $0x38;
	[tilespmem:$0x8600] =	vst v63  }
0x5b: {  	s8 =	sand.u32 $0x1FFFFFF0, s31;
	s5 =	sadd.s32 s11, s5;
	s16 =	spop (v2sf)  }
0x5c: {  	[tilespmem:s25], [sflag:$0x1] =	stream.linear.gather [hbm4b:s5+s10], $0x80, $0x38;
	[tilespmem:$0x8600] =	vst v63  }
0x5d: {  	s17 =	sadd.s32 s12, s8;
	s18 =	sand.u32 $0x1FFFFFF0, s16;
	s19 =	spop (v2sf)  }
0x5e: {  	(v2sf) =	vpush v5, $0xD;
	[tilespmem:s0], [sflag:$0x2] =	stream.linear.gather [hbm4b:s17+s10], $0x80, $0x38;
	[tilespmem:$0x8600] =	vst v63  }
0x5f: {  	s22 =	simm.s32 $0x980;
	(v2sf) =	vpush v63, $0xD;
	s23 =	sadd.s32 s11, s18;
	s24 =	sand.u32 $0x1FFFFFF0, s19  }
0x60: {  	(v2sf) =	vpush v5, $0xE;
	[tilespmem:s22], [sflag:$0x1] =	stream.linear.gather [hbm4b:s23+s10], $0x80, $0x38;
	[tilespmem:$0x8600] =	vst v63  }
0x61: {  	s25 =	sadd.s32 $0x10, s13;
	s26 =	sadd.s32 s12, s24;
	(v2sf) =	vpush v63, $0xE;
	s31 =	spop (v2sf)  }
0x62: {  	(v2sf) =	vpush v5, $0xF;
	[tilespmem:s2], [sflag:$0x2] =	stream.linear.gather [hbm4b:s26+s10], $0x80, $0x38;
	[tilespmem:$0x8600] =	vst v63  }
0x63: {  	s0 =	sand.u32 $0x1FFFFFF0, s31;
	s1 =	spop (v2sf);
	(v2sf) =	vpush v63, $0xF;
	s26 =	sadd.s32 $0x10, s14  }
.LBB2_3:
0x64: {  	_ =	sdelay $0x4  }
0x65: {  	s0 =	sadd.s32 s11, s0;
	s1 =	sand.u32 $0x1FFFFFF0, s1  }
0x66: {  	[tilespmem:s30], [sflag:$0x1] =	stream.linear.gather [hbm4b:s0+s10], $0x80, $0x38;
	[tilespmem:$0x8600] =	vst v63  }
0x67: {  	s23 =	sadd.s32 s12, s1  }
0x68: {  	[tilespmem:s9], [sflag:$0x2] =	stream.linear.gather [hbm4b:s23+s10], $0x80, $0x38;
	[tilespmem:$0x8600] =	vst v63  }
0x69: {  	s2 =	spop (v2sf)  }
0x6a: {  	s24 =	sand.u32 $0x1FFFFFF0, s2;
	s31 =	spop (v2sf)  }
0x6b: {  	s1 =	sadd.s32 s11, s24;
	s2 =	sand.u32 $0x1FFFFFF0, s31;
	s3 =	spop (v2sf)  }
0x6c: {  	[tilespmem:s15], [sflag:$0x1] =	stream.linear.gather [hbm4b:s1+s10], $0x80, $0x38;
	[tilespmem:$0x8600] =	vst v63  }
0x6d: {  	s4 =	sadd.s32 s12, s2;
	s5 =	sand.u32 $0x1FFFFFF0, s3;
	s6 =	spop (v2sf)  }
0x6e: {  	[tilespmem:s7], [sflag:$0x2] =	stream.linear.gather [hbm4b:s4+s10], $0x80, $0x38;
	[tilespmem:$0x8600] =	vst v63  }
0x6f: {  	s8 =	sadd.s32 s11, s5;
	s9 =	sand.u32 $0x1FFFFFF0, s6;
	s13 =	spop (v2sf)  }
0x70: {  	[tilespmem:s29], [sflag:$0x1] =	stream.linear.gather [hbm4b:s8+s10], $0x80, $0x38;
	[tilespmem:$0x8600] =	vst v63  }
0x71: {  	s14 =	sadd.s32 s12, s9;
	s15 =	sand.u32 $0x1FFFFFF0, s13;
	s16 =	spop (v2sf)  }
0x72: {  	[tilespmem:s28], [sflag:$0x2] =	stream.linear.gather [hbm4b:s14+s10], $0x80, $0x38;
	[tilespmem:$0x8600] =	vst v63  }
0x73: {  	s17 =	sadd.s32 $0xB80, s20;
	s1 =	sadd.s32 s11, s15;
	s2 =	sand.u32 $0x1FFFFFF0, s16  }
0x74: {  	[tilespmem:s17], [sflag:$0x1] =	stream.linear.gather [hbm4b:s1+s10], $0x80, $0x38;
	[tilespmem:$0x8600] =	vst v63  }
0x75: {  	s18 =	sadd.s32 $0x4B80, s20;
	s19 =	sadd.s32 s12, s2  }
0x76: {  	[tilespmem:s18], [sflag:$0x2] =	stream.linear.gather [hbm4b:s19+s10], $0x80, $0x38;
	[tilespmem:$0x8600] =	vst v63  }
0x77: {  	v4 =	vld [tilespmem:s26+$0x0]  }
0x78: {  	v6 =	vld [tilespmem:s25+$0x0];
	_ =	sdelay $0x3  }
0x79: {  	v5 =	vshll.u32 v4, $0x4  }
0x7a: {  	v63 =	vshll.u32 v6, $0x4;
	(v2sf) =	vpush v5, $0x0  }
0x7b: {  	s20 =	smov.u32 s21;
	(v2sf) =	vpush v63, $0x0  }
0x7c: {  	s20 =	sshra.s32 s20, $0x2;
	(v2sf) =	vpush v5, $0x1  }
0x7d: {  	s0 =	sadd.s32 $0x680, s20  }
0x7e: {  	p0 =	sne.s32 s21, $0xE000;
	s22 =	sadd.s32 $0x880, s20;
	[dreg:$0xb] =	wrdreg s0;
	(v2sf) =	vpush v63, $0x1  }
0x7f: {  	s21 =	sadd.s32 $0x2000, s21;
	[dreg:$0x5] =	wrdreg s22;
	s23 =	sadd.s32 $0x4900, s20  }
0x80: {  	s30 =	sadd.s32 $0xA00, s20;
	[dreg:$0x3] =	wrdreg s23;
	s24 =	sadd.s32 $0xA80, s20;
	(v2sf) =	vpush v5, $0x2  }
0x81: {  	s22 =	sadd.s32 $0x400, s20;
	s31 =	sadd.s32 $0x4980, s20;
	[dreg:$0x9] =	wrdreg s24  }
0x82: {  	s0 =	sadd.s32 $0x4480, s20;
	s3 =	sadd.s32 $0x500, s20;
	[dreg:$0x4] =	wrdreg s31;
	(v2sf) =	vpush v63, $0x2  }
0x83: {  	s31 =	sadd.s32 $0x480, s20;
	s5 =	sadd.s32 $0x4580, s20;
	s6 =	sadd.s32 $0x4880, s20  }
0x84: {  	s4 =	sadd.s32 $0x4400, s20;
	s13 =	sadd.s32 $0x580, s20;
	s9 =	sadd.s32 $0x4A00, s20;
	(v2sf) =	vpush v5, $0x3  }
0x85: {  	s7 =	sadd.s32 $0x4A80, s20;
	[dreg:$0x7] =	wrdreg s6;
	s6 =	sadd.s32 $0x800, s20;
	(v2sf) =	vpush v63, $0x3  }
0x86: {  	s16 =	sadd.s32 $0x600, s20;
	s15 =	sadd.s32 $0x4700, s20;
	[dreg:$0xa] =	wrdreg s6  }
0x87: {  	s6 =	sadd.s32 $0x980, s20;
	s2 =	sadd.s32 $0x4500, s20;
	s8 =	sadd.s32 $0x900, s20;
	(v2sf) =	vpush v5, $0x4  }
0x88: {  	s29 =	sadd.s32 $0xB00, s20;
	[dreg:$0x6] =	wrdreg s8;
	s8 =	sadd.s32 $0x780, s20  }
0x89: {  	s28 =	sadd.s32 $0x4B00, s20;
	s17 =	sadd.s32 $0x4600, s20;
	s14 =	spop (v2sf)  }
0x8a: {  	s1 =	simm.s32 $0x0;
	s14 =	sand.u32 $0x1FFFFFF0, s14;
	s23 =	spop (v2sf)  }
0x8b: {  	(v2sf) =	vpush v63, $0x4;
	s14 =	sadd.s32 s11, s14;
	s23 =	sand.u32 $0x1FFFFFF0, s23;
	s24 =	spop (v2sf)  }
0x8c: {  	[tilespmem:s22], [sflag:$0x1] =	stream.linear.gather [hbm4b:s14+s1], $0x80, $0x38;
	[tilespmem:$0x8600] =	vst v63  }
0x8d: {  	(v2sf) =	vpush v5, $0x5;
	s22 =	sadd.s32 s12, s23;
	s23 =	sand.u32 $0x1FFFFFF0, s24;
	s24 =	spop (v2sf)  }
0x8e: {  	(v2sf) =	vpush v63, $0x5;
	[tilespmem:s4], [sflag:$0x2] =	stream.linear.gather [hbm4b:s22+s1], $0x80, $0x38;
	[tilespmem:$0x8600] =	vst v63  }
0x8f: {  	s22 =	sadd.s32 s11, s23;
	s23 =	sand.u32 $0x1FFFFFF0, s24;
	s24 =	spop (v2sf)  }
0x90: {  	(v2sf) =	vpush v5, $0x6;
	[tilespmem:s31], [sflag:$0x1] =	stream.linear.gather [hbm4b:s22+s1], $0x80, $0x38;
	[tilespmem:$0x8600] =	vst v63  }
0x91: {  	s23 =	sadd.s32 s12, s23;
	s24 =	sand.u32 $0x1FFFFFF0, s24;
	s31 =	spop (v2sf)  }
0x92: {  	(v2sf) =	vpush v63, $0x6;
	[tilespmem:s0], [sflag:$0x2] =	stream.linear.gather [hbm4b:s23+s1], $0x80, $0x38;
	[tilespmem:$0x8600] =	vst v63  }
0x93: {  	s23 =	sadd.s32 s11, s24;
	s24 =	sand.u32 $0x1FFFFFF0, s31;
	s31 =	spop (v2sf)  }
0x94: {  	s18 =	sadd.s32 $0x4680, s20;
	s19 =	sadd.s32 $0x700, s20;
	(v2sf) =	vpush v5, $0x7;
	s22 =	spop (v2sf)  }
0x95: {  	[tilespmem:s3], [sflag:$0x1] =	stream.linear.gather [hbm4b:s23+s1], $0x80, $0x38;
	[tilespmem:$0x8600] =	vst v63  }
0x96: {  	s4 =	sadd.s32 s12, s24;
	s14 =	sand.u32 $0x1FFFFFF0, s31;
	(v2sf) =	vpush v63, $0x7;
	s31 =	spop (v2sf)  }
0x97: {  	(v2sf) =	vpush v5, $0x8;
	[tilespmem:s2], [sflag:$0x2] =	stream.linear.gather [hbm4b:s4+s1], $0x80, $0x38;
	[tilespmem:$0x8600] =	vst v63  }
0x98: {  	s10 =	sadd.s32 $0x4800, s20;
	s23 =	sadd.s32 s11, s14;
	s24 =	sand.u32 $0x1FFFFFF0, s22  }
0x99: {  	[tilespmem:s13], [sflag:$0x1] =	stream.linear.gather [hbm4b:s23+s1], $0x80, $0x38;
	[tilespmem:$0x8600] =	vst v63  }
0x9a: {  	[dreg:$0x8] =	wrdreg s10;
	s2 =	sadd.s32 s12, s24;
	s4 =	spop (v2sf)  }
0x9b: {  	[tilespmem:s5], [sflag:$0x2] =	stream.linear.gather [hbm4b:s2+s1], $0x80, $0x38;
	[tilespmem:$0x8600] =	vst v63  }
0x9c: {  	s3 =	sand.u32 $0x1FFFFFF0, s31;
	s14 =	sand.u32 $0x1FFFFFF0, s4;
	s22 =	spop (v2sf)  }
0x9d: {  	s13 =	sadd.s32 s11, s3;
	s23 =	sadd.s32 s12, s14;
	s31 =	spop (v2sf)  }
0x9e: {  	(v2sf) =	vpush v63, $0x8;
	[tilespmem:s16], [sflag:$0x1] =	stream.linear.gather [hbm4b:s13+s1], $0x80, $0x38;
	[tilespmem:$0x8600] =	vst v63  }
0x9f: {  	(v2sf) =	vpush v5, $0x9;
	s24 =	sand.u32 $0x1FFFFFF0, s22;
	s14 =	rddreg [dreg:$0xb];
	s13 =	spop (v2sf)  }
0xa0: {  	[tilespmem:s17], [sflag:$0x2] =	stream.linear.gather [hbm4b:s23+s1], $0x80, $0x38;
	[tilespmem:$0x8600] =	vst v63  }
0xa1: {  	s4 =	sadd.s32 s11, s24;
	s5 =	sand.u32 $0x1FFFFFF0, s31;
	s22 =	spop (v2sf)  }
0xa2: {  	[tilespmem:s14], [sflag:$0x1] =	stream.linear.gather [hbm4b:s4+s1], $0x80, $0x38;
	[tilespmem:$0x8600] =	vst v63  }
0xa3: {  	s10 =	sadd.s32 $0x4780, s20;
	(v2sf) =	vpush v63, $0x9;
	s16 =	sadd.s32 s12, s5;
	s31 =	spop (v2sf)  }
0xa4: {  	[tilespmem:s18], [sflag:$0x2] =	stream.linear.gather [hbm4b:s16+s1], $0x80, $0x38;
	[tilespmem:$0x8600] =	vst v63  }
0xa5: {  	s25 =	sadd.s32 $0x10, s25;
	(v2sf) =	vpush v5, $0xA;
	s17 =	sand.u32 $0x1FFFFFF0, s13;
	s13 =	spop (v2sf)  }
0xa6: {  	s23 =	sadd.s32 s11, s17;
	s24 =	sand.u32 $0x1FFFFFF0, s22;
	s17 =	spop (v2sf)  }
0xa7: {  	(v2sf) =	vpush v63, $0xA;
	[tilespmem:s19], [sflag:$0x1] =	stream.linear.gather [hbm4b:s23+s1], $0x80, $0x38;
	[tilespmem:$0x8600] =	vst v63  }
0xa8: {  	s26 =	sadd.s32 $0x10, s26;
	s4 =	sadd.s32 s12, s24;
	s19 =	sand.u32 $0x1FFFFFF0, s17  }
0xa9: {  	(v2sf) =	vpush v5, $0xB;
	s5 =	sand.u32 $0x1FFFFFF0, s31;
	s23 =	sadd.s32 s11, s19;
	s19 =	rddreg [dreg:$0x5]  }
0xaa: {  	[tilespmem:s15], [sflag:$0x2] =	stream.linear.gather [hbm4b:s4+s1], $0x80, $0x38;
	[tilespmem:$0x8600] =	vst v63  }
0xab: {  	s14 =	sadd.s32 s11, s5;
	s16 =	sand.u32 $0x1FFFFFF0, s13;
	s15 =	rddreg [dreg:$0x9]  }
0xac: {  	[tilespmem:s8], [sflag:$0x1] =	stream.linear.gather [hbm4b:s14+s1], $0x80, $0x38;
	[tilespmem:$0x8600] =	vst v63  }
0xad: {  	(v2sf) =	vpush v63, $0xB;
	s18 =	sadd.s32 s12, s16;
	s4 =	rddreg [dreg:$0xa];
	s22 =	spop (v2sf)  }
0xae: {  	(v2sf) =	vpush v5, $0xC;
	s14 =	rddreg [dreg:$0x8];
	s24 =	sand.u32 $0x1FFFFFF0, s22;
	s31 =	spop (v2sf)  }
0xaf: {  	[tilespmem:s10], [sflag:$0x2] =	stream.linear.gather [hbm4b:s18+s1], $0x80, $0x38;
	[tilespmem:$0x8600] =	vst v63  }
0xb0: {  	(v2sf) =	vpush v63, $0xC;
	s10 =	simm.s32 $0x0;
	s5 =	sadd.s32 s12, s24;
	s8 =	sand.u32 $0x1FFFFFF0, s31  }
0xb1: {  	[tilespmem:s4], [sflag:$0x1] =	stream.linear.gather [hbm4b:s23+s10], $0x80, $0x38;
	[tilespmem:$0x8600] =	vst v63  }
0xb2: {  	s13 =	spop (v2sf);
	s31 =	rddreg [dreg:$0x7];
	s16 =	sadd.s32 s11, s8  }
0xb3: {  	[tilespmem:s14], [sflag:$0x2] =	stream.linear.gather [hbm4b:s5+s10], $0x80, $0x38;
	[tilespmem:$0x8600] =	vst v63  }
0xb4: {  	s17 =	sand.u32 $0x1FFFFFF0, s13;
	s13 =	rddreg [dreg:$0x6];
	s18 =	spop (v2sf)  }
0xb5: {  	[tilespmem:s19], [sflag:$0x1] =	stream.linear.gather [hbm4b:s16+s10], $0x80, $0x38;
	[tilespmem:$0x8600] =	vst v63  }
0xb6: {  	s22 =	sadd.s32 s12, s17;
	s23 =	sand.u32 $0x1FFFFFF0, s18;
	s24 =	spop (v2sf)  }
0xb7: {  	[tilespmem:s31], [sflag:$0x2] =	stream.linear.gather [hbm4b:s22+s10], $0x80, $0x38;
	[tilespmem:$0x8600] =	vst v63  }
0xb8: {  	s4 =	sadd.s32 s11, s23;
	s5 =	sand.u32 $0x1FFFFFF0, s24;
	s8 =	spop (v2sf)  }
0xb9: {  	[tilespmem:s13], [sflag:$0x1] =	stream.linear.gather [hbm4b:s4+s10], $0x80, $0x38;
	[tilespmem:$0x8600] =	vst v63  }
0xba: {  	s18 =	rddreg [dreg:$0x3];
	s14 =	sadd.s32 s12, s5;
	s16 =	sand.u32 $0x1FFFFFF0, s8  }
0xbb: {  	(v2sf) =	vpush v5, $0xD;
	[tilespmem:s18], [sflag:$0x2] =	stream.linear.gather [hbm4b:s14+s10], $0x80, $0x38;
	[tilespmem:$0x8600] =	vst v63  }
.Ltmp0:
0xbc: {  	(v2sf) =	vpush v63, $0xD;
	s17 =	spop (v2sf);
	s19 =	sadd.s32 s11, s16;
	(pc) =	sbr.rel @p0 .LBB2_3-.Ltmp0, $4  }
0xbd: {  	(v2sf) =	vpush v5, $0xE;
	s22 =	sand.u32 $0x1FFFFFF0, s17;
	s23 =	spop (v2sf);
	s31 =	rddreg [dreg:$0x4]  }
0xbe: {  	(v2sf) =	vpush v63, $0xE;
	[tilespmem:s6], [sflag:$0x1] =	stream.linear.gather [hbm4b:s19+s10], $0x80, $0x38;
	[tilespmem:$0x8600] =	vst v63  }
0xbf: {  	(v2sf) =	vpush v5, $0xF;
	s24 =	sadd.s32 s12, s22;
	s0 =	sand.u32 $0x1FFFFFF0, s23;
	s1 =	spop (v2sf)  }
0xc0: {  	(v2sf) =	vpush v63, $0xF;
	[tilespmem:s31], [sflag:$0x2] =	stream.linear.gather [hbm4b:s24+s10], $0x80, $0x38;
	[tilespmem:$0x8600] =	vst v63  }
0xc1: {  	_ =	sdelay $0x4  }
0xc2: {  	s0 =	sadd.s32 s11, s0;
	s1 =	sand.u32 $0x1FFFFFF0, s1  }
0xc3: {  	[tilespmem:s30], [sflag:$0x1] =	stream.linear.gather [hbm4b:s0+s10], $0x80, $0x38;
	[tilespmem:$0x8600] =	vst v63  }
0xc4: {  	s5 =	sadd.s32 s12, s1  }
0xc5: {  	[tilespmem:s9], [sflag:$0x2] =	stream.linear.gather [hbm4b:s5+s10], $0x80, $0x38;
	[tilespmem:$0x8600] =	vst v63  }
0xc6: {  	s2 =	spop (v2sf)  }
0xc7: {  	s6 =	sand.u32 $0x1FFFFFF0, s2;
	s8 =	spop (v2sf)  }
0xc8: {  	s13 =	sadd.s32 s11, s6;
	s14 =	sand.u32 $0x1FFFFFF0, s8;
	s16 =	spop (v2sf)  }
0xc9: {  	[tilespmem:s15], [sflag:$0x1] =	stream.linear.gather [hbm4b:s13+s10], $0x80, $0x38;
	[tilespmem:$0x8600] =	vst v63  }
0xca: {  	s17 =	sadd.s32 s12, s14;
	s18 =	sand.u32 $0x1FFFFFF0, s16;
	s19 =	spop (v2sf)  }
0xcb: {  	[tilespmem:s7], [sflag:$0x2] =	stream.linear.gather [hbm4b:s17+s10], $0x80, $0x38;
	[tilespmem:$0x8600] =	vst v63  }
0xcc: {  	s21 =	sadd.s32 s11, s18;
	s22 =	sand.u32 $0x1FFFFFF0, s19;
	s23 =	spop (v2sf)  }
0xcd: {  	[tilespmem:s29], [sflag:$0x1] =	stream.linear.gather [hbm4b:s21+s10], $0x80, $0x38;
	[tilespmem:$0x8600] =	vst v63  }
0xce: {  	s24 =	sadd.s32 s12, s22;
	s25 =	sand.u32 $0x1FFFFFF0, s23;
	s26 =	spop (v2sf)  }
0xcf: {  	[tilespmem:s28], [sflag:$0x2] =	stream.linear.gather [hbm4b:s24+s10], $0x80, $0x38;
	[tilespmem:$0x8600] =	vst v63  }
0xd0: {  	s1 =	sadd.s32 s11, s25;
	s2 =	sand.u32 $0x1FFFFFF0, s26;
	s29 =	sadd.s32 $0xB80, s20  }
0xd1: {  	[tilespmem:s29], [sflag:$0x1] =	stream.linear.gather [hbm4b:s1+s10], $0x80, $0x38;
	[tilespmem:$0x8600] =	vst v63  }
0xd2: {  	s30 =	sadd.s32 $0x4B80, s20;
	s31 =	sadd.s32 s12, s2;
	s1 =	simm.s32 $0x1  }
0xd3: {  	[tilespmem:s30], [sflag:$0x2] =	stream.linear.gather [hbm4b:s31+s10], $0x80, $0x38;
	[tilespmem:$0x8600] =	vst v63  }
0xd4: {  	_ =	swait.ge [sflag:s1], $0x80  }
0xd5: {  	[sflag:s1] =	ssyncset.done $0x0  }
0xd6: {  	s2 =	simm.s32 $0x2;
	[sflag:s1] =	ssyncadd.s32 $0xFFFFFF80  }
0xd7: {  	_ =	swait.ge [sflag:s2], $0x80  }
0xd8: {  	v0 =	vmov v48;
	s0 =	simm.s32 $0x7F;
	[sflag:s2] =	ssyncset.done $0x0  }
.LBB2_5:
0xd9: {  	p0 =	sne.s32 s0, $0x1;
	s0 =	sadd.s32 $0xFFFFFFFF, s0;
	[sflag:s2] =	ssyncadd.s32 $0xFFFFFF80  }
.Ltmp1:
0xda: {  	_ =	swait.ge [sflag:s1], $0x80;
	(pc) =	sbr.rel @p0 .LBB2_5-.Ltmp1, $4  }
0xdb: {  	[sflag:s1] =	ssyncset.done $0x0  }
0xdc: {  	[sflag:s1] =	ssyncadd.s32 $0xFFFFFF80  }
0xdd: {  	_ =	swait.ge [sflag:s2], $0x80  }
0xde: {  	[sflag:s2] =	ssyncset.done $0x0  }
0xdf: {  	v2 =	vld [tilespmem:$0x1FFE0]  }
0xe0: {  	[sflag:s2] =	ssyncadd.s32 $0xFFFFFF80;
	s20 =	simm.s32 $0x0;
	v3 =	vld [tilespmem:$0x1FFF0]  }
0xe1: {  	v4 =	vld [tilespmem:s20+$0xBB0]  }
0xe2: {  	v5 =	vld [tilespmem:s20+$0x4BB0]  }
0xe3: {  	v6 =	vld [tilespmem:s20+$0xB30]  }
0xe4: {  	v7 =	vld [tilespmem:s20+$0x4B30]  }
0xe5: {  	v10 =	vld [tilespmem:s20+$0xBA0]  }
0xe6: {  	v13 =	vld [tilespmem:s20+$0x4BA0]  }
0xe7: {  	v15 =	vld [tilespmem:s20+$0xAB0]  }
0xe8: {  	v23 =	vld [tilespmem:s20+$0x4AB0]  }
0xe9: {  	v14 =	vld [tilespmem:s20+$0xB20]  }
0xea: {  	v16 =	vld [tilespmem:s20+$0x4B20]  }
0xeb: {  	v24 =	vld [tilespmem:s20+$0xB80]  }
0xec: {  	v25 =	vld [tilespmem:s20+$0x4B80]  }
0xed: {  	v26 =	vld [tilespmem:s20+$0xB90]  }
0xee: {  	v27 =	vld [tilespmem:s20+$0x4B90]  }
0xef: {  	v28 =	vld [tilespmem:s20+$0xA30]  }
0xf0: {  	v29 =	vld [tilespmem:s20+$0x4A30]  }
0xf1: {  	v30 =	vld [tilespmem:s20+$0xAA0]  }
0xf2: {  	v31 =	vld [tilespmem:s20+$0x4AA0]  }
0xf3: {  	v32 =	vld [tilespmem:s20+$0xB00]  }
0xf4: {  	v33 =	vld [tilespmem:s20+$0x4B00]  }
0xf5: {  	v34 =	vld [tilespmem:s20+$0xB10]  }
0xf6: {  	v35 =	vld [tilespmem:s20+$0x4B10]  }
0xf7: {  	v36 =	vld [tilespmem:s20+$0x9B0]  }
0xf8: {  	v37 =	vld [tilespmem:s20+$0x49B0]  }
0xf9: {  	v38 =	vld [tilespmem:s20+$0xA20]  }
0xfa: {  	v39 =	vld [tilespmem:s20+$0x4A20]  }
0xfb: {  	v40 =	vld [tilespmem:s20+$0xA80]  }
0xfc: {  	v41 =	vld [tilespmem:s20+$0x4A80]  }
0xfd: {  	v42 =	vld [tilespmem:s20+$0xA90]  }
0xfe: {  	v43 =	vld [tilespmem:s20+$0x4A90]  }
0xff: {  	v1 =	vld [tilespmem:s20+$0x930]  }
0x100: {  	v45 =	vld [tilespmem:s20+$0x4930]  }
0x101: {  	v46 =	vld [tilespmem:s20+$0x9A0]  }
0x102: {  	v47 =	vld [tilespmem:s20+$0x49A0]  }
0x103: {  	v48 =	vld [tilespmem:s20+$0xA00]  }
0x104: {  	v49 =	vld [tilespmem:s20+$0x4A00]  }
0x105: {  	v50 =	vld [tilespmem:s20+$0xA10]  }
0x106: {  	v51 =	vld [tilespmem:s20+$0x4A10]  }
0x107: {  	v52 =	vld [tilespmem:s20+$0x8B0]  }
0x108: {  	v53 =	vld [tilespmem:s20+$0x48B0]  }
0x109: {  	[tilespmem:$0x1FDC0] =	vst v1;
	v1 =	vld [tilespmem:s20+$0x830]  }
0x10a: {  	v54 =	vld [tilespmem:s20+$0x920]  }
0x10b: {  	v55 =	vld [tilespmem:s20+$0x4920]  }
0x10c: {  	v56 =	vld [tilespmem:s20+$0x980]  }
0x10d: {  	v57 =	vld [tilespmem:s20+$0x4980]  }
0x10e: {  	[tilespmem:$0x1FE10] =	vst v1;
	v1 =	vld [tilespmem:s20+$0x4830]  }
0x10f: {  	v58 =	vld [tilespmem:s20+$0x990]  }
0x110: {  	v59 =	vld [tilespmem:s20+$0x4990]  }
0x111: {  	v60 =	vld [tilespmem:s20+$0x8A0]  }
0x112: {  	v61 =	vld [tilespmem:s20+$0x48A0]  }
0x113: {  	[tilespmem:$0x1FE20] =	vst v1;
	v1 =	vld [tilespmem:s20+$0x7B0]  }
0x114: {  	v62 =	vld [tilespmem:s20+$0x900]  }
0x115: {  	v63 =	vld [tilespmem:s20+$0x4900]  }
0x116: {  	v44 =	vld [tilespmem:s20+$0x910]  }
0x117: {  	v22 =	vld [tilespmem:s20+$0x4910]  }
0x118: {  	[tilespmem:$0x1FE30] =	vst v1;
	v1 =	vld [tilespmem:s20+$0x47B0]  }
0x119: {  	v21 =	vld [tilespmem:s20+$0x880]  }
0x11a: {  	v19 =	vld [tilespmem:s20+$0x4880]  }
0x11b: {  	v20 =	vld [tilespmem:s20+$0x890]  }
0x11c: {  	v18 =	vld [tilespmem:s20+$0x4890]  }
0x11d: {  	[tilespmem:$0x1FE40] =	vst v1;
	v1 =	vld [tilespmem:s20+$0x820]  }
0x11e: {  	v17 =	vld [tilespmem:s20+$0x800]  }
0x11f: {  	v11 =	vld [tilespmem:s20+$0x4800]  }
0x120: {  	v12 =	vld [tilespmem:s20+$0x810]  }
0x121: {  	v9 =	vld [tilespmem:s20+$0x4810]  }
0x122: {  	[tilespmem:$0x1FDD0] =	vst v1;
	v1 =	vld [tilespmem:s20+$0x4820]  }
0x123: {  	v8 =	vld [tilespmem:s20+$0x780]  }
0x124: {  	v6 =	vmul.f32 v7, v6;
	v7 =	vld [tilespmem:s20+$0x4780]  }
0x125: {  	v4 =	vmul.f32 v5, v4;
	v5 =	vmul.f32 v25, v24;
	v25 =	vld [tilespmem:s20+$0x790]  }
0x126: {  	v24 =	vmul.f32 v27, v26;
	v27 =	vld [tilespmem:s20+$0x4790]  }
0x127: {  	[tilespmem:$0x1FDE0] =	vst v1;
	v1 =	vld [tilespmem:s20+$0x730]  }
0x128: {  	v26 =	vmul.f32 v16, v14;
	v14 =	vmul.f32 v13, v10;
	v10 =	vld [tilespmem:s20+$0x630]  }
0x129: {  	v13 =	vld [tilespmem:s20+$0x4630]  }
0x12a: {  	v16 =	vmul.f32 v33, v32;
	v32 =	vmul.f32 v35, v34;
	v34 =	vld [tilespmem:s20+$0x700]  }
0x12b: {  	v35 =	vld [tilespmem:s20+$0x4700]  }
0x12c: {  	[tilespmem:$0x1FE70] =	vst v1;
	v1 =	vld [tilespmem:s20+$0x4730]  }
0x12d: {  	v28 =	vmul.f32 v29, v28;
	v29 =	vld [tilespmem:s20+$0x4710]  }
0x12e: {  	v43 =	vmul.f32 v43, v42;
	v42 =	vmul.f32 v39, v38;
	v38 =	vld [tilespmem:s20+$0x4620]  }
0x12f: {  	v39 =	vld [tilespmem:s20+$0x680]  }
0x130: {  	v33 =	vld [tilespmem:s20+$0x4680]  }
0x131: {  	[tilespmem:$0x1FE80] =	vst v1;
	v1 =	vld [tilespmem:s20+$0x7A0]  }
0x132: {  	v22 =	vmul.f32 v22, v44;
	v44 =	vld [tilespmem:s20+$0x430]  }
0x133: {  	v18 =	vmul.f32 v18, v20;
	v20 =	vld [tilespmem:s20+$0x4430]  }
0x134: {  	v11 =	vmul.f32 v11, v17;
	v17 =	vld [tilespmem:s20+$0x4B0]  }
0x135: {  	v30 =	vmul.f32 v31, v30;
	v31 =	vadd.f32 v32, v16;
	v16 =	vld [tilespmem:s20+$0x46A0]  }
0x136: {  	v19 =	vmul.f32 v19, v21;
	[tilespmem:$0x1FDF0] =	vst v1;
	v1 =	vld [tilespmem:s20+$0x47A0]  }
0x137: {  	v5 =	vadd.f32 v24, v5;
	v32 =	vld [tilespmem:s20+$0x690]  }
0x138: {  	v18 =	vadd.f32 v18, v19;
	v19 =	vld [tilespmem:s20+$0x520]  }
0x139: {  	v49 =	vmul.f32 v49, v48;
	v15 =	vmul.f32 v23, v15;
	v5 =	vadd.f32 v14, v5;
	v14 =	vld [tilespmem:s20+$0x6A0]  }
0x13a: {  	v24 =	vmul.f32 v41, v40;
	v40 =	vmul.f32 v51, v50;
	v23 =	vadd.f32 v26, v31;
	v26 =	vld [tilespmem:s20+$0x710]  }
0x13b: {  	[tilespmem:$0x1FE00] =	vst v1;
	v1 =	vld [tilespmem:s20+$0x6B0]  }
0x13c: {  	v9 =	vmul.f32 v9, v12;
	v41 =	vadd.f32 v40, v49;
	v40 =	vld [tilespmem:s20+$0x4690]  }
0x13d: {  	v31 =	vmul.f32 v57, v56;
	v56 =	vld [tilespmem:$0x1FDC0]  }
0x13e: {  	v9 =	vadd.f32 v9, v11;
	v11 =	vld [tilespmem:$0x1FDD0]  }
0x13f: {  	v7 =	vmul.f32 v7, v8;
	v8 =	vmul.f32 v27, v25;
	v21 =	vld [tilespmem:$0x1FDE0]  }
0x140: {  	v63 =	vmul.f32 v63, v62;
	[tilespmem:$0x1FE90] =	vst v1;
	v1 =	vld [tilespmem:s20+$0x46B0]  }
0x141: {  	v7 =	vadd.f32 v8, v7;
	v8 =	vld [tilespmem:$0x1FDF0]  }
0x142: {  	v12 =	vadd.f32 v22, v63;
	v22 =	vld [tilespmem:$0x1FE00]  }
0x143: {  	v24 =	vadd.f32 v43, v24;
	v43 =	vmul.f32 v59, v58;
	v58 =	vmul.f32 v53, v52;
	v52 =	vld [tilespmem:s20+$0x610]  }
0x144: {  	v6 =	vadd.f32 v6, v23;
	v23 =	vld [tilespmem:s20+$0x620]  }
0x145: {  	v11 =	vmul.f32 v21, v11;
	[tilespmem:$0x1FEA0] =	vst v1;
	v1 =	vld [tilespmem:s20+$0x720]  }
0x146: {  	v25 =	vld [tilespmem:$0x1FE20]  }
0x147: {  	v9 =	vadd.f32 v11, v9;
	v11 =	vld [tilespmem:$0x1FE10];
	v8 =	vmul.f32 v22, v8  }
0x148: {  	v27 =	vld [tilespmem:$0x1FE40]  }
0x149: {  	v7 =	vadd.f32 v8, v7;
	v8 =	vld [tilespmem:$0x1FE30]  }
0x14a: {  	[tilespmem:$0x1FE50] =	vst v1;
	v1 =	vld [tilespmem:s20+$0x4720]  }
0x14b: {  	v21 =	vld [tilespmem:s20+$0x580]  }
0x14c: {  	v61 =	vmul.f32 v61, v60;
	v11 =	vmul.f32 v25, v11;
	v25 =	vld [tilespmem:s20+$0x590]  }
0x14d: {  	v59 =	vmul.f32 v55, v54;
	v34 =	vmul.f32 v35, v34;
	v22 =	vld [tilespmem:s20+$0x4580]  }
0x14e: {  	v18 =	vadd.f32 v61, v18;
	v10 =	vmul.f32 v13, v10;
	v8 =	vmul.f32 v27, v8;
	v27 =	vld [tilespmem:s20+$0x4590]  }
0x14f: {  	v33 =	vmul.f32 v33, v39;
	v4 =	vadd.f32 v4, v5;
	v5 =	vadd.f32 v30, v24;
	[tilespmem:$0x1FE60] =	vst v1;
	v1 =	vld [tilespmem:$0x1FFD0]  }
0x150: {  	v54 =	vld [tilespmem:s20+$0x4610];
	v20 =	vmul.f32 v20, v44;
	v30 =	vadd.f32 v42, v41;
	v12 =	vadd.f32 v59, v12  }
0x151: {  	v53 =	vld [tilespmem:s20+$0x4410];
	v18 =	vadd.f32 v58, v18;
	v26 =	vmul.f32 v29, v26;
	v14 =	vmul.f32 v16, v14  }
0x152: {  	v35 =	vld [tilespmem:s20+$0x4420];
	v5 =	vadd.f32 v15, v5;
	v32 =	vmul.f32 v40, v32;
	v23 =	vmul.f32 v38, v23  }
0x153: {  	v24 =	vld [tilespmem:s20+$0x5B0];
	v28 =	vadd.f32 v28, v30;
	v21 =	vmul.f32 v22, v21;
	v22 =	vmul.f32 v27, v25  }
0x154: {  	v59 =	vld [tilespmem:$0x1FE80];
	v7 =	vadd.f32 v8, v7;
	v15 =	vperm.xlane v4, v1;
	v30 =	vperm.xlane v5, v1  }
0x155: {  	v9 =	vadd.f32 v11, v9;
	v11 =	vld [tilespmem:s20+$0x420];
	v48 =	vperm.xlane v6, v1;
	v49 =	vperm.xlane v28, v1  }
0x156: {  	v26 =	vadd.f32 v26, v34;
	v63 =	vld [tilespmem:$0x1FE90];
	v8 =	vperm.xlane v18, v1;
	v58 =	vperm.xlane v7, v1  }
0x157: {  	v55 =	vld [tilespmem:$0x1FE50];
	v4 =	vadd.f32 v4, v15;
	v15 =	vadd.f32 v43, v31;
	v31 =	vmul.f32 v47, v46  }
0x158: {  	v5 =	vadd.f32 v5, v30;
	v6 =	vadd.f32 v6, v48;
	v43 =	vmul.f32 v45, v56;
	v46 =	vld [tilespmem:s20+$0x600]  }
0x159: {  	v28 =	vadd.f32 v28, v49;
	v56 =	vld [tilespmem:$0x1FE60];
	v8 =	vadd.f32 v18, v8;
	v30 =	vperm.xlane v4, v2  }
0x15a: {  	v18 =	vld [tilespmem:s20+$0x500];
	v15 =	vadd.f32 v31, v15;
	v31 =	vmul.f32 v37, v36;
	v12 =	vadd.f32 v43, v12  }
0x15b: {  	v7 =	vadd.f32 v7, v58;
	v45 =	vld [tilespmem:s20+$0x510];
	v50 =	vperm.xlane v5, v2;
	v51 =	vperm.xlane v6, v2  }
0x15c: {  	v49 =	vld [tilespmem:s20+$0x410];
	v60 =	vperm.xlane v8, v2;
	v31 =	vadd.f32 v31, v15;
	v29 =	vperm.xlane v12, v1  }
0x15d: {  	v37 =	vld [tilespmem:s20+$0x5A0];
	v62 =	vperm.xlane v7, v2;
	v4 =	vadd.f32 v4, v30;
	v36 =	vadd.f32 v5, v50  }
0x15e: {  	v30 =	vperm.xlane v28, v2;
	v5 =	vadd.f32 v6, v51;
	v12 =	vadd.f32 v12, v29;
	v29 =	vld [tilespmem:$0x1FE70]  }
0x15f: {  	v43 =	vld [tilespmem:s20+$0x400];
	v7 =	vadd.f32 v7, v62;
	v34 =	vmul.f32 v56, v55;
	v6 =	vperm.xlane v31, v1  }
0x160: {  	v25 =	vadd.f32 v32, v33;
	v15 =	vld [tilespmem:s20+$0x530];
	v41 =	vperm.xlane v4, v3;
	v57 =	vperm.xlane v5, v3  }
0x161: {  	v50 =	vld [tilespmem:s20+$0x4600];
	v42 =	vperm.xlane v36, v3;
	v13 =	vperm.xlane v7, v3;
	v26 =	vadd.f32 v34, v26  }
0x162: {  	v62 =	vld [tilespmem:s20+$0x480];
	v31 =	vadd.f32 v31, v6;
	v5 =	vadd.f32 v5, v57;
	v57 =	vperm.xlane v9, v1  }
0x163: {  	v6 =	vadd.f32 v36, v42;
	v36 =	vadd.f32 v8, v60;
	v60 =	vld [tilespmem:$0x1FEA0];
	v29 =	vmul.f32 v59, v29  }
0x164: {  	v34 =	vld [tilespmem:s20+$0x4500];
	v4 =	vadd.f32 v4, v41;
	v41 =	vperm.xlane v31, v2;
	v9 =	vadd.f32 v9, v57  }
0x165: {  	v28 =	vadd.f32 v28, v30;
	v42 =	vld [tilespmem:s20+$0x4A0];
	v61 =	vperm.xlane v12, v2;
	v26 =	vadd.f32 v29, v26  }
0x166: {  	v7 =	vadd.f32 v7, v13;
	v13 =	vld [tilespmem:s20+$0x4520];
	v31 =	vadd.f32 v31, v41;
	v29 =	vperm.xlane v9, v2  }
0x167: {  	v48 =	vperm.xlane v28, v3;
	v12 =	vadd.f32 v12, v61;
	v41 =	vld [tilespmem:s20+$0x4400];
	v8 =	vperm.xlane v26, v1  }
0x168: {  	v55 =	vmul.f32 v60, v63;
	v63 =	vld [tilespmem:s20+$0x4490];
	v9 =	vadd.f32 v9, v29;
	v29 =	vperm.xlane v31, v3  }
0x169: {  	v47 =	vperm.xlane v36, v3;
	v26 =	vadd.f32 v26, v8;
	v8 =	vadd.f32 v28, v48;
	v28 =	vld [tilespmem:s20+$0x4480]  }
0x16a: {  	v11 =	vmul.f32 v35, v11;
	v51 =	vperm.xlane v12, v3;
	v29 =	vadd.f32 v31, v29;
	v31 =	vld [tilespmem:s20+$0x490]  }
0x16b: {  	v14 =	vadd.f32 v14, v25;
	v50 =	vmul.f32 v50, v46;
	v36 =	vadd.f32 v36, v47;
	v48 =	vld [tilespmem:s20+$0x4510]  }
0x16c: {  	v18 =	vmul.f32 v34, v18;
	v12 =	vadd.f32 v12, v51;
	v51 =	vmul.f32 v54, v52;
	v52 =	vld [tilespmem:s20+$0x44A0]  }
0x16d: {  	v56 =	vld [tilespmem:s20+$0x44B0];
	v13 =	vmul.f32 v13, v19;
	v19 =	vadd.f32 v22, v21;
	v16 =	vperm.xlane v26, v2  }
0x16e: {  	v30 =	vld [tilespmem:s20+$0x45A0];
	v54 =	vmul.f32 v53, v49;
	v14 =	vadd.f32 v55, v14;
	v27 =	vmul.f32 v41, v43  }
0x16f: {  	v16 =	vadd.f32 v26, v16;
	v26 =	vmul.f32 v28, v62;
	v28 =	vmul.f32 v63, v31;
	v31 =	vld [tilespmem:s20+$0x4530]  }
0x170: {  	v57 =	vld [tilespmem:s20+$0x45B0];
	v58 =	vadd.f32 v51, v50;
	v27 =	vadd.f32 v54, v27;
	v25 =	vmul.f32 v48, v45  }
0x171: {  	v61 =	vperm.xlane v9, v3;
	v26 =	vadd.f32 v28, v26;
	v28 =	vmul.f32 v52, v42  }
0x172: {  	v17 =	vmul.f32 v56, v17;
	v11 =	vadd.f32 v11, v27;
	v18 =	vadd.f32 v25, v18  }
0x173: {  	v30 =	vmul.f32 v30, v37;
	v9 =	vadd.f32 v9, v61;
	v21 =	vadd.f32 v28, v26  }
0x174: {  	v11 =	vadd.f32 v20, v11;
	v13 =	vadd.f32 v13, v18;
	v15 =	vmul.f32 v31, v15  }
0x175: {  	v18 =	vadd.f32 v30, v19;
	v19 =	vmul.f32 v57, v24;
	v17 =	vadd.f32 v17, v21  }
0x176: {  	v13 =	vadd.f32 v15, v13;
	v15 =	vadd.f32 v23, v58  }
0x177: {  	v21 =	vperm.xlane v11, v1;
	v18 =	vadd.f32 v19, v18;
	v22 =	vperm.xlane v17, v1  }
0x178: {  	v20 =	vperm.xlane v16, v3;
	v19 =	vperm.xlane v13, v1;
	v10 =	vadd.f32 v10, v15  }
0x179: {  	v11 =	vadd.f32 v11, v21;
	v15 =	vadd.f32 v17, v22;
	v17 =	vperm.xlane v18, v1  }
0x17a: {  	v21 =	vperm.xlane v14, v1;
	v13 =	vadd.f32 v13, v19;
	v19 =	vperm.xlane v10, v1  }
0x17b: {  	v22 =	vperm.xlane v11, v2;
	v23 =	vperm.xlane v15, v2;
	v17 =	vadd.f32 v18, v17  }
0x17c: {  	v14 =	vadd.f32 v14, v21;
	v18 =	vperm.xlane v13, v2;
	v10 =	vadd.f32 v10, v19  }
0x17d: {  	v11 =	vadd.f32 v11, v22;
	v15 =	vadd.f32 v15, v23;
	v19 =	vperm.xlane v17, v2  }
0x17e: {  	v21 =	vperm.xlane v14, v2;
	v13 =	vadd.f32 v13, v18;
	v18 =	vperm.xlane v10, v2  }
0x17f: {  	v22 =	vperm.xlane v11, v3;
	v23 =	vperm.xlane v15, v3;
	v17 =	vadd.f32 v17, v19  }
0x180: {  	v14 =	vadd.f32 v14, v21;
	v19 =	vperm.xlane v13, v3;
	v10 =	vadd.f32 v10, v18  }
0x181: {  	v11 =	vadd.f32 v11, v22;
	v15 =	vadd.f32 v15, v23;
	v18 =	vperm.xlane v17, v3  }
0x182: {  	v21 =	vperm.xlane v14, v3;
	v13 =	vadd.f32 v13, v19;
	v19 =	vperm.xlane v10, v3  }
0x183: {  	v22 =	vperm.xlane v11, v0;
	v23 =	vperm.xlane v15, v0;
	v17 =	vadd.f32 v17, v18  }
0x184: {  	v14 =	vadd.f32 v14, v21;
	v18 =	vperm.xlane v13, v0;
	v10 =	vadd.f32 v10, v19  }
0x185: {  	v11 =	vadd.f32 v11, v22;
	v15 =	vadd.f32 v15, v23;
	v19 =	vperm.xlane v17, v0  }
0x186: {  	v16 =	vadd.f32 v16, v20;
	v13 =	vadd.f32 v13, v18;
	v18 =	vperm.xlane v10, v0  }
0x187: {  	v11 =	vsel vm0, v11, v15;
	v15 =	vadd.f32 v17, v19;
	v17 =	vperm.xlane v14, v0  }
0x188: {  	v11 =	vsel vm1, v11, v13;
	v10 =	vadd.f32 v10, v18;
	v13 =	vperm.xlane v16, v0  }
0x189: {  	v11 =	vsel vm2, v11, v15;
	v14 =	vadd.f32 v14, v17;
	v15 =	vperm.xlane v7, v0  }
0x18a: {  	v10 =	vsel vm3, v11, v10;
	v11 =	vadd.f32 v16, v13;
	v13 =	vperm.xlane v9, v0  }
0x18b: {  	v10 =	vsel vm4, v10, v14;
	v7 =	vadd.f32 v7, v15;
	v14 =	vperm.xlane v36, v0  }
0x18c: {  	v10 =	vsel vm5, v10, v11;
	v9 =	vadd.f32 v9, v13;
	v11 =	vperm.xlane v12, v0  }
0x18d: {  	v13 =	vperm.xlane v29, v0;
	v7 =	vsel vm6, v10, v7;
	v10 =	vadd.f32 v36, v14  }
0x18e: {  	v7 =	vsel vm7, v7, v9;
	v9 =	vadd.f32 v12, v11;
	v11 =	vperm.xlane v8, v0  }
0x18f: {  	v12 =	vperm.xlane v6, v0;
	v7 =	vsel vm8, v7, v10;
	v10 =	vadd.f32 v29, v13  }
0x190: {  	v7 =	vsel vm9, v7, v9;
	v8 =	vadd.f32 v8, v11;
	v9 =	vperm.xlane v5, v0  }
0x191: {  	v6 =	vadd.f32 v6, v12;
	v7 =	vsel vm10, v7, v10;
	v10 =	vperm.xlane v4, v0  }
0x192: {  	v7 =	vsel vm11, v7, v8;
	v5 =	vadd.f32 v5, v9  }
0x193: {  	v6 =	vsel vm12, v7, v6;
	v4 =	vadd.f32 v4, v10  }
0x194: {  	v5 =	vsel vm13, v6, v5  }
0x195: {  	s1 =	rddreg [dreg:$0x12];
	v4 =	vsel vm14, v5, v4  }
0x196: {  	s21 =	simm.s32 $0x800;
	[tilespmem:s1+$0x0] =	vst v4  }
0x197: {  	v4 =	vld [tilespmem:s21+$0xBB0]  }
0x198: {  	v5 =	vld [tilespmem:s21+$0x4BB0]  }
0x199: {  	v6 =	vld [tilespmem:s21+$0xB30]  }
0x19a: {  	v7 =	vld [tilespmem:s21+$0x4B30]  }
0x19b: {  	v8 =	vld [tilespmem:s21+$0xBA0]  }
0x19c: {  	v12 =	vld [tilespmem:s21+$0x4BA0]  }
0x19d: {  	v13 =	vld [tilespmem:s21+$0xAB0]  }
0x19e: {  	v14 =	vld [tilespmem:s21+$0x4AB0]  }
0x19f: {  	v11 =	vld [tilespmem:s21+$0xB20]  }
0x1a0: {  	v15 =	vld [tilespmem:s21+$0x4B20]  }
0x1a1: {  	v16 =	vld [tilespmem:s21+$0xB80]  }
0x1a2: {  	v17 =	vld [tilespmem:s21+$0x4B80]  }
0x1a3: {  	v18 =	vld [tilespmem:s21+$0xB90]  }
0x1a4: {  	v19 =	vld [tilespmem:s21+$0x4B90]  }
0x1a5: {  	v20 =	vld [tilespmem:s21+$0xA30]  }
0x1a6: {  	v21 =	vld [tilespmem:s21+$0x4A30]  }
0x1a7: {  	v22 =	vld [tilespmem:s21+$0xAA0]  }
0x1a8: {  	v23 =	vld [tilespmem:s21+$0x4AA0]  }
0x1a9: {  	v27 =	vld [tilespmem:s21+$0xB00]  }
0x1aa: {  	v29 =	vld [tilespmem:s21+$0x4B00]  }
0x1ab: {  	v33 =	vld [tilespmem:s21+$0xB10]  }
0x1ac: {  	v34 =	vld [tilespmem:s21+$0x4B10]  }
0x1ad: {  	v48 =	vmov v0;
	v0 =	vld [tilespmem:s21+$0x9B0]  }
0x1ae: {  	v45 =	vld [tilespmem:s21+$0x49B0]  }
0x1af: {  	v9 =	vld [tilespmem:s21+$0x830]  }
0x1b0: {  	v39 =	vld [tilespmem:s21+$0xA20]  }
0x1b1: {  	v40 =	vld [tilespmem:s21+$0x4A20]  }
0x1b2: {  	v26 =	vld [tilespmem:s21+$0xA80]  }
0x1b3: {  	v41 =	vld [tilespmem:s21+$0x4A80]  }
0x1b4: {  	[tilespmem:$0x1FF30] =	vst v9;
	v9 =	vld [tilespmem:s21+$0x4830]  }
0x1b5: {  	v42 =	vld [tilespmem:s21+$0xA90]  }
0x1b6: {  	v43 =	vld [tilespmem:s21+$0x4A90]  }
0x1b7: {  	v46 =	vld [tilespmem:s21+$0x9A0]  }
0x1b8: {  	v47 =	vld [tilespmem:s21+$0x49A0]  }
0x1b9: {  	[tilespmem:$0x1FF40] =	vst v9;
	v9 =	vld [tilespmem:s21+$0x910]  }
0x1ba: {  	v49 =	vld [tilespmem:s21+$0x4A00]  }
0x1bb: {  	v50 =	vld [tilespmem:s21+$0xA10]  }
0x1bc: {  	v51 =	vld [tilespmem:s21+$0x4A10]  }
0x1bd: {  	v52 =	vld [tilespmem:s21+$0x8B0]  }
0x1be: {  	[tilespmem:$0x1FEE0] =	vst v9;
	v9 =	vld [tilespmem:s21+$0x7B0]  }
0x1bf: {  	v53 =	vld [tilespmem:s21+$0x48B0]  }
0x1c0: {  	v54 =	vld [tilespmem:s21+$0x920]  }
0x1c1: {  	v55 =	vld [tilespmem:s21+$0x4920]  }
0x1c2: {  	v56 =	vld [tilespmem:s21+$0x980]  }
0x1c3: {  	[tilespmem:$0x1FF50] =	vst v9;
	v9 =	vld [tilespmem:s21+$0x47B0]  }
0x1c4: {  	v57 =	vld [tilespmem:s21+$0x4980]  }
0x1c5: {  	v58 =	vld [tilespmem:s21+$0x990]  }
0x1c6: {  	v59 =	vld [tilespmem:s21+$0x4990]  }
0x1c7: {  	v60 =	vld [tilespmem:s21+$0x8A0]  }
0x1c8: {  	[tilespmem:$0x1FF60] =	vst v9;
	v9 =	vld [tilespmem:s21+$0x820]  }
0x1c9: {  	v61 =	vld [tilespmem:s21+$0x48A0]  }
0x1ca: {  	v62 =	vld [tilespmem:s21+$0x900]  }
0x1cb: {  	v63 =	vld [tilespmem:s21+$0x4900]  }
0x1cc: {  	v44 =	vld [tilespmem:s21+$0x4910]  }
0x1cd: {  	[tilespmem:$0x1FEF0] =	vst v9;
	v9 =	vld [tilespmem:s21+$0x4820]  }
0x1ce: {  	[tilespmem:$0x1FEB0] =	vst v0;
	v0 =	vld [tilespmem:s21+$0x930]  }
0x1cf: {  	v38 =	vld [tilespmem:s21+$0x880]  }
0x1d0: {  	v37 =	vld [tilespmem:s21+$0x4880]  }
0x1d1: {  	v36 =	vld [tilespmem:s21+$0x890]  }
0x1d2: {  	[tilespmem:$0x1FF00] =	vst v9;
	v9 =	vld [tilespmem:s21+$0x730]  }
0x1d3: {  	[tilespmem:$0x1FEC0] =	vst v0;
	v0 =	vld [tilespmem:s21+$0x4930]  }
0x1d4: {  	v35 =	vld [tilespmem:s21+$0x4890]  }
0x1d5: {  	v32 =	vld [tilespmem:s21+$0x800]  }
0x1d6: {  	v31 =	vld [tilespmem:s21+$0x4800]  }
0x1d7: {  	v6 =	vmul.f32 v7, v6;
	[tilespmem:$0x1FF90] =	vst v9;
	v9 =	vld [tilespmem:s21+$0x4730]  }
0x1d8: {  	v4 =	vmul.f32 v5, v4;
	v5 =	vmul.f32 v17, v16;
	[tilespmem:$0x1FED0] =	vst v0;
	v0 =	vld [tilespmem:s21+$0xA00]  }
0x1d9: {  	v30 =	vld [tilespmem:s21+$0x810];
	v7 =	vmul.f32 v19, v18;
	v15 =	vmul.f32 v15, v11  }
0x1da: {  	v28 =	vld [tilespmem:s21+$0x4810];
	v16 =	vmul.f32 v41, v26;
	v17 =	vmul.f32 v43, v42  }
0x1db: {  	v25 =	vld [tilespmem:s21+$0x780];
	v8 =	vmul.f32 v12, v8;
	v12 =	vmul.f32 v29, v27;
	v5 =	vadd.f32 v7, v5  }
0x1dc: {  	v7 =	vmul.f32 v34, v33;
	v16 =	vadd.f32 v17, v16;
	v17 =	vmul.f32 v23, v22;
	[tilespmem:$0x1FFA0] =	vst v9;
	v9 =	vld [tilespmem:s21+$0x7A0]  }
0x1dd: {  	v24 =	vld [tilespmem:s21+$0x4780];
	v19 =	vmul.f32 v51, v50;
	v5 =	vadd.f32 v8, v5;
	v18 =	vmul.f32 v49, v0  }
0x1de: {  	v10 =	vld [tilespmem:s21+$0x790];
	v7 =	vadd.f32 v7, v12;
	v8 =	vadd.f32 v17, v16;
	v12 =	vmul.f32 v14, v13  }
0x1df: {  	v11 =	vld [tilespmem:s21+$0x630];
	v14 =	vmul.f32 v40, v39;
	v4 =	vadd.f32 v4, v5;
	v13 =	vadd.f32 v19, v18  }
0x1e0: {  	v26 =	vld [tilespmem:s21+$0x4630];
	v5 =	vadd.f32 v15, v7;
	v15 =	vmul.f32 v21, v20;
	v8 =	vadd.f32 v12, v8  }
0x1e1: {  	v12 =	vadd.f32 v14, v13;
	v13 =	vmul.f32 v57, v56;
	v14 =	vmul.f32 v59, v58;
	[tilespmem:$0x1FF10] =	vst v9;
	v9 =	vld [tilespmem:s21+$0x47A0]  }
0x1e2: {  	v27 =	vld [tilespmem:s21+$0x6A0]  }
0x1e3: {  	v29 =	vld [tilespmem:s21+$0x46A0];
	v15 =	vadd.f32 v15, v12;
	v12 =	vadd.f32 v14, v13;
	v13 =	vmul.f32 v47, v46  }
0x1e4: {  	v41 =	vld [tilespmem:s21+$0x700]  }
0x1e5: {  	v13 =	vadd.f32 v13, v12;
	v12 =	vld [tilespmem:$0x1FEB0]  }
0x1e6: {  	[tilespmem:$0x1FF20] =	vst v9;
	v9 =	vld [tilespmem:s21+$0x6B0]  }
0x1e7: {  	v42 =	vld [tilespmem:s21+$0x4700];
	v5 =	vadd.f32 v6, v5;
	v6 =	vperm.xlane v4, v1  }
0x1e8: {  	v43 =	vld [tilespmem:s21+$0x620];
	v16 =	vperm.xlane v8, v1  }
0x1e9: {  	v35 =	vmul.f32 v35, v36;
	v36 =	vld [tilespmem:s21+$0x500];
	v4 =	vadd.f32 v4, v6;
	v14 =	vperm.xlane v5, v1  }
0x1ea: {  	v22 =	vld [tilespmem:s21+$0x430];
	v6 =	vadd.f32 v8, v16;
	v8 =	vperm.xlane v15, v1  }
0x1eb: {  	v5 =	vadd.f32 v5, v14;
	v14 =	vperm.xlane v4, v2;
	v16 =	vmul.f32 v45, v12;
	[tilespmem:$0x1FFB0] =	vst v9;
	v9 =	vld [tilespmem:s21+$0x46B0]  }
0x1ec: {  	v18 =	vadd.f32 v15, v8;
	v8 =	vld [tilespmem:$0x1FEC0]  }
0x1ed: {  	v4 =	vadd.f32 v4, v14;
	v14 =	vperm.xlane v5, v2;
	v19 =	vadd.f32 v16, v13;
	v16 =	vld [tilespmem:$0x1FED0]  }
0x1ee: {  	v54 =	vmul.f32 v55, v54;
	v33 =	vld [tilespmem:s21+$0x580]  }
0x1ef: {  	v55 =	vmul.f32 v61, v60;
	v60 =	vmovc v1;
	v5 =	vadd.f32 v5, v14;
	v14 =	vperm.xlane v19, v1;
	v1 =	vld [tilespmem:$0x1FEE0]  }
0x1f0: {  	[tilespmem:$0x1FFC0] =	vst v9;
	v9 =	vld [tilespmem:s21+$0x720]  }
0x1f1: {  	v34 =	vld [tilespmem:s21+$0x590];
	v15 =	vperm.xlane v6, v2  }
0x1f2: {  	v39 =	vld [tilespmem:s21+$0x710];
	v59 =	vmul.f32 v16, v8;
	v16 =	vperm.xlane v18, v2  }
0x1f3: {  	v40 =	vld [tilespmem:s21+$0x4710];
	v6 =	vadd.f32 v6, v15  }
0x1f4: {  	v49 =	vadd.f32 v18, v16;
	v18 =	vperm.xlane v4, v3;
	v44 =	vmul.f32 v44, v1;
	v1 =	vld [tilespmem:$0x1FEF0]  }
0x1f5: {  	v47 =	vadd.f32 v19, v14;
	[tilespmem:$0x1FF70] =	vst v9;
	v9 =	vld [tilespmem:s21+$0x4720]  }
0x1f6: {  	v61 =	vmovc v3;
	v14 =	vperm.xlane v5, v3;
	v4 =	vadd.f32 v4, v18;
	v18 =	vperm.xlane v6, v3;
	v3 =	vld [tilespmem:$0x1FF00]  }
0x1f7: {  	v17 =	vld [tilespmem:s21+$0x45A0]  }
0x1f8: {  	v7 =	vld [tilespmem:s21+$0x4620]  }
0x1f9: {  	v28 =	vmul.f32 v28, v30;
	v20 =	vld [tilespmem:s21+$0x610];
	v6 =	vadd.f32 v6, v18;
	v18 =	vmul.f32 v31, v32  }
0x1fa: {  	[tilespmem:$0x1FF80] =	vst v9;
	v9 =	vld [tilespmem:s21+$0x4790]  }
0x1fb: {  	v24 =	vmul.f32 v24, v25;
	v25 =	vadd.f32 v28, v18;
	v28 =	vmul.f32 v3, v1;
	v1 =	vld [tilespmem:$0x1FF10]  }
0x1fc: {  	v3 =	vld [tilespmem:$0x1FF20]  }
0x1fd: {  	v21 =	vld [tilespmem:s21+$0x4610]  }
0x1fe: {  	v40 =	vmul.f32 v40, v39;
	v39 =	vld [tilespmem:s21+$0x4420]  }
0x1ff: {  	v0 =	vld [tilespmem:s21+$0x5B0];
	v9 =	vmul.f32 v9, v10  }
0x200: {  	v57 =	vld [tilespmem:s21+$0x680]  }
0x201: {  	v9 =	vadd.f32 v9, v24;
	v24 =	vmul.f32 v3, v1;
	v1 =	vld [tilespmem:$0x1FF30]  }
0x202: {  	v3 =	vld [tilespmem:$0x1FF40]  }
0x203: {  	v58 =	vld [tilespmem:s21+$0x4680]  }
0x204: {  	v15 =	vld [tilespmem:s21+$0x5A0]  }
0x205: {  	v12 =	vld [tilespmem:s21+$0x690]  }
0x206: {  	v13 =	vld [tilespmem:s21+$0x4690]  }
0x207: {  	v25 =	vadd.f32 v28, v25;
	v28 =	vmul.f32 v3, v1;
	v1 =	vld [tilespmem:$0x1FF50]  }
0x208: {  	v3 =	vld [tilespmem:$0x1FF60]  }
0x209: {  	v19 =	vld [tilespmem:s21+$0x4600]  }
0x20a: {  	v8 =	vld [tilespmem:s21+$0x530];
	v5 =	vadd.f32 v5, v14;
	v14 =	vmul.f32 v37, v38;
	v38 =	vperm.xlane v47, v2  }
0x20b: {  	v16 =	vld [tilespmem:s21+$0x600]  }
0x20c: {  	v38 =	vadd.f32 v47, v38;
	v47 =	vld [tilespmem:s21+$0x4410]  }
0x20d: {  	v23 =	vmul.f32 v63, v62;
	v9 =	vadd.f32 v24, v9;
	v24 =	vmul.f32 v3, v1;
	v1 =	vld [tilespmem:$0x1FF70]  }
0x20e: {  	v10 =	vadd.f32 v35, v14;
	v3 =	vld [tilespmem:$0x1FF80]  }
0x20f: {  	v30 =	vadd.f32 v44, v23;
	v23 =	vld [tilespmem:s21+$0x4430]  }
0x210: {  	v53 =	vmul.f32 v53, v52;
	v44 =	vld [tilespmem:s21+$0x410];
	v10 =	vadd.f32 v55, v10  }
0x211: {  	v31 =	vld [tilespmem:s21+$0x420]  }
0x212: {  	v18 =	vld [tilespmem:s21+$0x520];
	v10 =	vadd.f32 v53, v10  }
0x213: {  	v30 =	vadd.f32 v54, v30;
	v63 =	vmul.f32 v3, v1;
	v1 =	vld [tilespmem:$0x1FF90]  }
0x214: {  	v28 =	vadd.f32 v28, v25;
	v9 =	vadd.f32 v24, v9;
	v24 =	vperm.xlane v10, v60;
	v3 =	vld [tilespmem:$0x1FFA0]  }
0x215: {  	v56 =	vadd.f32 v59, v30;
	v30 =	vld [tilespmem:s21+$0x4590];
	v59 =	vmul.f32 v42, v41  }
0x216: {  	v41 =	vld [tilespmem:s21+$0x4400];
	v50 =	vperm.xlane v28, v60;
	v51 =	vperm.xlane v9, v60;
	v10 =	vadd.f32 v10, v24  }
0x217: {  	v26 =	vmul.f32 v26, v11;
	v42 =	vld [tilespmem:s21+$0x400];
	v62 =	vperm.xlane v56, v60;
	v37 =	vadd.f32 v40, v59  }
0x218: {  	v40 =	vld [tilespmem:s21+$0x510];
	v28 =	vadd.f32 v28, v50;
	v9 =	vadd.f32 v9, v51;
	v54 =	vperm.xlane v10, v2  }
0x219: {  	v14 =	vld [tilespmem:s21+$0x4B0];
	v24 =	vadd.f32 v56, v62;
	v52 =	vadd.f32 v63, v37;
	v53 =	vmul.f32 v3, v1  }
0x21a: {  	v32 =	vperm.xlane v49, v61;
	v59 =	vperm.xlane v9, v2;
	v51 =	vadd.f32 v10, v54;
	v1 =	vld [tilespmem:$0x1FFB0]  }
0x21b: {  	v56 =	vperm.xlane v28, v2;
	v55 =	vperm.xlane v24, v2;
	v3 =	vld [tilespmem:$0x1FFC0];
	v45 =	vadd.f32 v53, v52  }
0x21c: {  	v35 =	vld [tilespmem:s21+$0x4580];
	v62 =	vperm.xlane v38, v61;
	v50 =	vadd.f32 v9, v59;
	v54 =	vperm.xlane v51, v61  }
0x21d: {  	v25 =	vld [tilespmem:s21+$0x4A0];
	v9 =	vadd.f32 v49, v32;
	v53 =	vadd.f32 v24, v55;
	v10 =	vperm.xlane v45, v60  }
0x21e: {  	v37 =	vld [tilespmem:s21+$0x4500];
	v52 =	vadd.f32 v28, v56;
	v28 =	vmul.f32 v29, v27;
	v55 =	vperm.xlane v50, v61  }
0x21f: {  	v49 =	vld [tilespmem:s21+$0x480];
	v27 =	vmul.f32 v7, v43;
	v63 =	vperm.xlane v53, v61;
	v46 =	vadd.f32 v45, v10  }
0x220: {  	s13 =	rddreg [dreg:$0x11];
	v29 =	vld [tilespmem:s21+$0x4480];
	v56 =	vperm.xlane v52, v61;
	v24 =	vmul.f32 v3, v1;
	v10 =	vadd.f32 v38, v62  }
0x221: {  	s22 =	simm.s32 $0x4000;
	s14 =	rddreg [dreg:$0x13];
	s20 =	smov.u32 s1;
	v38 =	vmul.f32 v58, v57;
	v57 =	vmovc v2;
	v11 =	vadd.f32 v53, v63;
	v53 =	vld [tilespmem:s21+$0x490];
	v32 =	vperm.xlane v46, v2  }
.LBB2_7:
0x222: {  	v43 =	vld [tilespmem:s21+$0x4490];
	v15 =	vmul.f32 v17, v15  }
0x223: {  	v45 =	vld [tilespmem:s21+$0x4510];
	v32 =	vadd.f32 v46, v32;
	v17 =	vmul.f32 v13, v12;
	v16 =	vmul.f32 v19, v16  }
0x224: {  	v12 =	vadd.f32 v51, v54;
	v19 =	vmul.f32 v21, v20;
	v20 =	vmul.f32 v23, v22  }
0x225: {  	v13 =	vadd.f32 v52, v56;
	v21 =	vld [tilespmem:s21+$0x44A0];
	v22 =	vmul.f32 v35, v33;
	v31 =	vmul.f32 v39, v31  }
0x226: {  	v62 =	vld [tilespmem:s21+$0x4520];
	v23 =	vadd.f32 v50, v55;
	v30 =	vmul.f32 v30, v34;
	v63 =	vmul.f32 v41, v42  }
0x227: {  	v47 =	vmul.f32 v47, v44;
	v50 =	vld [tilespmem:s21+$0x44B0];
	v29 =	vmul.f32 v29, v49;
	v17 =	vadd.f32 v17, v38  }
0x228: {  	v52 =	vld [tilespmem:s21+$0x4530];
	v51 =	vmul.f32 v43, v53;
	v53 =	vmul.f32 v45, v40;
	v16 =	vadd.f32 v19, v16  }
0x229: {  	v54 =	vld [tilespmem:s21+$0x45B0];
	v19 =	vadd.f32 v47, v63;
	v17 =	vadd.f32 v28, v17;
	v28 =	vmul.f32 v37, v36  }
0x22a: {  	v22 =	vadd.f32 v30, v22;
	v29 =	vadd.f32 v51, v29;
	v21 =	vmul.f32 v21, v25  }
0x22b: {  	v18 =	vmul.f32 v62, v18;
	v19 =	vadd.f32 v31, v19;
	v25 =	vadd.f32 v53, v28  }
0x22c: {  	v15 =	vadd.f32 v15, v22;
	v14 =	vmul.f32 v50, v14;
	v21 =	vadd.f32 v21, v29  }
0x22d: {  	v16 =	vadd.f32 v27, v16;
	v8 =	vmul.f32 v52, v8;
	v18 =	vadd.f32 v18, v25  }
0x22e: {  	v7 =	vmul.f32 v54, v0;
	v19 =	vadd.f32 v20, v19;
	v14 =	vadd.f32 v14, v21  }
0x22f: {  	v16 =	vadd.f32 v26, v16;
	v8 =	vadd.f32 v8, v18  }
0x230: {  	v7 =	vadd.f32 v7, v15;
	v20 =	vperm.xlane v19, v60;
	v21 =	vperm.xlane v14, v60  }
0x231: {  	v17 =	vadd.f32 v24, v17;
	v18 =	vperm.xlane v32, v61;
	v15 =	vperm.xlane v8, v60  }
0x232: {  	v19 =	vadd.f32 v19, v20;
	v20 =	vperm.xlane v7, v60;
	v14 =	vadd.f32 v14, v21  }
0x233: {  	v21 =	vperm.xlane v17, v60;
	v8 =	vadd.f32 v8, v15;
	v15 =	vperm.xlane v16, v60  }
0x234: {  	v22 =	vperm.xlane v19, v57;
	v7 =	vadd.f32 v7, v20;
	v24 =	vperm.xlane v14, v57  }
0x235: {  	v20 =	vperm.xlane v8, v57;
	v15 =	vadd.f32 v16, v15;
	v16 =	vadd.f32 v17, v21  }
0x236: {  	v17 =	vadd.f32 v19, v22;
	v19 =	vperm.xlane v7, v57;
	v14 =	vadd.f32 v14, v24  }
0x237: {  	v8 =	vadd.f32 v8, v20;
	v20 =	vperm.xlane v15, v57;
	v21 =	vperm.xlane v16, v57  }
0x238: {  	v22 =	vperm.xlane v17, v61;
	v7 =	vadd.f32 v7, v19;
	v24 =	vperm.xlane v14, v61  }
0x239: {  	v19 =	vperm.xlane v8, v61;
	v15 =	vadd.f32 v15, v20;
	v16 =	vadd.f32 v16, v21  }
0x23a: {  	v17 =	vadd.f32 v17, v22;
	v20 =	vperm.xlane v7, v61;
	v14 =	vadd.f32 v14, v24  }
0x23b: {  	v8 =	vadd.f32 v8, v19;
	v19 =	vperm.xlane v15, v61;
	v21 =	vperm.xlane v16, v61  }
0x23c: {  	v22 =	vperm.xlane v17, v48;
	v7 =	vadd.f32 v7, v20;
	v24 =	vperm.xlane v14, v48  }
0x23d: {  	v20 =	vperm.xlane v8, v48;
	v15 =	vadd.f32 v15, v19;
	v16 =	vadd.f32 v16, v21  }
0x23e: {  	v17 =	vadd.f32 v17, v22;
	v19 =	vperm.xlane v7, v48;
	v14 =	vadd.f32 v14, v24  }
0x23f: {  	v18 =	vadd.f32 v32, v18;
	v8 =	vadd.f32 v8, v20;
	v20 =	vperm.xlane v15, v48  }
0x240: {  	v7 =	vadd.f32 v7, v19;
	v14 =	vsel vm0, v17, v14;
	v17 =	vperm.xlane v16, v48  }
0x241: {  	v8 =	vsel vm1, v14, v8;
	v14 =	vadd.f32 v15, v20;
	v15 =	vperm.xlane v18, v48  }
0x242: {  	v7 =	vsel vm2, v8, v7;
	v8 =	vadd.f32 v16, v17;
	v16 =	vperm.xlane v23, v48  }
0x243: {  	v7 =	vsel vm3, v7, v14;
	v14 =	vadd.f32 v18, v15;
	v15 =	vperm.xlane v13, v48  }
0x244: {  	v7 =	vsel vm4, v7, v8;
	v8 =	vadd.f32 v23, v16;
	v16 =	vperm.xlane v12, v48  }
0x245: {  	v7 =	vsel vm5, v7, v14;
	v13 =	vadd.f32 v13, v15;
	v14 =	vperm.xlane v11, v48  }
0x246: {  	v7 =	vsel vm6, v7, v8;
	v8 =	vadd.f32 v12, v16;
	v12 =	vperm.xlane v10, v48  }
0x247: {  	v7 =	vsel vm7, v7, v13;
	v11 =	vadd.f32 v11, v14;
	v13 =	vperm.xlane v9, v48  }
0x248: {  	v7 =	vsel vm8, v7, v8;
	v8 =	vadd.f32 v10, v12;
	v10 =	vperm.xlane v6, v48  }
0x249: {  	v7 =	vsel vm9, v7, v11;
	v9 =	vadd.f32 v9, v13;
	v11 =	vperm.xlane v5, v48  }
0x24a: {  	v7 =	vsel vm10, v7, v8;
	v6 =	vadd.f32 v6, v10;
	v8 =	vperm.xlane v4, v48  }
0x24b: {  	v7 =	vsel vm11, v7, v9;
	v5 =	vadd.f32 v5, v11  }
0x24c: {  	v6 =	vsel vm12, v7, v6;
	v4 =	vadd.f32 v4, v8  }
0x24d: {  	v5 =	vsel vm13, v6, v5  }
0x24e: {  	s20 =	sadd.s32 $0x10, s20;
	v4 =	vsel vm14, v5, v4  }
0x24f: {  	s21 =	sshra.s32 s22, $0x2;
	[tilespmem:s20+$0x0] =	vst v4  }
0x250: {  	v17 =	vld [tilespmem:s21+$0xBB0]  }
0x251: {  	v27 =	vld [tilespmem:s21+$0x4BB0]  }
0x252: {  	v28 =	vld [tilespmem:s21+$0xB30]  }
0x253: {  	v29 =	vld [tilespmem:s21+$0x4B30]  }
0x254: {  	v16 =	vld [tilespmem:s21+$0xBA0]  }
0x255: {  	v19 =	vld [tilespmem:s21+$0x4BA0]  }
0x256: {  	v31 =	vld [tilespmem:s21+$0xAB0]  }
0x257: {  	v24 =	vld [tilespmem:s21+$0x4AB0]  }
0x258: {  	v32 =	vld [tilespmem:s21+$0xB20]  }
0x259: {  	v51 =	vld [tilespmem:s21+$0x4B20]  }
0x25a: {  	v57 =	vld [tilespmem:s21+$0xB80]  }
0x25b: {  	v59 =	vld [tilespmem:s21+$0x4B80]  }
0x25c: {  	v60 =	vld [tilespmem:s21+$0xB90]  }
0x25d: {  	v61 =	vld [tilespmem:s21+$0x4B90]  }
0x25e: {  	v21 =	vld [tilespmem:s21+$0xA30]  }
0x25f: {  	v20 =	vld [tilespmem:s21+$0x4A30]  }
0x260: {  	v38 =	vld [tilespmem:s21+$0xAA0]  }
0x261: {  	v43 =	vld [tilespmem:s21+$0x4AA0]  }
0x262: {  	v63 =	vld [tilespmem:s21+$0xB00]  }
0x263: {  	v14 =	vld [tilespmem:s21+$0x4B00]  }
0x264: {  	v13 =	vld [tilespmem:s21+$0xB10]  }
0x265: {  	v12 =	vld [tilespmem:s21+$0x4B10]  }
0x266: {  	v0 =	vld [tilespmem:s21+$0x9B0]  }
0x267: {  	v56 =	vld [tilespmem:s21+$0xA20]  }
0x268: {  	v58 =	vld [tilespmem:s21+$0x4A20]  }
0x269: {  	v10 =	vld [tilespmem:s21+$0xA80]  }
0x26a: {  	v8 =	vld [tilespmem:s21+$0x4A80]  }
0x26b: {  	v6 =	vld [tilespmem:s21+$0xA90]  }
0x26c: {  	v4 =	vld [tilespmem:s21+$0x4A90]  }
0x26d: {  	v45 =	vld [tilespmem:s21+$0x9A0]  }
0x26e: {  	v15 =	vld [tilespmem:s21+$0x49A0]  }
0x26f: {  	v3 =	vld [tilespmem:s21+$0xA00]  }
0x270: {  	v2 =	vld [tilespmem:s21+$0x4A00]  }
0x271: {  	v1 =	vld [tilespmem:s21+$0xA10]  }
0x272: {  	v5 =	vld [tilespmem:s21+$0x8B0]  }
0x273: {  	v26 =	vld [tilespmem:s21+$0x48B0]  }
0x274: {  	v30 =	vld [tilespmem:s21+$0x920]  }
0x275: {  	v25 =	vld [tilespmem:s21+$0x4920]  }
0x276: {  	v11 =	vld [tilespmem:s21+$0x980]  }
0x277: {  	v9 =	vld [tilespmem:s21+$0x4980]  }
0x278: {  	v7 =	vld [tilespmem:s21+$0x990]  }
0x279: {  	v18 =	vld [tilespmem:s21+$0x830]  }
0x27a: {  	[tilespmem:$0x1FCF0] =	vst v0;
	v0 =	vld [tilespmem:s21+$0x49B0]  }
0x27b: {  	v23 =	vld [tilespmem:s21+$0x8A0]  }
0x27c: {  	v40 =	vld [tilespmem:s21+$0x48A0]  }
0x27d: {  	v22 =	vld [tilespmem:s21+$0x900]  }
0x27e: {  	v39 =	vld [tilespmem:s21+$0x4900]  }
0x27f: {  	[tilespmem:$0x1FD00] =	vst v0;
	v0 =	vld [tilespmem:s21+$0x930]  }
0x280: {  	v41 =	vld [tilespmem:s21+$0x910]  }
0x281: {  	v44 =	vld [tilespmem:s21+$0x4910]  }
0x282: {  	v33 =	vld [tilespmem:s21+$0x820]  }
0x283: {  	v34 =	vld [tilespmem:s21+$0x4820]  }
0x284: {  	[tilespmem:$0x1FD10] =	vst v0;
	v0 =	vld [tilespmem:s21+$0x4930]  }
0x285: {  	v46 =	vld [tilespmem:s21+$0x880]  }
0x286: {  	v47 =	vld [tilespmem:s21+$0x4880]  }
0x287: {  	v49 =	vld [tilespmem:s21+$0x890]  }
0x288: {  	v50 =	vld [tilespmem:s21+$0x4890]  }
0x289: {  	[tilespmem:$0x1FD20] =	vst v0;
	v0 =	vld [tilespmem:s21+$0x4A10]  }
0x28a: {  	v35 =	vld [tilespmem:s21+$0x7A0]  }
0x28b: {  	v42 =	vld [tilespmem:s21+$0x47A0];
	v28 =	vmul.f32 v29, v28  }
0x28c: {  	v52 =	vld [tilespmem:s21+$0x800];
	v29 =	vmul.f32 v59, v57;
	v59 =	vmul.f32 v61, v60  }
0x28d: {  	v53 =	vld [tilespmem:s21+$0x4800];
	v51 =	vmul.f32 v51, v32;
	v14 =	vmul.f32 v14, v63  }
0x28e: {  	v54 =	vld [tilespmem:s21+$0x810];
	v2 =	vmul.f32 v2, v3;
	v0 =	vmul.f32 v0, v1  }
0x28f: {  	v55 =	vld [tilespmem:s21+$0x4810];
	v8 =	vmul.f32 v8, v10;
	v4 =	vmul.f32 v4, v6  }
0x290: {  	v36 =	vld [tilespmem:s21+$0x720];
	v12 =	vmul.f32 v12, v13;
	v0 =	vadd.f32 v0, v2;
	v2 =	vmul.f32 v58, v56  }
0x291: {  	[tilespmem:$0x1FD30] =	vst v5;
	v5 =	vld [tilespmem:s21+$0x4990];
	v16 =	vmul.f32 v19, v16;
	v13 =	vadd.f32 v59, v29;
	v3 =	vadd.f32 v4, v8  }
0x292: {  	v4 =	vmul.f32 v43, v38;
	v6 =	vadd.f32 v12, v14;
	v2 =	vadd.f32 v2, v0;
	v0 =	vld [tilespmem:$0x1FFD0]  }
0x293: {  	v37 =	vld [tilespmem:s21+$0x4720];
	v17 =	vmul.f32 v27, v17;
	v8 =	vmul.f32 v20, v21;
	v1 =	vadd.f32 v16, v13  }
0x294: {  	v62 =	vld [tilespmem:s21+$0x780];
	v3 =	vadd.f32 v4, v3;
	v6 =	vadd.f32 v51, v6  }
0x295: {  	v4 =	vmul.f32 v24, v31;
	v1 =	vadd.f32 v17, v1;
	v2 =	vadd.f32 v8, v2;
	v8 =	vld [tilespmem:$0x1FFD0]  }
0x296: {  	[tilespmem:$0x1FD40] =	vst v18;
	v18 =	vld [tilespmem:s21+$0x4830];
	v9 =	vmul.f32 v9, v11;
	v5 =	vmul.f32 v5, v7  }
0x297: {  	v27 =	vld [tilespmem:s21+$0x790];
	v3 =	vadd.f32 v4, v3;
	v4 =	vadd.f32 v28, v6;
	v6 =	vperm.xlane v1, v0  }
0x298: {  	v60 =	vld [tilespmem:s21+$0x4790]  }
0x299: {  	v57 =	vld [tilespmem:s21+$0x630];
	v5 =	vadd.f32 v5, v9;
	v1 =	vadd.f32 v1, v6;
	v6 =	vmul.f32 v15, v45  }
0x29a: {  	v10 =	vld [tilespmem:s21+$0x6A0];
	v8 =	vperm.xlane v4, v8  }
0x29b: {  	v5 =	vadd.f32 v6, v5;
	v6 =	vld [tilespmem:$0x1FCF0]  }
0x29c: {  	v4 =	vadd.f32 v4, v8;
	v8 =	vld [tilespmem:$0x1FD00]  }
0x29d: {  	v7 =	vld [tilespmem:$0x1FFD0]  }
0x29e: {  	[tilespmem:$0x1FD50] =	vst v18;
	v18 =	vld [tilespmem:s21+$0x7B0]  }
0x29f: {  	v9 =	vld [tilespmem:$0x1FFD0]  }
0x2a0: {  	v32 =	vld [tilespmem:s21+$0x46A0]  }
0x2a1: {  	v6 =	vmul.f32 v8, v6;
	v8 =	vld [tilespmem:$0x1FFE0]  }
0x2a2: {  	v63 =	vld [tilespmem:s21+$0x4680];
	v7 =	vperm.xlane v3, v7  }
0x2a3: {  	v25 =	vmul.f32 v25, v30;
	v30 =	vmul.f32 v40, v23;
	v23 =	vld [tilespmem:s21+$0x4430]  }
0x2a4: {  	[tilespmem:$0x1FD60] =	vst v18;
	v18 =	vld [tilespmem:s21+$0x47B0];
	v3 =	vadd.f32 v3, v7;
	v9 =	vperm.xlane v2, v9  }
0x2a5: {  	v7 =	vld [tilespmem:$0x1FFE0]  }
0x2a6: {  	v2 =	vadd.f32 v2, v9;
	v9 =	vperm.xlane v3, v8;
	v8 =	vld [tilespmem:$0x1FFE0]  }
0x2a7: {  	v40 =	vld [tilespmem:s21+$0x510]  }
0x2a8: {  	v29 =	vld [tilespmem:s21+$0x4630]  }
0x2a9: {  	v59 =	vld [tilespmem:s21+$0x700]  }
0x2aa: {  	[tilespmem:$0x1FD70] =	vst v18;
	v18 =	vld [tilespmem:s21+$0x730]  }
0x2ab: {  	v38 =	vld [tilespmem:s21+$0x620];
	v7 =	vperm.xlane v1, v7;
	v11 =	vperm.xlane v4, v8  }
0x2ac: {  	v43 =	vld [tilespmem:s21+$0x4620]  }
0x2ad: {  	v1 =	vadd.f32 v1, v7;
	v7 =	vadd.f32 v4, v11;
	v4 =	vld [tilespmem:$0x1FFD0]  }
0x2ae: {  	v12 =	vld [tilespmem:s21+$0x690]  }
0x2af: {  	[tilespmem:$0x1FD80] =	vst v18;
	v18 =	vld [tilespmem:s21+$0x4730]  }
0x2b0: {  	v5 =	vadd.f32 v6, v5;
	v6 =	vld [tilespmem:$0x1FFE0]  }
0x2b1: {  	v20 =	vld [tilespmem:s21+$0x610]  }
0x2b2: {  	v21 =	vld [tilespmem:s21+$0x4610];
	v4 =	vperm.xlane v5, v4  }
0x2b3: {  	v24 =	vld [tilespmem:s21+$0x710]  }
0x2b4: {  	v51 =	vadd.f32 v5, v4;
	v4 =	vld [tilespmem:$0x1FFF0]  }
0x2b5: {  	[tilespmem:$0x1FD90] =	vst v18;
	v18 =	vld [tilespmem:s21+$0x6B0];
	v6 =	vperm.xlane v2, v6  }
0x2b6: {  	v31 =	vld [tilespmem:s21+$0x4710]  }
0x2b7: {  	v14 =	vld [tilespmem:$0x1FD10];
	v2 =	vadd.f32 v2, v6  }
0x2b8: {  	v19 =	vld [tilespmem:$0x1FD20]  }
0x2b9: {  	v58 =	vperm.xlane v2, v4;
	v4 =	vld [tilespmem:$0x1FD30]  }
0x2ba: {  	[tilespmem:$0x1FDA0] =	vst v18;
	v18 =	vld [tilespmem:s21+$0x46B0]  }
0x2bb: {  	v11 =	vld [tilespmem:$0x1FFF0]  }
0x2bc: {  	v6 =	vld [tilespmem:$0x1FFF0]  }
0x2bd: {  	v3 =	vadd.f32 v3, v9;
	v9 =	vld [tilespmem:$0x1FFF0]  }
0x2be: {  	v26 =	vmul.f32 v26, v4;
	v4 =	vld [tilespmem:$0x1FFE0]  }
0x2bf: {  	v27 =	vmul.f32 v60, v27;
	v60 =	vld [tilespmem:$0x1FFD0]  }
0x2c0: {  	v24 =	vmul.f32 v31, v24;
	[tilespmem:$0x1FDB0] =	vst v18;
	v18 =	vld [tilespmem:s21+$0x4780];
	v11 =	vperm.xlane v7, v11  }
0x2c1: {  	v31 =	vld [tilespmem:s21+$0x420];
	v28 =	vmul.f32 v19, v14;
	v6 =	vperm.xlane v1, v6  }
0x2c2: {  	v13 =	vld [tilespmem:s21+$0x4690];
	v14 =	vmul.f32 v44, v41;
	v9 =	vperm.xlane v3, v9;
	v5 =	vadd.f32 v7, v11  }
0x2c3: {  	v16 =	vld [tilespmem:s21+$0x600];
	v7 =	vmul.f32 v47, v46;
	v61 =	vperm.xlane v51, v4;
	v4 =	vadd.f32 v1, v6  }
0x2c4: {  	v19 =	vld [tilespmem:s21+$0x4600];
	v6 =	vadd.f32 v3, v9;
	v3 =	vmul.f32 v53, v52;
	v9 =	vmul.f32 v55, v54  }
0x2c5: {  	v41 =	vld [tilespmem:s21+$0x4400];
	v11 =	vmul.f32 v50, v49;
	v55 =	vmul.f32 v18, v62  }
0x2c6: {  	v44 =	vld [tilespmem:s21+$0x410];
	v1 =	vmul.f32 v39, v22;
	v3 =	vadd.f32 v9, v3;
	v9 =	vmul.f32 v34, v33  }
0x2c7: {  	v7 =	vadd.f32 v11, v7;
	v11 =	vadd.f32 v27, v55;
	v27 =	vld [tilespmem:$0x1FD50]  }
0x2c8: {  	v1 =	vadd.f32 v14, v1;
	v3 =	vadd.f32 v9, v3;
	v9 =	vld [tilespmem:$0x1FD40]  }
0x2c9: {  	v56 =	vld [tilespmem:s21+$0x4700]  }
0x2ca: {  	v17 =	vld [tilespmem:s21+$0x45A0];
	v1 =	vadd.f32 v25, v1;
	v25 =	vmul.f32 v42, v35  }
0x2cb: {  	v0 =	vld [tilespmem:s21+$0x5B0]  }
0x2cc: {  	v11 =	vadd.f32 v25, v11;
	v25 =	vld [tilespmem:$0x1FD60]  }
0x2cd: {  	v9 =	vmul.f32 v27, v9;
	v27 =	vld [tilespmem:$0x1FD70]  }
0x2ce: {  	v45 =	vld [tilespmem:s21+$0x680]  }
0x2cf: {  	v15 =	vld [tilespmem:s21+$0x5A0];
	v7 =	vadd.f32 v30, v7  }
0x2d0: {  	v8 =	vld [tilespmem:s21+$0x530]  }
0x2d1: {  	v47 =	vld [tilespmem:s21+$0x4410];
	v7 =	vadd.f32 v26, v7;
	v26 =	vmul.f32 v56, v59  }
0x2d2: {  	v49 =	vld [tilespmem:s21+$0x480];
	v25 =	vmul.f32 v27, v25  }
0x2d3: {  	v30 =	vld [tilespmem:s21+$0x4590];
	v24 =	vadd.f32 v24, v26;
	v26 =	vmul.f32 v37, v36  }
0x2d4: {  	v36 =	vld [tilespmem:s21+$0x500];
	v3 =	vadd.f32 v9, v3;
	v9 =	vadd.f32 v25, v11;
	v11 =	vperm.xlane v7, v60  }
0x2d5: {  	v37 =	vld [tilespmem:s21+$0x4500]  }
0x2d6: {  	v7 =	vadd.f32 v7, v11;
	v11 =	vadd.f32 v26, v24;
	v24 =	vld [tilespmem:$0x1FD80]  }
0x2d7: {  	v26 =	vld [tilespmem:$0x1FD90]  }
0x2d8: {  	v22 =	vld [tilespmem:s21+$0x430];
	v1 =	vadd.f32 v28, v1  }
0x2d9: {  	v18 =	vld [tilespmem:s21+$0x520];
	v28 =	vperm.xlane v3, v60  }
0x2da: {  	v39 =	vld [tilespmem:s21+$0x4420];
	v27 =	vperm.xlane v1, v60  }
0x2db: {  	v3 =	vadd.f32 v3, v28;
	v28 =	vld [tilespmem:$0x1FFE0]  }
0x2dc: {  	v1 =	vadd.f32 v1, v27;
	v27 =	vld [tilespmem:$0x1FFE0];
	v24 =	vmul.f32 v26, v24  }
0x2dd: {  	v59 =	vperm.xlane v9, v60;
	v26 =	vld [tilespmem:$0x1FFE0]  }
0x2de: {  	v11 =	vadd.f32 v24, v11;
	v24 =	vld [tilespmem:$0x1FFE0]  }
0x2df: {  	v14 =	vld [tilespmem:s21+$0x4B0];
	v9 =	vadd.f32 v9, v59  }
0x2e0: {  	v33 =	vld [tilespmem:s21+$0x580]  }
0x2e1: {  	v34 =	vld [tilespmem:s21+$0x590];
	v28 =	vperm.xlane v9, v28  }
0x2e2: {  	v53 =	vadd.f32 v51, v61;
	v61 =	vld [tilespmem:$0x1FFF0];
	v27 =	vperm.xlane v1, v27;
	v26 =	vperm.xlane v7, v26  }
0x2e3: {  	v50 =	vadd.f32 v9, v28;
	v9 =	vld [tilespmem:$0x1FDA0];
	v24 =	vperm.xlane v3, v24  }
0x2e4: {  	v1 =	vadd.f32 v1, v27;
	v51 =	vadd.f32 v7, v26;
	v26 =	vmul.f32 v29, v57;
	v57 =	vld [tilespmem:$0x1FFE0]  }
0x2e5: {  	p0 =	sne.s32 s22, $0xE000;
	v27 =	vmul.f32 v43, v38;
	v38 =	vmul.f32 v63, v45;
	v52 =	vadd.f32 v3, v24;
	v24 =	vld [tilespmem:$0x1FDB0]  }
.Ltmp2:
0x2e6: {  	v35 =	vld [tilespmem:s21+$0x4580];
	v28 =	vmul.f32 v32, v10;
	v7 =	vperm.xlane v11, v60;
	(pc) =	sbr.rel @p0 .LBB2_7-.Ltmp2, $4  }
0x2e7: {  	v42 =	vld [tilespmem:s21+$0x400];
	v62 =	vperm.xlane v1, v61;
	v3 =	vperm.xlane v53, v61  }
0x2e8: {  	v25 =	vld [tilespmem:s21+$0x4A0];
	v55 =	vperm.xlane v50, v61;
	v54 =	vperm.xlane v51, v61;
	v46 =	vadd.f32 v11, v7  }
0x2e9: {  	v29 =	vld [tilespmem:s21+$0x4480];
	v11 =	vadd.f32 v1, v62;
	v56 =	vperm.xlane v52, v61;
	v10 =	vadd.f32 v53, v3  }
0x2ea: {  	s22 =	sadd.s32 $0x2000, s22;
	v53 =	vld [tilespmem:s21+$0x490];
	v32 =	vperm.xlane v46, v57;
	v24 =	vmul.f32 v24, v9;
	v9 =	vadd.f32 v2, v58  }
0x2eb: {  	v2 =	vmul.f32 v17, v15  }
0x2ec: {  	v1 =	vld [tilespmem:s21+$0x4490];
	v3 =	vmul.f32 v13, v12;
	v13 =	vmul.f32 v19, v16  }
0x2ed: {  	v7 =	vadd.f32 v51, v54;
	v58 =	vld [tilespmem:s21+$0x4510];
	v59 =	vmul.f32 v21, v20;
	v62 =	vmul.f32 v23, v22  }
0x2ee: {  	v16 =	vadd.f32 v52, v56;
	v63 =	vld [tilespmem:s21+$0x44A0];
	v43 =	vmul.f32 v35, v33;
	v45 =	vmul.f32 v39, v31  }
0x2ef: {  	v21 =	vadd.f32 v50, v55;
	v50 =	vld [tilespmem:s21+$0x4520];
	v30 =	vmul.f32 v30, v34;
	v52 =	vmul.f32 v47, v44  }
0x2f0: {  	v54 =	vld [tilespmem:s21+$0x44B0];
	v56 =	vmul.f32 v37, v36;
	v51 =	vmul.f32 v41, v42;
	v32 =	vadd.f32 v46, v32  }
0x2f1: {  	v55 =	vld [tilespmem:s21+$0x4530];
	v3 =	vadd.f32 v3, v38;
	v29 =	vmul.f32 v29, v49;
	v1 =	vmul.f32 v1, v53  }
0x2f2: {  	v13 =	vadd.f32 v59, v13;
	v20 =	vadd.f32 v30, v43;
	v12 =	vmul.f32 v58, v40;
	v58 =	vld [tilespmem:s21+$0x45B0]  }
0x2f3: {  	v59 =	vadd.f32 v52, v51;
	v19 =	vmul.f32 v63, v25;
	v1 =	vadd.f32 v1, v29  }
0x2f4: {  	v3 =	vadd.f32 v28, v3;
	v18 =	vmul.f32 v50, v18;
	v12 =	vadd.f32 v12, v56  }
0x2f5: {  	v15 =	vadd.f32 v45, v59;
	v14 =	vmul.f32 v54, v14;
	v1 =	vadd.f32 v19, v1  }
0x2f6: {  	v2 =	vadd.f32 v2, v20;
	v8 =	vmul.f32 v55, v8;
	v12 =	vadd.f32 v18, v12  }
0x2f7: {  	v15 =	vadd.f32 v62, v15;
	v0 =	vmul.f32 v58, v0;
	v1 =	vadd.f32 v14, v1  }
0x2f8: {  	v63 =	vperm.xlane v32, v61;
	v62 =	vadd.f32 v27, v13;
	v8 =	vadd.f32 v8, v12  }
0x2f9: {  	v20 =	vperm.xlane v15, v60;
	v0 =	vadd.f32 v0, v2;
	v22 =	vperm.xlane v1, v60  }
0x2fa: {  	v3 =	vadd.f32 v24, v3;
	v12 =	vadd.f32 v26, v62;
	v23 =	vperm.xlane v8, v60  }
0x2fb: {  	v14 =	vadd.f32 v15, v20;
	v24 =	vperm.xlane v0, v60;
	v1 =	vadd.f32 v1, v22  }
0x2fc: {  	v26 =	vperm.xlane v3, v60;
	v25 =	vperm.xlane v12, v60;
	v2 =	vadd.f32 v8, v23  }
0x2fd: {  	v27 =	vperm.xlane v14, v57;
	v0 =	vadd.f32 v0, v24;
	v28 =	vperm.xlane v1, v57  }
0x2fe: {  	v3 =	vadd.f32 v3, v26;
	v8 =	vadd.f32 v12, v25;
	v29 =	vperm.xlane v2, v57  }
0x2ff: {  	v30 =	vadd.f32 v14, v27;
	v31 =	vperm.xlane v0, v57;
	v1 =	vadd.f32 v1, v28  }
0x300: {  	v17 =	vperm.xlane v3, v57;
	v33 =	vperm.xlane v8, v57;
	v2 =	vadd.f32 v2, v29  }
0x301: {  	v18 =	vperm.xlane v30, v61;
	v0 =	vadd.f32 v0, v31;
	v19 =	vperm.xlane v1, v61  }
0x302: {  	v3 =	vadd.f32 v3, v17;
	v8 =	vadd.f32 v8, v33;
	v34 =	vperm.xlane v2, v61  }
0x303: {  	v12 =	vadd.f32 v30, v18;
	v35 =	vperm.xlane v0, v61;
	v1 =	vadd.f32 v1, v19  }
0x304: {  	v17 =	vperm.xlane v3, v61;
	v36 =	vperm.xlane v8, v61;
	v2 =	vadd.f32 v2, v34  }
0x305: {  	v18 =	vperm.xlane v12, v48;
	v0 =	vadd.f32 v0, v35;
	v19 =	vperm.xlane v1, v48  }
0x306: {  	v3 =	vadd.f32 v3, v17;
	v8 =	vadd.f32 v8, v36;
	v37 =	vperm.xlane v2, v48  }
0x307: {  	v12 =	vadd.f32 v12, v18;
	v38 =	vperm.xlane v0, v48;
	v1 =	vadd.f32 v1, v19  }
0x308: {  	v13 =	vadd.f32 v32, v63;
	v39 =	vperm.xlane v8, v48;
	v2 =	vadd.f32 v2, v37  }
0x309: {  	v40 =	vperm.xlane v3, v48;
	v0 =	vadd.f32 v0, v38;
	v1 =	vsel vm0, v12, v1  }
0x30a: {  	v42 =	vperm.xlane v13, v48;
	v41 =	vadd.f32 v8, v39;
	v1 =	vsel vm1, v1, v2  }
0x30b: {  	v44 =	vperm.xlane v21, v48;
	v43 =	vadd.f32 v3, v40;
	v0 =	vsel vm2, v1, v0  }
0x30c: {  	v46 =	vperm.xlane v16, v48;
	v45 =	vadd.f32 v13, v42;
	v0 =	vsel vm3, v0, v41  }
0x30d: {  	v49 =	vperm.xlane v7, v48;
	v47 =	vadd.f32 v21, v44;
	v0 =	vsel vm4, v0, v43  }
0x30e: {  	v51 =	vperm.xlane v11, v48;
	v50 =	vadd.f32 v16, v46;
	v0 =	vsel vm5, v0, v45  }
0x30f: {  	v52 =	vadd.f32 v7, v49;
	v53 =	vperm.xlane v10, v48;
	v0 =	vsel vm6, v0, v47  }
0x310: {  	v54 =	vadd.f32 v11, v51;
	v55 =	vperm.xlane v9, v48;
	v0 =	vsel vm7, v0, v50  }
0x311: {  	s2 =	rddreg [dreg:$0x14];
	v56 =	vadd.f32 v10, v53;
	v57 =	vperm.xlane v6, v48;
	v0 =	vsel vm8, v0, v52  }
0x312: {  	s2 =	sadd.s32 $0x1, s2;
	v59 =	vperm.xlane v5, v48;
	v58 =	vadd.f32 v9, v55;
	v0 =	vsel vm9, v0, v54  }
0x313: {  	p0 =	sne.s32 s2, $0x4;
	v60 =	vadd.f32 v6, v57;
	v61 =	vperm.xlane v4, v48;
	v0 =	vsel vm10, v0, v56  }
.Ltmp3:
0x314: {  	v62 =	vadd.f32 v5, v59;
	v0 =	vsel vm11, v0, v58;
	(pc) =	sbr.rel @p0 .LBB2_2-.Ltmp3, $4  }
0x315: {  	v63 =	vadd.f32 v4, v61;
	v0 =	vsel vm12, v0, v60  }
0x316: {  	v0 =	vsel vm13, v0, v62  }
0x317: {  	s0 =	sadd.s32 $0x10, s20;
	v0 =	vsel vm14, v0, v63  }
0x318: {  	s13 =	sadd.s32 $0x80, s13;
	s14 =	sadd.s32 $0x80, s14;
	s1 =	sadd.s32 $0x80, s1;
	[tilespmem:s0+$0x0] =	vst v0  }
0x319: {  	s0 =	rddreg [dreg:$0xe]  }
0x31a: {  	s1 =	simm.s32 $0x80;
	s2 =	simm.s32 $0x400;
	s3 =	simm.s32 $0x8400  }
0x31b: {  	[hbm4b:s0+s1] =	stream.strided.scatter [tilespmem:s3], [sflag:$0x3], $0x200, s2, s1, $0x38;
	[tilespmem:$0x8600] =	vst v63  }
0x31c: {  	s3 =	simm.s32 $0x3  }
0x31d: {  	_ =	swait.ge [sflag:s3], $0x200  }
0x31e: {  	s4 =	rddreg [dreg:$0x10]  }
0x31f: {  	s31 =	rddreg [dreg:$0xf];
	s4 =	sadd.s32 $0x1, s4  }
0x320: {  	p0 =	sne.s32 s4, s31  }
.Ltmp4:
0x321: {  	_ = 	snop;
	(pc) =	sbr.rel @p0 .LBB2_1-.Ltmp4, $3  }
0x322: {  	_ =	sdelay $0x1  }
0x323: {  	[sflag:s3] =	ssyncset.done $0x0  }
0x324: {  	[sflag:s3] =	ssyncadd.s32 $0xFFFFFE00  }
0x325: {  	_ =	sfence.sel $0x180000  }
0x326: {  	[bflag:$0x0] =	sbarrier.arrive $0xFFFF  }
0x327: {  	_ =	strace $0x90000047  }
0x328: {  	s0 =	stileid.u32;
	[bflag:$0x2] =	sbarrier.arrive $0xFFFF  }
0x329: {  	p0 =	sne.s32 s0, $0x0;
	s0 =	rddreg [dreg:$0x2]  }
0x32a: {  	s0 =	sadd.s32 @!p0 $0x100000, s0  }
0x32b: {  	[sflag:s0] =	ssyncadd.tile.s32 @!p0 $0x1;
	_ =	shalt  }
.Lfunc_end2:
_tile_overlayer_lowered:
.L_overlay_start_2:
0x32c: {  	(tag) =	ssettag $0x2  }
0x32d: {  	s0 =	rddreg [dreg:$0x0];
	s2 =	stileid.u32  }
0x32e: {  	s1 =	rddreg [dreg:$0x1];
	p0 =	sne.s32 s2, $0x0  }
0x32f: {  	s3 =	rddreg [dreg:$0x2];
	[bflag:$0x3] =	sbarrier.arrive $0xFFFF;
	s2 =	simm.s32 @!p0 $0x1C03  }
0x330: {  	[timem:s3], [sflag:s2] =	dma.local @!p0 [hbm:s0], s1  }
0x331: {  	s0 =	simm.s32 @!p0 $0x3  }
0x332: {  	_ =	swait.ge @!p0 [sflag:s0], s1  }
0x333: {  	s1 =	ssub.s32 @!p0 $0x0, s1;
	[sflag:s0] =	ssyncset.done @!p0 $0x0  }
0x334: {  	[sflag:s0] =	ssyncadd.s32 @!p0 s1  }
0x335: {  	[bflag:$0x3] =	sbarrier.arrive $0xFFFF  }
0x336: {  	_ =	shalt  }

</sc_bundles>
